<compile_context>
chip_gen: v7x
topology: tpu7x:2x2x1
jax: 0.10.2.dev20260603
libtpu: 0.0.44.dev20260713+nightly
codegen_flags: <defaults>
</compile_context>

<pallas_src>
import functools

import jax
import jax.numpy as jnp
from jax import lax
from jax.experimental import pallas as pl
from jax.experimental.pallas import tpu as pltpu
from jax.experimental.pallas import tpu_sc as plsc

_N = 10000
_D = 128
_E = 320000
_NP = 10112
_NC = 2
_NS = 16
_CH = 128
_NCH0 = 128
_NCH1 = 32
_BLK = 64
_NCHT = _NS * (_NCH0 + _NCH1)
_RPT = _NP // _NS
_BM = 1264



def _mm_body(x_ref, w_ref, o_ref):
    o_ref[...] = jnp.dot(x_ref[...], w_ref[...],
                         preferred_element_type=jnp.float32)


def _matmul(x, w):
    return pl.pallas_call(
        _mm_body,
        grid=(_NP // _BM,),
        in_specs=[pl.BlockSpec((_BM, _D), lambda i: (i, 0)),
                  pl.BlockSpec((_D, _D), lambda i: (0, 0))],
        out_specs=pl.BlockSpec((_BM, _D), lambda i: (i, 0)),
        out_shape=jax.ShapeDtypeStruct((_NP, _D), jnp.float32),
    )(x, w)


def _fuse_body(p_ref, b_ref, w_ref, o_ref):
    i = pl.program_id(0)
    row = i * _BM + lax.broadcasted_iota(jnp.int32, (_BM, 1), 0)
    x = jnp.maximum(p_ref[0] + p_ref[1] + b_ref[...], 0.0)
    x = jnp.where(row < _N, x, 0.0)
    o_ref[...] = jnp.dot(x, w_ref[...], preferred_element_type=jnp.float32)


def _fused_relu_mm(p, b, w):
    return pl.pallas_call(
        _fuse_body,
        grid=(_NP // _BM,),
        in_specs=[pl.BlockSpec((2, _BM, _D), lambda i: (0, i, 0)),
                  pl.BlockSpec((1, _D), lambda i: (0, 0)),
                  pl.BlockSpec((_D, _D), lambda i: (0, 0))],
        out_specs=pl.BlockSpec((_BM, _D), lambda i: (i, 0)),
        out_shape=jax.ShapeDtypeStruct((_NP, _D), jnp.float32),
    )(p, b, w)


def _final_body(q_ref, b_ref, o_ref):
    o_ref[...] = q_ref[0] + q_ref[1] + b_ref[...]


def _final_add(q, b):
    return pl.pallas_call(
        _final_body,
        grid=(_NP // _BM,),
        in_specs=[pl.BlockSpec((2, _BM, _D), lambda i: (0, i, 0)),
                  pl.BlockSpec((1, _D), lambda i: (0, 0))],
        out_specs=pl.BlockSpec((_BM, _D), lambda i: (i, 0)),
        out_shape=jax.ShapeDtypeStruct((_NP, _D), jnp.float32),
    )(q, b)



def _seg_body(h_hbm, e_hbm, out_hbm,
              idx_v, rows0, rows1, acc, rsem0, rsem1):
    c = lax.axis_index("c")
    s = lax.axis_index("s")
    rows = (rows0, rows1)
    rsem = (rsem0, rsem1)

    z = jnp.zeros((16,), jnp.float32)

    def zrow(i, carry):
        for j in range(_D // 16):
            rows0[i, pl.ds(j * 16, 16)] = z
        return carry

    lax.fori_loop(0, _CH, zrow, 0)
    abase = s * _RPT
    nfull = _RPT // _CH
    for k in range(nfull):
        pltpu.sync_copy(rows0, acc.at[pl.ds(abase + k * _CH, _CH)])
    rem = _RPT - nfull * _CH
    pltpu.sync_copy(rows0.at[pl.ds(0, rem)],
                    acc.at[pl.ds(abase + nfull * _CH, rem)])

    def run_block(cb, nblk):
        pltpu.sync_copy(e_hbm.at[pl.ds(cb, nblk)], idx_v.at[pl.ds(0, nblk)])

        def gstart(i, b):
            pltpu.make_async_copy(h_hbm.at[idx_v.at[i, 0]], rows[b],
                                  rsem[b]).start()

        def gwait_scatter(i, b):
            pltpu.make_async_copy(h_hbm.at[idx_v.at[i, 0]], rows[b],
                                  rsem[b]).wait()
            pltpu.sync_copy(rows[b], acc.at[idx_v.at[i, 1]], add=True)

        gstart(0, 0)

        def pair(p_, carry):
            i = 2 * p_
            gstart(i + 1, 1)
            gwait_scatter(i, 0)
            gstart(i + 2, 0)
            gwait_scatter(i + 1, 1)
            return carry

        lax.fori_loop(0, nblk // 2 - 1, pair, 0)
        i = nblk - 2
        gstart(i + 1, 1)
        gwait_scatter(i, 0)
        gwait_scatter(i + 1, 1)

    plsc.subcore_barrier()

    @pl.when(c == 0)
    def _():
        run_block(s * _NCH0, _BLK)
        run_block(s * _NCH0 + _BLK, _NCH0 - _BLK)

    @pl.when(c == 1)
    def _():
        run_block(_NS * _NCH0 + s * _NCH1, _NCH1)

    plsc.subcore_barrier()

    pltpu.sync_copy(acc.at[pl.ds(abase, _RPT)],
                    out_hbm.at[c, pl.ds(abase, _RPT)])


@functools.partial(
    pl.kernel,
    out_type=jax.ShapeDtypeStruct((_NC, _NP, _D), jnp.float32),
    mesh=plsc.VectorSubcoreMesh(core_axis_name="c", subcore_axis_name="s"),
    scratch_types=[
        pltpu.VMEM((_BLK, 2, _CH), jnp.int32),
        pltpu.VMEM((_CH, _D), jnp.float32),
        pltpu.VMEM((_CH, _D), jnp.float32),
        pltpu.VMEM_SHARED((_NP, _D), jnp.float32),
        pltpu.SemaphoreType.DMA,
        pltpu.SemaphoreType.DMA,
    ],
)
def _seg_partial(h_hbm, e_hbm, out_hbm,
                 idx_v, rows0, rows1, acc, rsem0, rsem1):
    _seg_body(h_hbm, e_hbm, out_hbm,
              idx_v, rows0, rows1, acc, rsem0, rsem1)



def kernel(v0, edge_index, W1, b1, W2, b2):
    npad = _NCHT * _CH - _E
    src = jnp.concatenate(
        [edge_index[0].astype(jnp.int32), jnp.full((npad,), _N, jnp.int32)])
    dst = jnp.concatenate(
        [edge_index[1].astype(jnp.int32), jnp.full((npad,), _N, jnp.int32)])
    e = jnp.stack([src.reshape(_NCHT, _CH),
                   dst.reshape(_NCHT, _CH)], axis=1)
    v0p = jnp.pad(v0.astype(jnp.float32), ((0, _NP - _N), (0, 0)))
    b1r = b1.reshape(1, _D).astype(jnp.float32)
    b2r = b2.reshape(1, _D).astype(jnp.float32)

    h1 = _matmul(v0p, W1)
    p = _seg_partial(h1, e)
    h2 = _fused_relu_mm(p, b1r, W2)
    q = _seg_partial(h2, e)
    return _final_add(q, b2r)[:_N]

# --- scband reference (transcript-rebuilt; emitter-appended) ---
"""Pipeline reference for scband-symmetry-breaking-gnn-19928648254206 (READ-ONLY COPY).

The authoritative reference and input builder live on the scoring server;
editing this copy changes nothing except your own understanding.
"""

import jax, jax.numpy as jnp
import numpy as np

N = 10000
E = 320000
D_IN = 128
D_HID = 128


def setup_inputs(seed: int = 0) -> dict:
    key = jax.random.key(seed)
    k1, k2, k3, k4, k5, k6 = jax.random.split(key, 6)
    v0 = jax.random.normal(k1, (N, D_IN), dtype=jnp.float32)
    edge_index = jax.random.randint(k2, (2, E), 0, N, dtype=jnp.int64)
    W1 = jax.random.normal(k3, (D_IN, D_HID), dtype=jnp.float32) * (1.0 / np.sqrt(D_IN))
    b1 = jnp.zeros((D_HID,), dtype=jnp.float32)
    W2 = jax.random.normal(k4, (D_HID, D_HID), dtype=jnp.float32) * (1.0 / np.sqrt(D_HID))
    b2 = jnp.zeros((D_HID,), dtype=jnp.float32)
    return {"v0": v0, "edge_index": edge_index, "W1": W1, "b1": b1, "W2": W2, "b2": b2}


def _gcn_conv(x, edge_index, W, b):
    # GCNConv with normalize=False: linear transform then sum-aggregate over edges.
    h = x @ W
    src = edge_index[0]
    dst = edge_index[1]
    msgs = jnp.take(h, src, axis=0)
    agg = jax.ops.segment_sum(msgs, dst, num_segments=N)
    return agg + b


def reference(v0, edge_index, W1, b1, W2, b2):
    x = jax.nn.relu(_gcn_conv(v0, edge_index, W1, b1))
    out = _gcn_conv(x, edge_index, W2, b2)
    return out

if __name__ == "__main__":
    import jax
    _d = setup_inputs()
    print(jax.jit(kernel)(*tuple(_d.values())))

</pallas_src>

<mosaic_0001>
#map = affine_map<(d0, d1) -> (0, 0)>
#map1 = affine_map<(d0, d1) -> (0, 0, 0)>
module attributes {stable_mosaic.version = 14 : i64} {
  func.func @_seg_partial(%arg0: i32, %arg1: i32, %arg2: memref<10112x128xf32, #tpu.memory_space<hbm>>, %arg3: memref<2560x2x128xi32, #tpu.memory_space<hbm>>, %arg4: memref<2x10112x128xf32, #tpu.memory_space<hbm>>, %arg5: memref<64x2x128xi32, #tpu.memory_space<vmem>>, %arg6: memref<128x128xf32, #tpu.memory_space<vmem>>, %arg7: memref<128x128xf32, #tpu.memory_space<vmem>>, %arg8: memref<10112x128xf32, #tpu.memory_space<vmem_shared>>, %arg9: memref<!tpu.dma_semaphore, #tpu.memory_space<semaphore_mem>>, %arg10: memref<!tpu.dma_semaphore, #tpu.memory_space<semaphore_mem>>) attributes {dimension_semantics = [#tpu.dimension_semantics<core_parallel>, #tpu.dimension_semantics<subcore_parallel>], iteration_bounds = array<i64: 2, 16>, scalar_prefetch = 0 : i64, scratch_operands = 6 : i64, tpu.core_type = #tpu.core_type<sc_vector_subcore>, window_params = [{transform_indices = #map}, {transform_indices = #map1}, {transform_indices = #map1}]} {
    %broadcast_in_dim3A = arith.constant 0.000000e+00 : f32
    %broadcast_in_dim3A_0 = vector.broadcast %broadcast_in_dim3A : f32 to vector<16xf32>
    %scan3A = arith.constant 0 : i32
    %scan3A_1 = arith.constant 0 : i32
    %scan3A_2 = arith.constant 128 : i32
    %scan3A_3 = arith.addi %scan3A_1, %scan3A_2 : i32
    %scan3A_4 = arith.constant 1 : i32
    scf.for %scan3A_24 = %scan3A_1 to %scan3A_3 step %scan3A_4  : i32 {
      %swap3A = arith.index_cast %scan3A_24 : i32 to index
      %swap3A_25 = arith.constant 0 : index
      %swap3A_26 = tpu.vector_load %arg6[%swap3A, %swap3A_25] {strides = array<i32>} : memref<128x128xf32, #tpu.memory_space<vmem>>, vector<1x16xf32>,
      %swap3A_27 = vector.shape_cast %swap3A_26 : vector<1x16xf32> to vector<16xf32>
      %swap3A_28 = vector.shape_cast %broadcast_in_dim3A_0 : vector<16xf32> to vector<1x16xf32>
      tpu.vector_store %arg6[%swap3A, %swap3A_25], %swap3A_28 {strides = array<i32>} : memref<128x128xf32, #tpu.memory_space<vmem>>, vector<1x16xf32>,
      %swap3A_29 = arith.index_cast %scan3A_24 : i32 to index
      %swap3A_30 = arith.constant 16 : index
      %swap3A_31 = tpu.vector_load %arg6[%swap3A_29, %swap3A_30] {strides = array<i32>} : memref<128x128xf32, #tpu.memory_space<vmem>>, vector<1x16xf32>,
      %swap3A_32 = vector.shape_cast %swap3A_31 : vector<1x16xf32> to vector<16xf32>
      %swap3A_33 = vector.shape_cast %broadcast_in_dim3A_0 : vector<16xf32> to vector<1x16xf32>
      tpu.vector_store %arg6[%swap3A_29, %swap3A_30], %swap3A_33 {strides = array<i32>} : memref<128x128xf32, #tpu.memory_space<vmem>>, vector<1x16xf32>,
      %swap3A_34 = arith.index_cast %scan3A_24 : i32 to index
      %swap3A_35 = arith.constant 32 : index
      %swap3A_36 = tpu.vector_load %arg6[%swap3A_34, %swap3A_35] {strides = array<i32>} : memref<128x128xf32, #tpu.memory_space<vmem>>, vector<1x16xf32>,
      %swap3A_37 = vector.shape_cast %swap3A_36 : vector<1x16xf32> to vector<16xf32>
      %swap3A_38 = vector.shape_cast %broadcast_in_dim3A_0 : vector<16xf32> to vector<1x16xf32>
      tpu.vector_store %arg6[%swap3A_34, %swap3A_35], %swap3A_38 {strides = array<i32>} : memref<128x128xf32, #tpu.memory_space<vmem>>, vector<1x16xf32>,
      %swap3A_39 = arith.index_cast %scan3A_24 : i32 to index
      %swap3A_40 = arith.constant 48 : index
      %swap3A_41 = tpu.vector_load %arg6[%swap3A_39, %swap3A_40] {strides = array<i32>} : memref<128x128xf32, #tpu.memory_space<vmem>>, vector<1x16xf32>,
      %swap3A_42 = vector.shape_cast %swap3A_41 : vector<1x16xf32> to vector<16xf32>
      %swap3A_43 = vector.shape_cast %broadcast_in_dim3A_0 : vector<16xf32> to vector<1x16xf32>
      tpu.vector_store %arg6[%swap3A_39, %swap3A_40], %swap3A_43 {strides = array<i32>} : memref<128x128xf32, #tpu.memory_space<vmem>>, vector<1x16xf32>,
      %swap3A_44 = arith.index_cast %scan3A_24 : i32 to index
      %swap3A_45 = arith.constant 64 : index
      %swap3A_46 = tpu.vector_load %arg6[%swap3A_44, %swap3A_45] {strides = array<i32>} : memref<128x128xf32, #tpu.memory_space<vmem>>, vector<1x16xf32>,
      %swap3A_47 = vector.shape_cast %swap3A_46 : vector<1x16xf32> to vector<16xf32>
      %swap3A_48 = vector.shape_cast %broadcast_in_dim3A_0 : vector<16xf32> to vector<1x16xf32>
      tpu.vector_store %arg6[%swap3A_44, %swap3A_45], %swap3A_48 {strides = array<i32>} : memref<128x128xf32, #tpu.memory_space<vmem>>, vector<1x16xf32>,
      %swap3A_49 = arith.index_cast %scan3A_24 : i32 to index
      %swap3A_50 = arith.constant 80 : index
      %swap3A_51 = tpu.vector_load %arg6[%swap3A_49, %swap3A_50] {strides = array<i32>} : memref<128x128xf32, #tpu.memory_space<vmem>>, vector<1x16xf32>,
      %swap3A_52 = vector.shape_cast %swap3A_51 : vector<1x16xf32> to vector<16xf32>
      %swap3A_53 = vector.shape_cast %broadcast_in_dim3A_0 : vector<16xf32> to vector<1x16xf32>
      tpu.vector_store %arg6[%swap3A_49, %swap3A_50], %swap3A_53 {strides = array<i32>} : memref<128x128xf32, #tpu.memory_space<vmem>>, vector<1x16xf32>,
      %swap3A_54 = arith.index_cast %scan3A_24 : i32 to index
      %swap3A_55 = arith.constant 96 : index
      %swap3A_56 = tpu.vector_load %arg6[%swap3A_54, %swap3A_55] {strides = array<i32>} : memref<128x128xf32, #tpu.memory_space<vmem>>, vector<1x16xf32>,
      %swap3A_57 = vector.shape_cast %swap3A_56 : vector<1x16xf32> to vector<16xf32>
      %swap3A_58 = vector.shape_cast %broadcast_in_dim3A_0 : vector<16xf32> to vector<1x16xf32>
      tpu.vector_store %arg6[%swap3A_54, %swap3A_55], %swap3A_58 {strides = array<i32>} : memref<128x128xf32, #tpu.memory_space<vmem>>, vector<1x16xf32>,
      %swap3A_59 = arith.index_cast %scan3A_24 : i32 to index
      %swap3A_60 = arith.constant 112 : index
      %swap3A_61 = tpu.vector_load %arg6[%swap3A_59, %swap3A_60] {strides = array<i32>} : memref<128x128xf32, #tpu.memory_space<vmem>>, vector<1x16xf32>,
      %swap3A_62 = vector.shape_cast %swap3A_61 : vector<1x16xf32> to vector<16xf32>
      %swap3A_63 = vector.shape_cast %broadcast_in_dim3A_0 : vector<16xf32> to vector<1x16xf32>
      tpu.vector_store %arg6[%swap3A_59, %swap3A_60], %swap3A_63 {strides = array<i32>} : memref<128x128xf32, #tpu.memory_space<vmem>>, vector<1x16xf32>,
    }
    %scan3A_5 = arith.constant 128 : i32
    %mul3A = arith.constant 632 : i32
    %mul3A_6 = arith.muli %arg1, %mul3A : i32
    %add3A = arith.constant 0 : i32
    %add3A_7 = arith.addi %mul3A_6, %add3A : i32
    "tpu.region"() ({
      %run_scoped3A = tpu.sem_alloc : memref<!tpu.dma_semaphore, #tpu.memory_space<semaphore_mem>>
      %dma_start3A = arith.constant 0 : i32
      %dma_start3A_24 = tpu.memref_slice %arg8[%add3A_7, %dma_start3A] : memref<10112x128xf32, #tpu.memory_space<vmem_shared>> -> memref<128x128xf32, #tpu.memory_space<vmem_shared>>
      %dma_start3A_25 = arith.constant 0 : i32
      %dma_start3A_26 = tpu.memref_slice %arg8[%add3A_7, %dma_start3A_25] : memref<10112x128xf32, #tpu.memory_space<vmem_shared>> -> memref<128x128xf32, #tpu.memory_space<vmem_shared>>
      tpu.enqueue_dma source(%arg6 : memref<128x128xf32, #tpu.memory_space<vmem>>) target(%dma_start3A_26 : memref<128x128xf32, #tpu.memory_space<vmem_shared>>) target_semaphore(%run_scoped3A : memref<!tpu.dma_semaphore, #tpu.memory_space<semaphore_mem>>)
      %dma_wait3A = arith.constant 0 : i32
      %dma_wait3A_27 = tpu.memref_slice %arg8[%add3A_7, %dma_wait3A] : memref<10112x128xf32, #tpu.memory_space<vmem_shared>> -> memref<128x128xf32, #tpu.memory_space<vmem_shared>>
      %dma_wait3A_28 = arith.constant 0 : i32
      %dma_wait3A_29 = tpu.memref_slice %arg8[%add3A_7, %dma_wait3A_28] : memref<10112x128xf32, #tpu.memory_space<vmem_shared>> -> memref<128x128xf32, #tpu.memory_space<vmem_shared>>
      tpu.wait_dma2 semaphore(%run_scoped3A : memref<!tpu.dma_semaphore, #tpu.memory_space<semaphore_mem>>) src(%arg6 : memref<128x128xf32, #tpu.memory_space<vmem>>) dst(%dma_wait3A_29 : memref<128x128xf32, #tpu.memory_space<vmem_shared>>)
      tpu.yield
    }) : () -> ()
    %add3A_8 = arith.constant 128 : i32
    %add3A_9 = arith.addi %mul3A_6, %add3A_8 : i32
    "tpu.region"() ({
      %run_scoped3A = tpu.sem_alloc : memref<!tpu.dma_semaphore, #tpu.memory_space<semaphore_mem>>
      %dma_start3A = arith.constant 0 : i32
      %dma_start3A_24 = tpu.memref_slice %arg8[%add3A_9, %dma_start3A] : memref<10112x128xf32, #tpu.memory_space<vmem_shared>> -> memref<128x128xf32, #tpu.memory_space<vmem_shared>>
      %dma_start3A_25 = arith.constant 0 : i32
      %dma_start3A_26 = tpu.memref_slice %arg8[%add3A_9, %dma_start3A_25] : memref<10112x128xf32, #tpu.memory_space<vmem_shared>> -> memref<128x128xf32, #tpu.memory_space<vmem_shared>>
      tpu.enqueue_dma source(%arg6 : memref<128x128xf32, #tpu.memory_space<vmem>>) target(%dma_start3A_26 : memref<128x128xf32, #tpu.memory_space<vmem_shared>>) target_semaphore(%run_scoped3A : memref<!tpu.dma_semaphore, #tpu.memory_space<semaphore_mem>>)
      %dma_wait3A = arith.constant 0 : i32
      %dma_wait3A_27 = tpu.memref_slice %arg8[%add3A_9, %dma_wait3A] : memref<10112x128xf32, #tpu.memory_space<vmem_shared>> -> memref<128x128xf32, #tpu.memory_space<vmem_shared>>
      %dma_wait3A_28 = arith.constant 0 : i32
      %dma_wait3A_29 = tpu.memref_slice %arg8[%add3A_9, %dma_wait3A_28] : memref<10112x128xf32, #tpu.memory_space<vmem_shared>> -> memref<128x128xf32, #tpu.memory_space<vmem_shared>>
      tpu.wait_dma2 semaphore(%run_scoped3A : memref<!tpu.dma_semaphore, #tpu.memory_space<semaphore_mem>>) src(%arg6 : memref<128x128xf32, #tpu.memory_space<vmem>>) dst(%dma_wait3A_29 : memref<128x128xf32, #tpu.memory_space<vmem_shared>>)
      tpu.yield
    }) : () -> ()
    %add3A_10 = arith.constant 256 : i32
    %add3A_11 = arith.addi %mul3A_6, %add3A_10 : i32
    "tpu.region"() ({
      %run_scoped3A = tpu.sem_alloc : memref<!tpu.dma_semaphore, #tpu.memory_space<semaphore_mem>>
      %dma_start3A = arith.constant 0 : i32
      %dma_start3A_24 = tpu.memref_slice %arg8[%add3A_11, %dma_start3A] : memref<10112x128xf32, #tpu.memory_space<vmem_shared>> -> memref<128x128xf32, #tpu.memory_space<vmem_shared>>
      %dma_start3A_25 = arith.constant 0 : i32
      %dma_start3A_26 = tpu.memref_slice %arg8[%add3A_11, %dma_start3A_25] : memref<10112x128xf32, #tpu.memory_space<vmem_shared>> -> memref<128x128xf32, #tpu.memory_space<vmem_shared>>
      tpu.enqueue_dma source(%arg6 : memref<128x128xf32, #tpu.memory_space<vmem>>) target(%dma_start3A_26 : memref<128x128xf32, #tpu.memory_space<vmem_shared>>) target_semaphore(%run_scoped3A : memref<!tpu.dma_semaphore, #tpu.memory_space<semaphore_mem>>)
      %dma_wait3A = arith.constant 0 : i32
      %dma_wait3A_27 = tpu.memref_slice %arg8[%add3A_11, %dma_wait3A] : memref<10112x128xf32, #tpu.memory_space<vmem_shared>> -> memref<128x128xf32, #tpu.memory_space<vmem_shared>>
      %dma_wait3A_28 = arith.constant 0 : i32
      %dma_wait3A_29 = tpu.memref_slice %arg8[%add3A_11, %dma_wait3A_28] : memref<10112x128xf32, #tpu.memory_space<vmem_shared>> -> memref<128x128xf32, #tpu.memory_space<vmem_shared>>
      tpu.wait_dma2 semaphore(%run_scoped3A : memref<!tpu.dma_semaphore, #tpu.memory_space<semaphore_mem>>) src(%arg6 : memref<128x128xf32, #tpu.memory_space<vmem>>) dst(%dma_wait3A_29 : memref<128x128xf32, #tpu.memory_space<vmem_shared>>)
      tpu.yield
    }) : () -> ()
    %add3A_12 = arith.constant 384 : i32
    %add3A_13 = arith.addi %mul3A_6, %add3A_12 : i32
    "tpu.region"() ({
      %run_scoped3A = tpu.sem_alloc : memref<!tpu.dma_semaphore, #tpu.memory_space<semaphore_mem>>
      %dma_start3A = arith.constant 0 : i32
      %dma_start3A_24 = tpu.memref_slice %arg8[%add3A_13, %dma_start3A] : memref<10112x128xf32, #tpu.memory_space<vmem_shared>> -> memref<128x128xf32, #tpu.memory_space<vmem_shared>>
      %dma_start3A_25 = arith.constant 0 : i32
      %dma_start3A_26 = tpu.memref_slice %arg8[%add3A_13, %dma_start3A_25] : memref<10112x128xf32, #tpu.memory_space<vmem_shared>> -> memref<128x128xf32, #tpu.memory_space<vmem_shared>>
      tpu.enqueue_dma source(%arg6 : memref<128x128xf32, #tpu.memory_space<vmem>>) target(%dma_start3A_26 : memref<128x128xf32, #tpu.memory_space<vmem_shared>>) target_semaphore(%run_scoped3A : memref<!tpu.dma_semaphore, #tpu.memory_space<semaphore_mem>>)
      %dma_wait3A = arith.constant 0 : i32
      %dma_wait3A_27 = tpu.memref_slice %arg8[%add3A_13, %dma_wait3A] : memref<10112x128xf32, #tpu.memory_space<vmem_shared>> -> memref<128x128xf32, #tpu.memory_space<vmem_shared>>
      %dma_wait3A_28 = arith.constant 0 : i32
      %dma_wait3A_29 = tpu.memref_slice %arg8[%add3A_13, %dma_wait3A_28] : memref<10112x128xf32, #tpu.memory_space<vmem_shared>> -> memref<128x128xf32, #tpu.memory_space<vmem_shared>>
      tpu.wait_dma2 semaphore(%run_scoped3A : memref<!tpu.dma_semaphore, #tpu.memory_space<semaphore_mem>>) src(%arg6 : memref<128x128xf32, #tpu.memory_space<vmem>>) dst(%dma_wait3A_29 : memref<128x128xf32, #tpu.memory_space<vmem_shared>>)
      tpu.yield
    }) : () -> ()
    %add3A_14 = arith.constant 512 : i32
    %add3A_15 = arith.addi %mul3A_6, %add3A_14 : i32
    "tpu.region"() ({
      %run_scoped3A = tpu.sem_alloc : memref<!tpu.dma_semaphore, #tpu.memory_space<semaphore_mem>>
      %dma_start3A = arith.constant 0 : i32
      %dma_start3A_24 = arith.constant 0 : i32
      %dma_start3A_25 = tpu.memref_slice %arg6[%dma_start3A, %dma_start3A_24] : memref<128x128xf32, #tpu.memory_space<vmem>> -> memref<120x128xf32, #tpu.memory_space<vmem>>
      %dma_start3A_26 = arith.constant 0 : i32
      %dma_start3A_27 = tpu.memref_slice %arg8[%add3A_15, %dma_start3A_26] : memref<10112x128xf32, #tpu.memory_space<vmem_shared>> -> memref<120x128xf32, #tpu.memory_space<vmem_shared>>
      %dma_start3A_28 = arith.constant 0 : i32
      %dma_start3A_29 = tpu.memref_slice %arg8[%add3A_15, %dma_start3A_28] : memref<10112x128xf32, #tpu.memory_space<vmem_shared>> -> memref<120x128xf32, #tpu.memory_space<vmem_shared>>
      %dma_start3A_30 = arith.constant 0 : i32
      %dma_start3A_31 = arith.constant 0 : i32
      %dma_start3A_32 = tpu.memref_slice %arg6[%dma_start3A_30, %dma_start3A_31] : memref<128x128xf32, #tpu.memory_space<vmem>> -> memref<120x128xf32, #tpu.memory_space<vmem>>
      tpu.enqueue_dma source(%dma_start3A_32 : memref<120x128xf32, #tpu.memory_space<vmem>>) target(%dma_start3A_29 : memref<120x128xf32, #tpu.memory_space<vmem_shared>>) target_semaphore(%run_scoped3A : memref<!tpu.dma_semaphore, #tpu.memory_space<semaphore_mem>>)
      %dma_wait3A = arith.constant 0 : i32
      %dma_wait3A_33 = arith.constant 0 : i32
      %dma_wait3A_34 = tpu.memref_slice %arg6[%dma_wait3A, %dma_wait3A_33] : memref<128x128xf32, #tpu.memory_space<vmem>> -> memref<120x128xf32, #tpu.memory_space<vmem>>
      %dma_wait3A_35 = arith.constant 0 : i32
      %dma_wait3A_36 = tpu.memref_slice %arg8[%add3A_15, %dma_wait3A_35] : memref<10112x128xf32, #tpu.memory_space<vmem_shared>> -> memref<120x128xf32, #tpu.memory_space<vmem_shared>>
      %dma_wait3A_37 = arith.constant 0 : i32
      %dma_wait3A_38 = tpu.memref_slice %arg8[%add3A_15, %dma_wait3A_37] : memref<10112x128xf32, #tpu.memory_space<vmem_shared>> -> memref<120x128xf32, #tpu.memory_space<vmem_shared>>
      %dma_wait3A_39 = arith.constant 0 : i32
      %dma_wait3A_40 = arith.constant 0 : i32
      %dma_wait3A_41 = tpu.memref_slice %arg6[%dma_wait3A_39, %dma_wait3A_40] : memref<128x128xf32, #tpu.memory_space<vmem>> -> memref<120x128xf32, #tpu.memory_space<vmem>>
      tpu.wait_dma2 semaphore(%run_scoped3A : memref<!tpu.dma_semaphore, #tpu.memory_space<semaphore_mem>>) src(%dma_wait3A_41 : memref<120x128xf32, #tpu.memory_space<vmem>>) dst(%dma_wait3A_38 : memref<120x128xf32, #tpu.memory_space<vmem_shared>>)
      tpu.yield
    }) : () -> ()
    %barrier3A = arith.constant 0 : index
    tpu.barrier barrier_id(%barrier3A)
    %eq3A = arith.constant 0 : i32
    %eq3A_16 = arith.cmpi eq, %arg0, %eq3A : i32
    %convert_element_type3A = arith.extui %eq3A_16 : i1 to i32
    %cond3A = arith.constant 0 : i32
    %cond3A_17 = arith.cmpi ne, %convert_element_type3A, %cond3A : i32
    scf.if %cond3A_17 {
      %mul3A_24 = arith.constant 128 : i32
      %mul3A_25 = arith.muli %arg1, %mul3A_24 : i32
      "tpu.region"() ({
        %run_scoped3A_111 = tpu.sem_alloc : memref<!tpu.dma_semaphore, #tpu.memory_space<semaphore_mem>>
        %dma_start3A_112 = arith.constant 0 : i32
        %dma_start3A_113 = arith.constant 0 : i32
        %dma_start3A_114 = arith.constant 0 : i32
        %dma_start3A_115 = tpu.memref_slice %arg5[%dma_start3A_112, %dma_start3A_113, %dma_start3A_114] : memref<64x2x128xi32, #tpu.memory_space<vmem>> -> memref<64x2x128xi32, #tpu.memory_space<vmem>>
        %dma_start3A_116 = arith.constant 0 : i32
        %dma_start3A_117 = arith.constant 0 : i32
        %dma_start3A_118 = tpu.memref_slice %arg3[%mul3A_25, %dma_start3A_116, %dma_start3A_117] : memref<2560x2x128xi32, #tpu.memory_space<hbm>> -> memref<64x2x128xi32, #tpu.memory_space<hbm>>
        %dma_start3A_119 = arith.constant 0 : i32
        %dma_start3A_120 = arith.constant 0 : i32
        %dma_start3A_121 = arith.constant 0 : i32
        %dma_start3A_122 = tpu.memref_slice %arg5[%dma_start3A_119, %dma_start3A_120, %dma_start3A_121] : memref<64x2x128xi32, #tpu.memory_space<vmem>> -> memref<64x2x128xi32, #tpu.memory_space<vmem>>
        %dma_start3A_123 = arith.constant 0 : i32
        %dma_start3A_124 = arith.constant 0 : i32
        %dma_start3A_125 = tpu.memref_slice %arg3[%mul3A_25, %dma_start3A_123, %dma_start3A_124] : memref<2560x2x128xi32, #tpu.memory_space<hbm>> -> memref<64x2x128xi32, #tpu.memory_space<hbm>>
        tpu.enqueue_dma source(%dma_start3A_125 : memref<64x2x128xi32, #tpu.memory_space<hbm>>) target(%dma_start3A_122 : memref<64x2x128xi32, #tpu.memory_space<vmem>>) target_semaphore(%run_scoped3A_111 : memref<!tpu.dma_semaphore, #tpu.memory_space<semaphore_mem>>)
        %dma_wait3A_126 = arith.constant 0 : i32
        %dma_wait3A_127 = arith.constant 0 : i32
        %dma_wait3A_128 = arith.constant 0 : i32
        %dma_wait3A_129 = tpu.memref_slice %arg5[%dma_wait3A_126, %dma_wait3A_127, %dma_wait3A_128] : memref<64x2x128xi32, #tpu.memory_space<vmem>> -> memref<64x2x128xi32, #tpu.memory_space<vmem>>
        %dma_wait3A_130 = arith.constant 0 : i32
        %dma_wait3A_131 = arith.constant 0 : i32
        %dma_wait3A_132 = tpu.memref_slice %arg3[%mul3A_25, %dma_wait3A_130, %dma_wait3A_131] : memref<2560x2x128xi32, #tpu.memory_space<hbm>> -> memref<64x2x128xi32, #tpu.memory_space<hbm>>
        %dma_wait3A_133 = arith.constant 0 : i32
        %dma_wait3A_134 = arith.constant 0 : i32
        %dma_wait3A_135 = arith.constant 0 : i32
        %dma_wait3A_136 = tpu.memref_slice %arg5[%dma_wait3A_133, %dma_wait3A_134, %dma_wait3A_135] : memref<64x2x128xi32, #tpu.memory_space<vmem>> -> memref<64x2x128xi32, #tpu.memory_space<vmem>>
        %dma_wait3A_137 = arith.constant 0 : i32
        %dma_wait3A_138 = arith.constant 0 : i32
        %dma_wait3A_139 = tpu.memref_slice %arg3[%mul3A_25, %dma_wait3A_137, %dma_wait3A_138] : memref<2560x2x128xi32, #tpu.memory_space<hbm>> -> memref<64x2x128xi32, #tpu.memory_space<hbm>>
        tpu.wait_dma2 semaphore(%run_scoped3A_111 : memref<!tpu.dma_semaphore, #tpu.memory_space<semaphore_mem>>) src(%dma_wait3A_139 : memref<64x2x128xi32, #tpu.memory_space<hbm>>) dst(%dma_wait3A_136 : memref<64x2x128xi32, #tpu.memory_space<vmem>>)
        tpu.yield
      }) : () -> ()
      %dma_start3A = arith.constant 0 : i32
      %dma_start3A_26 = arith.constant 0 : i32
      %dma_start3A_27 = arith.constant 0 : i32
      %dma_start3A_28 = tpu.memref_slice %arg5[%dma_start3A, %dma_start3A_26, %dma_start3A_27] : memref<64x2x128xi32, #tpu.memory_space<vmem>> -> memref<1x1x128xi32, #tpu.memory_space<vmem>>
      %dma_start3A_29 = tpu.memref_squeeze %dma_start3A_28 : memref<1x1x128xi32, #tpu.memory_space<vmem>> -> memref<128xi32, #tpu.memory_space<vmem>>
      %dma_start3A_30 = arith.constant 0 : i32
      %dma_start3A_31 = arith.constant 0 : i32
      %dma_start3A_32 = tpu.memref_slice %arg2[%dma_start3A_30, %dma_start3A_31] : memref<10112x128xf32, #tpu.memory_space<hbm>> -> memref<10112x128xf32, #tpu.memory_space<hbm>>
      tpu.enqueue_indirect_dma source(%dma_start3A_32 : memref<10112x128xf32, #tpu.memory_space<hbm>>) target(%arg6 : memref<128x128xf32, #tpu.memory_space<vmem>>) offsets(%dma_start3A_29 : memref<128xi32, #tpu.memory_space<vmem>>) semaphore(%arg9 : memref<!tpu.dma_semaphore, #tpu.memory_space<semaphore_mem>>)
      %scan3A_33 = arith.constant 0 : i32
      %scan3A_34 = arith.constant 0 : i32
      %scan3A_35 = arith.constant 31 : i32
      %scan3A_36 = arith.addi %scan3A_34, %scan3A_35 : i32
      %scan3A_37 = arith.constant 1 : i32
      scf.for %scan3A_111 = %scan3A_34 to %scan3A_36 step %scan3A_37  : i32 {
        %mul3A_112 = arith.constant 2 : i32
        %mul3A_113 = arith.muli %mul3A_112, %scan3A_111 : i32
        %add3A_114 = arith.constant 1 : i32
        %add3A_115 = arith.addi %mul3A_113, %add3A_114 : i32
        %dma_start3A_116 = arith.constant 0 : i32
        %dma_start3A_117 = arith.constant 0 : i32
        %dma_start3A_118 = tpu.memref_slice %arg5[%add3A_115, %dma_start3A_116, %dma_start3A_117] : memref<64x2x128xi32, #tpu.memory_space<vmem>> -> memref<1x1x128xi32, #tpu.memory_space<vmem>>
        %dma_start3A_119 = tpu.memref_squeeze %dma_start3A_118 : memref<1x1x128xi32, #tpu.memory_space<vmem>> -> memref<128xi32, #tpu.memory_space<vmem>>
        %dma_start3A_120 = arith.constant 0 : i32
        %dma_start3A_121 = arith.constant 0 : i32
        %dma_start3A_122 = tpu.memref_slice %arg2[%dma_start3A_120, %dma_start3A_121] : memref<10112x128xf32, #tpu.memory_space<hbm>> -> memref<10112x128xf32, #tpu.memory_space<hbm>>
        tpu.enqueue_indirect_dma source(%dma_start3A_122 : memref<10112x128xf32, #tpu.memory_space<hbm>>) target(%arg7 : memref<128x128xf32, #tpu.memory_space<vmem>>) offsets(%dma_start3A_119 : memref<128xi32, #tpu.memory_space<vmem>>) semaphore(%arg10 : memref<!tpu.dma_semaphore, #tpu.memory_space<semaphore_mem>>)
        %dma_wait3A_123 = arith.constant 0 : i32
        %dma_wait3A_124 = arith.constant 0 : i32
        %dma_wait3A_125 = tpu.memref_slice %arg5[%mul3A_113, %dma_wait3A_123, %dma_wait3A_124] : memref<64x2x128xi32, #tpu.memory_space<vmem>> -> memref<1x1x128xi32, #tpu.memory_space<vmem>>
        %dma_wait3A_126 = tpu.memref_squeeze %dma_wait3A_125 : memref<1x1x128xi32, #tpu.memory_space<vmem>> -> memref<128xi32, #tpu.memory_space<vmem>>
        %dma_wait3A_127 = arith.constant 0 : i32
        %dma_wait3A_128 = arith.constant 0 : i32
        %dma_wait3A_129 = tpu.memref_slice %arg2[%dma_wait3A_127, %dma_wait3A_128] : memref<10112x128xf32, #tpu.memory_space<hbm>> -> memref<10112x128xf32, #tpu.memory_space<hbm>>
        tpu.wait_indirect_dma semaphore(%arg9 : memref<!tpu.dma_semaphore, #tpu.memory_space<semaphore_mem>>) src(%dma_wait3A_129 : memref<10112x128xf32, #tpu.memory_space<hbm>>) dst(%arg6 : memref<128x128xf32, #tpu.memory_space<vmem>>)
        %run_scoped3A_130 = arith.constant 1 : i32
        "tpu.region"() ({
          %run_scoped3A_150 = tpu.sem_alloc : memref<!tpu.dma_semaphore, #tpu.memory_space<semaphore_mem>>
          %dma_start3A_151 = arith.constant 0 : i32
          %dma_start3A_152 = tpu.memref_slice %arg5[%mul3A_113, %run_scoped3A_130, %dma_start3A_151] : memref<64x2x128xi32, #tpu.memory_space<vmem>> -> memref<1x1x128xi32, #tpu.memory_space<vmem>>
          %dma_start3A_153 = tpu.memref_squeeze %dma_start3A_152 : memref<1x1x128xi32, #tpu.memory_space<vmem>> -> memref<128xi32, #tpu.memory_space<vmem>>
          %dma_start3A_154 = arith.constant 0 : i32
          %dma_start3A_155 = arith.constant 0 : i32
          %dma_start3A_156 = tpu.memref_slice %arg8[%dma_start3A_154, %dma_start3A_155] : memref<10112x128xf32, #tpu.memory_space<vmem_shared>> -> memref<10112x128xf32, #tpu.memory_space<vmem_shared>>
          tpu.enqueue_indirect_dma source(%arg6 : memref<128x128xf32, #tpu.memory_space<vmem>>) target(%dma_start3A_156 : memref<10112x128xf32, #tpu.memory_space<vmem_shared>>) offsets(%dma_start3A_153 : memref<128xi32, #tpu.memory_space<vmem>>) semaphore(%run_scoped3A_150 : memref<!tpu.dma_semaphore, #tpu.memory_space<semaphore_mem>>) {add = true}
          %dma_wait3A_157 = arith.constant 0 : i32
          %dma_wait3A_158 = tpu.memref_slice %arg5[%mul3A_113, %run_scoped3A_130, %dma_wait3A_157] : memref<64x2x128xi32, #tpu.memory_space<vmem>> -> memref<1x1x128xi32, #tpu.memory_space<vmem>>
          %dma_wait3A_159 = tpu.memref_squeeze %dma_wait3A_158 : memref<1x1x128xi32, #tpu.memory_space<vmem>> -> memref<128xi32, #tpu.memory_space<vmem>>
          %dma_wait3A_160 = arith.constant 0 : i32
          %dma_wait3A_161 = arith.constant 0 : i32
          %dma_wait3A_162 = tpu.memref_slice %arg8[%dma_wait3A_160, %dma_wait3A_161] : memref<10112x128xf32, #tpu.memory_space<vmem_shared>> -> memref<10112x128xf32, #tpu.memory_space<vmem_shared>>
          tpu.wait_indirect_dma semaphore(%run_scoped3A_150 : memref<!tpu.dma_semaphore, #tpu.memory_space<semaphore_mem>>) src(%arg6 : memref<128x128xf32, #tpu.memory_space<vmem>>) dst(%dma_wait3A_162 : memref<10112x128xf32, #tpu.memory_space<vmem_shared>>)
          tpu.yield
        }) : () -> ()
        %add3A_131 = arith.constant 2 : i32
        %add3A_132 = arith.addi %mul3A_113, %add3A_131 : i32
        %dma_start3A_133 = arith.constant 0 : i32
        %dma_start3A_134 = arith.constant 0 : i32
        %dma_start3A_135 = tpu.memref_slice %arg5[%add3A_132, %dma_start3A_133, %dma_start3A_134] : memref<64x2x128xi32, #tpu.memory_space<vmem>> -> memref<1x1x128xi32, #tpu.memory_space<vmem>>
        %dma_start3A_136 = tpu.memref_squeeze %dma_start3A_135 : memref<1x1x128xi32, #tpu.memory_space<vmem>> -> memref<128xi32, #tpu.memory_space<vmem>>
        %dma_start3A_137 = arith.constant 0 : i32
        %dma_start3A_138 = arith.constant 0 : i32
        %dma_start3A_139 = tpu.memref_slice %arg2[%dma_start3A_137, %dma_start3A_138] : memref<10112x128xf32, #tpu.memory_space<hbm>> -> memref<10112x128xf32, #tpu.memory_space<hbm>>
        tpu.enqueue_indirect_dma source(%dma_start3A_139 : memref<10112x128xf32, #tpu.memory_space<hbm>>) target(%arg6 : memref<128x128xf32, #tpu.memory_space<vmem>>) offsets(%dma_start3A_136 : memref<128xi32, #tpu.memory_space<vmem>>) semaphore(%arg9 : memref<!tpu.dma_semaphore, #tpu.memory_space<semaphore_mem>>)
        %add3A_140 = arith.constant 1 : i32
        %add3A_141 = arith.addi %mul3A_113, %add3A_140 : i32
        %dma_wait3A_142 = arith.constant 0 : i32
        %dma_wait3A_143 = arith.constant 0 : i32
        %dma_wait3A_144 = tpu.memref_slice %arg5[%add3A_141, %dma_wait3A_142, %dma_wait3A_143] : memref<64x2x128xi32, #tpu.memory_space<vmem>> -> memref<1x1x128xi32, #tpu.memory_space<vmem>>
        %dma_wait3A_145 = tpu.memref_squeeze %dma_wait3A_144 : memref<1x1x128xi32, #tpu.memory_space<vmem>> -> memref<128xi32, #tpu.memory_space<vmem>>
        %dma_wait3A_146 = arith.constant 0 : i32
        %dma_wait3A_147 = arith.constant 0 : i32
        %dma_wait3A_148 = tpu.memref_slice %arg2[%dma_wait3A_146, %dma_wait3A_147] : memref<10112x128xf32, #tpu.memory_space<hbm>> -> memref<10112x128xf32, #tpu.memory_space<hbm>>
        tpu.wait_indirect_dma semaphore(%arg10 : memref<!tpu.dma_semaphore, #tpu.memory_space<semaphore_mem>>) src(%dma_wait3A_148 : memref<10112x128xf32, #tpu.memory_space<hbm>>) dst(%arg7 : memref<128x128xf32, #tpu.memory_space<vmem>>)
        %run_scoped3A_149 = arith.constant 1 : i32
        "tpu.region"() ({
          %run_scoped3A_150 = tpu.sem_alloc : memref<!tpu.dma_semaphore, #tpu.memory_space<semaphore_mem>>
          %dma_start3A_151 = arith.constant 0 : i32
          %dma_start3A_152 = tpu.memref_slice %arg5[%add3A_141, %run_scoped3A_149, %dma_start3A_151] : memref<64x2x128xi32, #tpu.memory_space<vmem>> -> memref<1x1x128xi32, #tpu.memory_space<vmem>>
          %dma_start3A_153 = tpu.memref_squeeze %dma_start3A_152 : memref<1x1x128xi32, #tpu.memory_space<vmem>> -> memref<128xi32, #tpu.memory_space<vmem>>
          %dma_start3A_154 = arith.constant 0 : i32
          %dma_start3A_155 = arith.constant 0 : i32
          %dma_start3A_156 = tpu.memref_slice %arg8[%dma_start3A_154, %dma_start3A_155] : memref<10112x128xf32, #tpu.memory_space<vmem_shared>> -> memref<10112x128xf32, #tpu.memory_space<vmem_shared>>
          tpu.enqueue_indirect_dma source(%arg7 : memref<128x128xf32, #tpu.memory_space<vmem>>) target(%dma_start3A_156 : memref<10112x128xf32, #tpu.memory_space<vmem_shared>>) offsets(%dma_start3A_153 : memref<128xi32, #tpu.memory_space<vmem>>) semaphore(%run_scoped3A_150 : memref<!tpu.dma_semaphore, #tpu.memory_space<semaphore_mem>>) {add = true}
          %dma_wait3A_157 = arith.constant 0 : i32
          %dma_wait3A_158 = tpu.memref_slice %arg5[%add3A_141, %run_scoped3A_149, %dma_wait3A_157] : memref<64x2x128xi32, #tpu.memory_space<vmem>> -> memref<1x1x128xi32, #tpu.memory_space<vmem>>
          %dma_wait3A_159 = tpu.memref_squeeze %dma_wait3A_158 : memref<1x1x128xi32, #tpu.memory_space<vmem>> -> memref<128xi32, #tpu.memory_space<vmem>>
          %dma_wait3A_160 = arith.constant 0 : i32
          %dma_wait3A_161 = arith.constant 0 : i32
          %dma_wait3A_162 = tpu.memref_slice %arg8[%dma_wait3A_160, %dma_wait3A_161] : memref<10112x128xf32, #tpu.memory_space<vmem_shared>> -> memref<10112x128xf32, #tpu.memory_space<vmem_shared>>
          tpu.wait_indirect_dma semaphore(%run_scoped3A_150 : memref<!tpu.dma_semaphore, #tpu.memory_space<semaphore_mem>>) src(%arg7 : memref<128x128xf32, #tpu.memory_space<vmem>>) dst(%dma_wait3A_162 : memref<10112x128xf32, #tpu.memory_space<vmem_shared>>)
          tpu.yield
        }) : () -> ()
      }
      %scan3A_38 = arith.constant 31 : i32
      %dma_start3A_39 = arith.constant 63 : i32
      %dma_start3A_40 = arith.constant 0 : i32
      %dma_start3A_41 = arith.constant 0 : i32
      %dma_start3A_42 = tpu.memref_slice %arg5[%dma_start3A_39, %dma_start3A_40, %dma_start3A_41] : memref<64x2x128xi32, #tpu.memory_space<vmem>> -> memref<1x1x128xi32, #tpu.memory_space<vmem>>
      %dma_start3A_43 = tpu.memref_squeeze %dma_start3A_42 : memref<1x1x128xi32, #tpu.memory_space<vmem>> -> memref<128xi32, #tpu.memory_space<vmem>>
      %dma_start3A_44 = arith.constant 0 : i32
      %dma_start3A_45 = arith.constant 0 : i32
      %dma_start3A_46 = tpu.memref_slice %arg2[%dma_start3A_44, %dma_start3A_45] : memref<10112x128xf32, #tpu.memory_space<hbm>> -> memref<10112x128xf32, #tpu.memory_space<hbm>>
      tpu.enqueue_indirect_dma source(%dma_start3A_46 : memref<10112x128xf32, #tpu.memory_space<hbm>>) target(%arg7 : memref<128x128xf32, #tpu.memory_space<vmem>>) offsets(%dma_start3A_43 : memref<128xi32, #tpu.memory_space<vmem>>) semaphore(%arg10 : memref<!tpu.dma_semaphore, #tpu.memory_space<semaphore_mem>>)
      %dma_wait3A = arith.constant 62 : i32
      %dma_wait3A_47 = arith.constant 0 : i32
      %dma_wait3A_48 = arith.constant 0 : i32
      %dma_wait3A_49 = tpu.memref_slice %arg5[%dma_wait3A, %dma_wait3A_47, %dma_wait3A_48] : memref<64x2x128xi32, #tpu.memory_space<vmem>> -> memref<1x1x128xi32, #tpu.memory_space<vmem>>
      %dma_wait3A_50 = tpu.memref_squeeze %dma_wait3A_49 : memref<1x1x128xi32, #tpu.memory_space<vmem>> -> memref<128xi32, #tpu.memory_space<vmem>>
      %dma_wait3A_51 = arith.constant 0 : i32
      %dma_wait3A_52 = arith.constant 0 : i32
      %dma_wait3A_53 = tpu.memref_slice %arg2[%dma_wait3A_51, %dma_wait3A_52] : memref<10112x128xf32, #tpu.memory_space<hbm>> -> memref<10112x128xf32, #tpu.memory_space<hbm>>
      tpu.wait_indirect_dma semaphore(%arg9 : memref<!tpu.dma_semaphore, #tpu.memory_space<semaphore_mem>>) src(%dma_wait3A_53 : memref<10112x128xf32, #tpu.memory_space<hbm>>) dst(%arg6 : memref<128x128xf32, #tpu.memory_space<vmem>>)
      %run_scoped3A = arith.constant 62 : i32
      %run_scoped3A_54 = arith.constant 1 : i32
      "tpu.region"() ({
        %run_scoped3A_111 = tpu.sem_alloc : memref<!tpu.dma_semaphore, #tpu.memory_space<semaphore_mem>>
        %dma_start3A_112 = arith.constant 0 : i32
        %dma_start3A_113 = tpu.memref_slice %arg5[%run_scoped3A, %run_scoped3A_54, %dma_start3A_112] : memref<64x2x128xi32, #tpu.memory_space<vmem>> -> memref<1x1x128xi32, #tpu.memory_space<vmem>>
        %dma_start3A_114 = tpu.memref_squeeze %dma_start3A_113 : memref<1x1x128xi32, #tpu.memory_space<vmem>> -> memref<128xi32, #tpu.memory_space<vmem>>
        %dma_start3A_115 = arith.constant 0 : i32
        %dma_start3A_116 = arith.constant 0 : i32
        %dma_start3A_117 = tpu.memref_slice %arg8[%dma_start3A_115, %dma_start3A_116] : memref<10112x128xf32, #tpu.memory_space<vmem_shared>> -> memref<10112x128xf32, #tpu.memory_space<vmem_shared>>
        tpu.enqueue_indirect_dma source(%arg6 : memref<128x128xf32, #tpu.memory_space<vmem>>) target(%dma_start3A_117 : memref<10112x128xf32, #tpu.memory_space<vmem_shared>>) offsets(%dma_start3A_114 : memref<128xi32, #tpu.memory_space<vmem>>) semaphore(%run_scoped3A_111 : memref<!tpu.dma_semaphore, #tpu.memory_space<semaphore_mem>>) {add = true}
        %dma_wait3A_118 = arith.constant 0 : i32
        %dma_wait3A_119 = tpu.memref_slice %arg5[%run_scoped3A, %run_scoped3A_54, %dma_wait3A_118] : memref<64x2x128xi32, #tpu.memory_space<vmem>> -> memref<1x1x128xi32, #tpu.memory_space<vmem>>
        %dma_wait3A_120 = tpu.memref_squeeze %dma_wait3A_119 : memref<1x1x128xi32, #tpu.memory_space<vmem>> -> memref<128xi32, #tpu.memory_space<vmem>>
        %dma_wait3A_121 = arith.constant 0 : i32
        %dma_wait3A_122 = arith.constant 0 : i32
        %dma_wait3A_123 = tpu.memref_slice %arg8[%dma_wait3A_121, %dma_wait3A_122] : memref<10112x128xf32, #tpu.memory_space<vmem_shared>> -> memref<10112x128xf32, #tpu.memory_space<vmem_shared>>
        tpu.wait_indirect_dma semaphore(%run_scoped3A_111 : memref<!tpu.dma_semaphore, #tpu.memory_space<semaphore_mem>>) src(%arg6 : memref<128x128xf32, #tpu.memory_space<vmem>>) dst(%dma_wait3A_123 : memref<10112x128xf32, #tpu.memory_space<vmem_shared>>)
        tpu.yield
      }) : () -> ()
      %dma_wait3A_55 = arith.constant 63 : i32
      %dma_wait3A_56 = arith.constant 0 : i32
      %dma_wait3A_57 = arith.constant 0 : i32
      %dma_wait3A_58 = tpu.memref_slice %arg5[%dma_wait3A_55, %dma_wait3A_56, %dma_wait3A_57] : memref<64x2x128xi32, #tpu.memory_space<vmem>> -> memref<1x1x128xi32, #tpu.memory_space<vmem>>
      %dma_wait3A_59 = tpu.memref_squeeze %dma_wait3A_58 : memref<1x1x128xi32, #tpu.memory_space<vmem>> -> memref<128xi32, #tpu.memory_space<vmem>>
      %dma_wait3A_60 = arith.constant 0 : i32
      %dma_wait3A_61 = arith.constant 0 : i32
      %dma_wait3A_62 = tpu.memref_slice %arg2[%dma_wait3A_60, %dma_wait3A_61] : memref<10112x128xf32, #tpu.memory_space<hbm>> -> memref<10112x128xf32, #tpu.memory_space<hbm>>
      tpu.wait_indirect_dma semaphore(%arg10 : memref<!tpu.dma_semaphore, #tpu.memory_space<semaphore_mem>>) src(%dma_wait3A_62 : memref<10112x128xf32, #tpu.memory_space<hbm>>) dst(%arg7 : memref<128x128xf32, #tpu.memory_space<vmem>>)
      %run_scoped3A_63 = arith.constant 63 : i32
      %run_scoped3A_64 = arith.constant 1 : i32
      "tpu.region"() ({
        %run_scoped3A_111 = tpu.sem_alloc : memref<!tpu.dma_semaphore, #tpu.memory_space<semaphore_mem>>
        %dma_start3A_112 = arith.constant 0 : i32
        %dma_start3A_113 = tpu.memref_slice %arg5[%run_scoped3A_63, %run_scoped3A_64, %dma_start3A_112] : memref<64x2x128xi32, #tpu.memory_space<vmem>> -> memref<1x1x128xi32, #tpu.memory_space<vmem>>
        %dma_start3A_114 = tpu.memref_squeeze %dma_start3A_113 : memref<1x1x128xi32, #tpu.memory_space<vmem>> -> memref<128xi32, #tpu.memory_space<vmem>>
        %dma_start3A_115 = arith.constant 0 : i32
        %dma_start3A_116 = arith.constant 0 : i32
        %dma_start3A_117 = tpu.memref_slice %arg8[%dma_start3A_115, %dma_start3A_116] : memref<10112x128xf32, #tpu.memory_space<vmem_shared>> -> memref<10112x128xf32, #tpu.memory_space<vmem_shared>>
        tpu.enqueue_indirect_dma source(%arg7 : memref<128x128xf32, #tpu.memory_space<vmem>>) target(%dma_start3A_117 : memref<10112x128xf32, #tpu.memory_space<vmem_shared>>) offsets(%dma_start3A_114 : memref<128xi32, #tpu.memory_space<vmem>>) semaphore(%run_scoped3A_111 : memref<!tpu.dma_semaphore, #tpu.memory_space<semaphore_mem>>) {add = true}
        %dma_wait3A_118 = arith.constant 0 : i32
        %dma_wait3A_119 = tpu.memref_slice %arg5[%run_scoped3A_63, %run_scoped3A_64, %dma_wait3A_118] : memref<64x2x128xi32, #tpu.memory_space<vmem>> -> memref<1x1x128xi32, #tpu.memory_space<vmem>>
        %dma_wait3A_120 = tpu.memref_squeeze %dma_wait3A_119 : memref<1x1x128xi32, #tpu.memory_space<vmem>> -> memref<128xi32, #tpu.memory_space<vmem>>
        %dma_wait3A_121 = arith.constant 0 : i32
        %dma_wait3A_122 = arith.constant 0 : i32
        %dma_wait3A_123 = tpu.memref_slice %arg8[%dma_wait3A_121, %dma_wait3A_122] : memref<10112x128xf32, #tpu.memory_space<vmem_shared>> -> memref<10112x128xf32, #tpu.memory_space<vmem_shared>>
        tpu.wait_indirect_dma semaphore(%run_scoped3A_111 : memref<!tpu.dma_semaphore, #tpu.memory_space<semaphore_mem>>) src(%arg7 : memref<128x128xf32, #tpu.memory_space<vmem>>) dst(%dma_wait3A_123 : memref<10112x128xf32, #tpu.memory_space<vmem_shared>>)
        tpu.yield
      }) : () -> ()
      %mul3A_65 = arith.constant 128 : i32
      %mul3A_66 = arith.muli %arg1, %mul3A_65 : i32
      %add3A_67 = arith.constant 64 : i32
      %add3A_68 = arith.addi %mul3A_66, %add3A_67 : i32
      "tpu.region"() ({
        %run_scoped3A_111 = tpu.sem_alloc : memref<!tpu.dma_semaphore, #tpu.memory_space<semaphore_mem>>
        %dma_start3A_112 = arith.constant 0 : i32
        %dma_start3A_113 = arith.constant 0 : i32
        %dma_start3A_114 = arith.constant 0 : i32
        %dma_start3A_115 = tpu.memref_slice %arg5[%dma_start3A_112, %dma_start3A_113, %dma_start3A_114] : memref<64x2x128xi32, #tpu.memory_space<vmem>> -> memref<64x2x128xi32, #tpu.memory_space<vmem>>
        %dma_start3A_116 = arith.constant 0 : i32
        %dma_start3A_117 = arith.constant 0 : i32
        %dma_start3A_118 = tpu.memref_slice %arg3[%add3A_68, %dma_start3A_116, %dma_start3A_117] : memref<2560x2x128xi32, #tpu.memory_space<hbm>> -> memref<64x2x128xi32, #tpu.memory_space<hbm>>
        %dma_start3A_119 = arith.constant 0 : i32
        %dma_start3A_120 = arith.constant 0 : i32
        %dma_start3A_121 = arith.constant 0 : i32
        %dma_start3A_122 = tpu.memref_slice %arg5[%dma_start3A_119, %dma_start3A_120, %dma_start3A_121] : memref<64x2x128xi32, #tpu.memory_space<vmem>> -> memref<64x2x128xi32, #tpu.memory_space<vmem>>
        %dma_start3A_123 = arith.constant 0 : i32
        %dma_start3A_124 = arith.constant 0 : i32
        %dma_start3A_125 = tpu.memref_slice %arg3[%add3A_68, %dma_start3A_123, %dma_start3A_124] : memref<2560x2x128xi32, #tpu.memory_space<hbm>> -> memref<64x2x128xi32, #tpu.memory_space<hbm>>
        tpu.enqueue_dma source(%dma_start3A_125 : memref<64x2x128xi32, #tpu.memory_space<hbm>>) target(%dma_start3A_122 : memref<64x2x128xi32, #tpu.memory_space<vmem>>) target_semaphore(%run_scoped3A_111 : memref<!tpu.dma_semaphore, #tpu.memory_space<semaphore_mem>>)
        %dma_wait3A_126 = arith.constant 0 : i32
        %dma_wait3A_127 = arith.constant 0 : i32
        %dma_wait3A_128 = arith.constant 0 : i32
        %dma_wait3A_129 = tpu.memref_slice %arg5[%dma_wait3A_126, %dma_wait3A_127, %dma_wait3A_128] : memref<64x2x128xi32, #tpu.memory_space<vmem>> -> memref<64x2x128xi32, #tpu.memory_space<vmem>>
        %dma_wait3A_130 = arith.constant 0 : i32
        %dma_wait3A_131 = arith.constant 0 : i32
        %dma_wait3A_132 = tpu.memref_slice %arg3[%add3A_68, %dma_wait3A_130, %dma_wait3A_131] : memref<2560x2x128xi32, #tpu.memory_space<hbm>> -> memref<64x2x128xi32, #tpu.memory_space<hbm>>
        %dma_wait3A_133 = arith.constant 0 : i32
        %dma_wait3A_134 = arith.constant 0 : i32
        %dma_wait3A_135 = arith.constant 0 : i32
        %dma_wait3A_136 = tpu.memref_slice %arg5[%dma_wait3A_133, %dma_wait3A_134, %dma_wait3A_135] : memref<64x2x128xi32, #tpu.memory_space<vmem>> -> memref<64x2x128xi32, #tpu.memory_space<vmem>>
        %dma_wait3A_137 = arith.constant 0 : i32
        %dma_wait3A_138 = arith.constant 0 : i32
        %dma_wait3A_139 = tpu.memref_slice %arg3[%add3A_68, %dma_wait3A_137, %dma_wait3A_138] : memref<2560x2x128xi32, #tpu.memory_space<hbm>> -> memref<64x2x128xi32, #tpu.memory_space<hbm>>
        tpu.wait_dma2 semaphore(%run_scoped3A_111 : memref<!tpu.dma_semaphore, #tpu.memory_space<semaphore_mem>>) src(%dma_wait3A_139 : memref<64x2x128xi32, #tpu.memory_space<hbm>>) dst(%dma_wait3A_136 : memref<64x2x128xi32, #tpu.memory_space<vmem>>)
        tpu.yield
      }) : () -> ()
      %dma_start3A_69 = arith.constant 0 : i32
      %dma_start3A_70 = arith.constant 0 : i32
      %dma_start3A_71 = arith.constant 0 : i32
      %dma_start3A_72 = tpu.memref_slice %arg5[%dma_start3A_69, %dma_start3A_70, %dma_start3A_71] : memref<64x2x128xi32, #tpu.memory_space<vmem>> -> memref<1x1x128xi32, #tpu.memory_space<vmem>>
      %dma_start3A_73 = tpu.memref_squeeze %dma_start3A_72 : memref<1x1x128xi32, #tpu.memory_space<vmem>> -> memref<128xi32, #tpu.memory_space<vmem>>
      %dma_start3A_74 = arith.constant 0 : i32
      %dma_start3A_75 = arith.constant 0 : i32
      %dma_start3A_76 = tpu.memref_slice %arg2[%dma_start3A_74, %dma_start3A_75] : memref<10112x128xf32, #tpu.memory_space<hbm>> -> memref<10112x128xf32, #tpu.memory_space<hbm>>
      tpu.enqueue_indirect_dma source(%dma_start3A_76 : memref<10112x128xf32, #tpu.memory_space<hbm>>) target(%arg6 : memref<128x128xf32, #tpu.memory_space<vmem>>) offsets(%dma_start3A_73 : memref<128xi32, #tpu.memory_space<vmem>>) semaphore(%arg9 : memref<!tpu.dma_semaphore, #tpu.memory_space<semaphore_mem>>)
      %scan3A_77 = arith.constant 0 : i32
      %scan3A_78 = arith.constant 0 : i32
      %scan3A_79 = arith.constant 31 : i32
      %scan3A_80 = arith.addi %scan3A_78, %scan3A_79 : i32
      %scan3A_81 = arith.constant 1 : i32
      scf.for %scan3A_111 = %scan3A_78 to %scan3A_80 step %scan3A_81  : i32 {
        %mul3A_112 = arith.constant 2 : i32
        %mul3A_113 = arith.muli %mul3A_112, %scan3A_111 : i32
        %add3A_114 = arith.constant 1 : i32
        %add3A_115 = arith.addi %mul3A_113, %add3A_114 : i32
        %dma_start3A_116 = arith.constant 0 : i32
        %dma_start3A_117 = arith.constant 0 : i32
        %dma_start3A_118 = tpu.memref_slice %arg5[%add3A_115, %dma_start3A_116, %dma_start3A_117] : memref<64x2x128xi32, #tpu.memory_space<vmem>> -> memref<1x1x128xi32, #tpu.memory_space<vmem>>
        %dma_start3A_119 = tpu.memref_squeeze %dma_start3A_118 : memref<1x1x128xi32, #tpu.memory_space<vmem>> -> memref<128xi32, #tpu.memory_space<vmem>>
        %dma_start3A_120 = arith.constant 0 : i32
        %dma_start3A_121 = arith.constant 0 : i32
        %dma_start3A_122 = tpu.memref_slice %arg2[%dma_start3A_120, %dma_start3A_121] : memref<10112x128xf32, #tpu.memory_space<hbm>> -> memref<10112x128xf32, #tpu.memory_space<hbm>>
        tpu.enqueue_indirect_dma source(%dma_start3A_122 : memref<10112x128xf32, #tpu.memory_space<hbm>>) target(%arg7 : memref<128x128xf32, #tpu.memory_space<vmem>>) offsets(%dma_start3A_119 : memref<128xi32, #tpu.memory_space<vmem>>) semaphore(%arg10 : memref<!tpu.dma_semaphore, #tpu.memory_space<semaphore_mem>>)
        %dma_wait3A_123 = arith.constant 0 : i32
        %dma_wait3A_124 = arith.constant 0 : i32
        %dma_wait3A_125 = tpu.memref_slice %arg5[%mul3A_113, %dma_wait3A_123, %dma_wait3A_124] : memref<64x2x128xi32, #tpu.memory_space<vmem>> -> memref<1x1x128xi32, #tpu.memory_space<vmem>>
        %dma_wait3A_126 = tpu.memref_squeeze %dma_wait3A_125 : memref<1x1x128xi32, #tpu.memory_space<vmem>> -> memref<128xi32, #tpu.memory_space<vmem>>
        %dma_wait3A_127 = arith.constant 0 : i32
        %dma_wait3A_128 = arith.constant 0 : i32
        %dma_wait3A_129 = tpu.memref_slice %arg2[%dma_wait3A_127, %dma_wait3A_128] : memref<10112x128xf32, #tpu.memory_space<hbm>> -> memref<10112x128xf32, #tpu.memory_space<hbm>>
        tpu.wait_indirect_dma semaphore(%arg9 : memref<!tpu.dma_semaphore, #tpu.memory_space<semaphore_mem>>) src(%dma_wait3A_129 : memref<10112x128xf32, #tpu.memory_space<hbm>>) dst(%arg6 : memref<128x128xf32, #tpu.memory_space<vmem>>)
        %run_scoped3A_130 = arith.constant 1 : i32
        "tpu.region"() ({
          %run_scoped3A_150 = tpu.sem_alloc : memref<!tpu.dma_semaphore, #tpu.memory_space<semaphore_mem>>
          %dma_start3A_151 = arith.constant 0 : i32
          %dma_start3A_152 = tpu.memref_slice %arg5[%mul3A_113, %run_scoped3A_130, %dma_start3A_151] : memref<64x2x128xi32, #tpu.memory_space<vmem>> -> memref<1x1x128xi32, #tpu.memory_space<vmem>>
          %dma_start3A_153 = tpu.memref_squeeze %dma_start3A_152 : memref<1x1x128xi32, #tpu.memory_space<vmem>> -> memref<128xi32, #tpu.memory_space<vmem>>
          %dma_start3A_154 = arith.constant 0 : i32
          %dma_start3A_155 = arith.constant 0 : i32
          %dma_start3A_156 = tpu.memref_slice %arg8[%dma_start3A_154, %dma_start3A_155] : memref<10112x128xf32, #tpu.memory_space<vmem_shared>> -> memref<10112x128xf32, #tpu.memory_space<vmem_shared>>
          tpu.enqueue_indirect_dma source(%arg6 : memref<128x128xf32, #tpu.memory_space<vmem>>) target(%dma_start3A_156 : memref<10112x128xf32, #tpu.memory_space<vmem_shared>>) offsets(%dma_start3A_153 : memref<128xi32, #tpu.memory_space<vmem>>) semaphore(%run_scoped3A_150 : memref<!tpu.dma_semaphore, #tpu.memory_space<semaphore_mem>>) {add = true}
          %dma_wait3A_157 = arith.constant 0 : i32
          %dma_wait3A_158 = tpu.memref_slice %arg5[%mul3A_113, %run_scoped3A_130, %dma_wait3A_157] : memref<64x2x128xi32, #tpu.memory_space<vmem>> -> memref<1x1x128xi32, #tpu.memory_space<vmem>>
          %dma_wait3A_159 = tpu.memref_squeeze %dma_wait3A_158 : memref<1x1x128xi32, #tpu.memory_space<vmem>> -> memref<128xi32, #tpu.memory_space<vmem>>
          %dma_wait3A_160 = arith.constant 0 : i32
          %dma_wait3A_161 = arith.constant 0 : i32
          %dma_wait3A_162 = tpu.memref_slice %arg8[%dma_wait3A_160, %dma_wait3A_161] : memref<10112x128xf32, #tpu.memory_space<vmem_shared>> -> memref<10112x128xf32, #tpu.memory_space<vmem_shared>>
          tpu.wait_indirect_dma semaphore(%run_scoped3A_150 : memref<!tpu.dma_semaphore, #tpu.memory_space<semaphore_mem>>) src(%arg6 : memref<128x128xf32, #tpu.memory_space<vmem>>) dst(%dma_wait3A_162 : memref<10112x128xf32, #tpu.memory_space<vmem_shared>>)
          tpu.yield
        }) : () -> ()
        %add3A_131 = arith.constant 2 : i32
        %add3A_132 = arith.addi %mul3A_113, %add3A_131 : i32
        %dma_start3A_133 = arith.constant 0 : i32
        %dma_start3A_134 = arith.constant 0 : i32
        %dma_start3A_135 = tpu.memref_slice %arg5[%add3A_132, %dma_start3A_133, %dma_start3A_134] : memref<64x2x128xi32, #tpu.memory_space<vmem>> -> memref<1x1x128xi32, #tpu.memory_space<vmem>>
        %dma_start3A_136 = tpu.memref_squeeze %dma_start3A_135 : memref<1x1x128xi32, #tpu.memory_space<vmem>> -> memref<128xi32, #tpu.memory_space<vmem>>
        %dma_start3A_137 = arith.constant 0 : i32
        %dma_start3A_138 = arith.constant 0 : i32
        %dma_start3A_139 = tpu.memref_slice %arg2[%dma_start3A_137, %dma_start3A_138] : memref<10112x128xf32, #tpu.memory_space<hbm>> -> memref<10112x128xf32, #tpu.memory_space<hbm>>
        tpu.enqueue_indirect_dma source(%dma_start3A_139 : memref<10112x128xf32, #tpu.memory_space<hbm>>) target(%arg6 : memref<128x128xf32, #tpu.memory_space<vmem>>) offsets(%dma_start3A_136 : memref<128xi32, #tpu.memory_space<vmem>>) semaphore(%arg9 : memref<!tpu.dma_semaphore, #tpu.memory_space<semaphore_mem>>)
        %add3A_140 = arith.constant 1 : i32
        %add3A_141 = arith.addi %mul3A_113, %add3A_140 : i32
        %dma_wait3A_142 = arith.constant 0 : i32
        %dma_wait3A_143 = arith.constant 0 : i32
        %dma_wait3A_144 = tpu.memref_slice %arg5[%add3A_141, %dma_wait3A_142, %dma_wait3A_143] : memref<64x2x128xi32, #tpu.memory_space<vmem>> -> memref<1x1x128xi32, #tpu.memory_space<vmem>>
        %dma_wait3A_145 = tpu.memref_squeeze %dma_wait3A_144 : memref<1x1x128xi32, #tpu.memory_space<vmem>> -> memref<128xi32, #tpu.memory_space<vmem>>
        %dma_wait3A_146 = arith.constant 0 : i32
        %dma_wait3A_147 = arith.constant 0 : i32
        %dma_wait3A_148 = tpu.memref_slice %arg2[%dma_wait3A_146, %dma_wait3A_147] : memref<10112x128xf32, #tpu.memory_space<hbm>> -> memref<10112x128xf32, #tpu.memory_space<hbm>>
        tpu.wait_indirect_dma semaphore(%arg10 : memref<!tpu.dma_semaphore, #tpu.memory_space<semaphore_mem>>) src(%dma_wait3A_148 : memref<10112x128xf32, #tpu.memory_space<hbm>>) dst(%arg7 : memref<128x128xf32, #tpu.memory_space<vmem>>)
        %run_scoped3A_149 = arith.constant 1 : i32
        "tpu.region"() ({
          %run_scoped3A_150 = tpu.sem_alloc : memref<!tpu.dma_semaphore, #tpu.memory_space<semaphore_mem>>
          %dma_start3A_151 = arith.constant 0 : i32
          %dma_start3A_152 = tpu.memref_slice %arg5[%add3A_141, %run_scoped3A_149, %dma_start3A_151] : memref<64x2x128xi32, #tpu.memory_space<vmem>> -> memref<1x1x128xi32, #tpu.memory_space<vmem>>
          %dma_start3A_153 = tpu.memref_squeeze %dma_start3A_152 : memref<1x1x128xi32, #tpu.memory_space<vmem>> -> memref<128xi32, #tpu.memory_space<vmem>>
          %dma_start3A_154 = arith.constant 0 : i32
          %dma_start3A_155 = arith.constant 0 : i32
          %dma_start3A_156 = tpu.memref_slice %arg8[%dma_start3A_154, %dma_start3A_155] : memref<10112x128xf32, #tpu.memory_space<vmem_shared>> -> memref<10112x128xf32, #tpu.memory_space<vmem_shared>>
          tpu.enqueue_indirect_dma source(%arg7 : memref<128x128xf32, #tpu.memory_space<vmem>>) target(%dma_start3A_156 : memref<10112x128xf32, #tpu.memory_space<vmem_shared>>) offsets(%dma_start3A_153 : memref<128xi32, #tpu.memory_space<vmem>>) semaphore(%run_scoped3A_150 : memref<!tpu.dma_semaphore, #tpu.memory_space<semaphore_mem>>) {add = true}
          %dma_wait3A_157 = arith.constant 0 : i32
          %dma_wait3A_158 = tpu.memref_slice %arg5[%add3A_141, %run_scoped3A_149, %dma_wait3A_157] : memref<64x2x128xi32, #tpu.memory_space<vmem>> -> memref<1x1x128xi32, #tpu.memory_space<vmem>>
          %dma_wait3A_159 = tpu.memref_squeeze %dma_wait3A_158 : memref<1x1x128xi32, #tpu.memory_space<vmem>> -> memref<128xi32, #tpu.memory_space<vmem>>
          %dma_wait3A_160 = arith.constant 0 : i32
          %dma_wait3A_161 = arith.constant 0 : i32
          %dma_wait3A_162 = tpu.memref_slice %arg8[%dma_wait3A_160, %dma_wait3A_161] : memref<10112x128xf32, #tpu.memory_space<vmem_shared>> -> memref<10112x128xf32, #tpu.memory_space<vmem_shared>>
          tpu.wait_indirect_dma semaphore(%run_scoped3A_150 : memref<!tpu.dma_semaphore, #tpu.memory_space<semaphore_mem>>) src(%arg7 : memref<128x128xf32, #tpu.memory_space<vmem>>) dst(%dma_wait3A_162 : memref<10112x128xf32, #tpu.memory_space<vmem_shared>>)
          tpu.yield
        }) : () -> ()
      }
      %scan3A_82 = arith.constant 31 : i32
      %dma_start3A_83 = arith.constant 63 : i32
      %dma_start3A_84 = arith.constant 0 : i32
      %dma_start3A_85 = arith.constant 0 : i32
      %dma_start3A_86 = tpu.memref_slice %arg5[%dma_start3A_83, %dma_start3A_84, %dma_start3A_85] : memref<64x2x128xi32, #tpu.memory_space<vmem>> -> memref<1x1x128xi32, #tpu.memory_space<vmem>>
      %dma_start3A_87 = tpu.memref_squeeze %dma_start3A_86 : memref<1x1x128xi32, #tpu.memory_space<vmem>> -> memref<128xi32, #tpu.memory_space<vmem>>
      %dma_start3A_88 = arith.constant 0 : i32
      %dma_start3A_89 = arith.constant 0 : i32
      %dma_start3A_90 = tpu.memref_slice %arg2[%dma_start3A_88, %dma_start3A_89] : memref<10112x128xf32, #tpu.memory_space<hbm>> -> memref<10112x128xf32, #tpu.memory_space<hbm>>
      tpu.enqueue_indirect_dma source(%dma_start3A_90 : memref<10112x128xf32, #tpu.memory_space<hbm>>) target(%arg7 : memref<128x128xf32, #tpu.memory_space<vmem>>) offsets(%dma_start3A_87 : memref<128xi32, #tpu.memory_space<vmem>>) semaphore(%arg10 : memref<!tpu.dma_semaphore, #tpu.memory_space<semaphore_mem>>)
      %dma_wait3A_91 = arith.constant 62 : i32
      %dma_wait3A_92 = arith.constant 0 : i32
      %dma_wait3A_93 = arith.constant 0 : i32
      %dma_wait3A_94 = tpu.memref_slice %arg5[%dma_wait3A_91, %dma_wait3A_92, %dma_wait3A_93] : memref<64x2x128xi32, #tpu.memory_space<vmem>> -> memref<1x1x128xi32, #tpu.memory_space<vmem>>
      %dma_wait3A_95 = tpu.memref_squeeze %dma_wait3A_94 : memref<1x1x128xi32, #tpu.memory_space<vmem>> -> memref<128xi32, #tpu.memory_space<vmem>>
      %dma_wait3A_96 = arith.constant 0 : i32
      %dma_wait3A_97 = arith.constant 0 : i32
      %dma_wait3A_98 = tpu.memref_slice %arg2[%dma_wait3A_96, %dma_wait3A_97] : memref<10112x128xf32, #tpu.memory_space<hbm>> -> memref<10112x128xf32, #tpu.memory_space<hbm>>
      tpu.wait_indirect_dma semaphore(%arg9 : memref<!tpu.dma_semaphore, #tpu.memory_space<semaphore_mem>>) src(%dma_wait3A_98 : memref<10112x128xf32, #tpu.memory_space<hbm>>) dst(%arg6 : memref<128x128xf32, #tpu.memory_space<vmem>>)
      %run_scoped3A_99 = arith.constant 62 : i32
      %run_scoped3A_100 = arith.constant 1 : i32
      "tpu.region"() ({
        %run_scoped3A_111 = tpu.sem_alloc : memref<!tpu.dma_semaphore, #tpu.memory_space<semaphore_mem>>
        %dma_start3A_112 = arith.constant 0 : i32
        %dma_start3A_113 = tpu.memref_slice %arg5[%run_scoped3A_99, %run_scoped3A_100, %dma_start3A_112] : memref<64x2x128xi32, #tpu.memory_space<vmem>> -> memref<1x1x128xi32, #tpu.memory_space<vmem>>
        %dma_start3A_114 = tpu.memref_squeeze %dma_start3A_113 : memref<1x1x128xi32, #tpu.memory_space<vmem>> -> memref<128xi32, #tpu.memory_space<vmem>>
        %dma_start3A_115 = arith.constant 0 : i32
        %dma_start3A_116 = arith.constant 0 : i32
        %dma_start3A_117 = tpu.memref_slice %arg8[%dma_start3A_115, %dma_start3A_116] : memref<10112x128xf32, #tpu.memory_space<vmem_shared>> -> memref<10112x128xf32, #tpu.memory_space<vmem_shared>>
        tpu.enqueue_indirect_dma source(%arg6 : memref<128x128xf32, #tpu.memory_space<vmem>>) target(%dma_start3A_117 : memref<10112x128xf32, #tpu.memory_space<vmem_shared>>) offsets(%dma_start3A_114 : memref<128xi32, #tpu.memory_space<vmem>>) semaphore(%run_scoped3A_111 : memref<!tpu.dma_semaphore, #tpu.memory_space<semaphore_mem>>) {add = true}
        %dma_wait3A_118 = arith.constant 0 : i32
        %dma_wait3A_119 = tpu.memref_slice %arg5[%run_scoped3A_99, %run_scoped3A_100, %dma_wait3A_118] : memref<64x2x128xi32, #tpu.memory_space<vmem>> -> memref<1x1x128xi32, #tpu.memory_space<vmem>>
        %dma_wait3A_120 = tpu.memref_squeeze %dma_wait3A_119 : memref<1x1x128xi32, #tpu.memory_space<vmem>> -> memref<128xi32, #tpu.memory_space<vmem>>
        %dma_wait3A_121 = arith.constant 0 : i32
        %dma_wait3A_122 = arith.constant 0 : i32
        %dma_wait3A_123 = tpu.memref_slice %arg8[%dma_wait3A_121, %dma_wait3A_122] : memref<10112x128xf32, #tpu.memory_space<vmem_shared>> -> memref<10112x128xf32, #tpu.memory_space<vmem_shared>>
        tpu.wait_indirect_dma semaphore(%run_scoped3A_111 : memref<!tpu.dma_semaphore, #tpu.memory_space<semaphore_mem>>) src(%arg6 : memref<128x128xf32, #tpu.memory_space<vmem>>) dst(%dma_wait3A_123 : memref<10112x128xf32, #tpu.memory_space<vmem_shared>>)
        tpu.yield
      }) : () -> ()
      %dma_wait3A_101 = arith.constant 63 : i32
      %dma_wait3A_102 = arith.constant 0 : i32
      %dma_wait3A_103 = arith.constant 0 : i32
      %dma_wait3A_104 = tpu.memref_slice %arg5[%dma_wait3A_101, %dma_wait3A_102, %dma_wait3A_103] : memref<64x2x128xi32, #tpu.memory_space<vmem>> -> memref<1x1x128xi32, #tpu.memory_space<vmem>>
      %dma_wait3A_105 = tpu.memref_squeeze %dma_wait3A_104 : memref<1x1x128xi32, #tpu.memory_space<vmem>> -> memref<128xi32, #tpu.memory_space<vmem>>
      %dma_wait3A_106 = arith.constant 0 : i32
      %dma_wait3A_107 = arith.constant 0 : i32
      %dma_wait3A_108 = tpu.memref_slice %arg2[%dma_wait3A_106, %dma_wait3A_107] : memref<10112x128xf32, #tpu.memory_space<hbm>> -> memref<10112x128xf32, #tpu.memory_space<hbm>>
      tpu.wait_indirect_dma semaphore(%arg10 : memref<!tpu.dma_semaphore, #tpu.memory_space<semaphore_mem>>) src(%dma_wait3A_108 : memref<10112x128xf32, #tpu.memory_space<hbm>>) dst(%arg7 : memref<128x128xf32, #tpu.memory_space<vmem>>)
      %run_scoped3A_109 = arith.constant 63 : i32
      %run_scoped3A_110 = arith.constant 1 : i32
      "tpu.region"() ({
        %run_scoped3A_111 = tpu.sem_alloc : memref<!tpu.dma_semaphore, #tpu.memory_space<semaphore_mem>>
        %dma_start3A_112 = arith.constant 0 : i32
        %dma_start3A_113 = tpu.memref_slice %arg5[%run_scoped3A_109, %run_scoped3A_110, %dma_start3A_112] : memref<64x2x128xi32, #tpu.memory_space<vmem>> -> memref<1x1x128xi32, #tpu.memory_space<vmem>>
        %dma_start3A_114 = tpu.memref_squeeze %dma_start3A_113 : memref<1x1x128xi32, #tpu.memory_space<vmem>> -> memref<128xi32, #tpu.memory_space<vmem>>
        %dma_start3A_115 = arith.constant 0 : i32
        %dma_start3A_116 = arith.constant 0 : i32
        %dma_start3A_117 = tpu.memref_slice %arg8[%dma_start3A_115, %dma_start3A_116] : memref<10112x128xf32, #tpu.memory_space<vmem_shared>> -> memref<10112x128xf32, #tpu.memory_space<vmem_shared>>
        tpu.enqueue_indirect_dma source(%arg7 : memref<128x128xf32, #tpu.memory_space<vmem>>) target(%dma_start3A_117 : memref<10112x128xf32, #tpu.memory_space<vmem_shared>>) offsets(%dma_start3A_114 : memref<128xi32, #tpu.memory_space<vmem>>) semaphore(%run_scoped3A_111 : memref<!tpu.dma_semaphore, #tpu.memory_space<semaphore_mem>>) {add = true}
        %dma_wait3A_118 = arith.constant 0 : i32
        %dma_wait3A_119 = tpu.memref_slice %arg5[%run_scoped3A_109, %run_scoped3A_110, %dma_wait3A_118] : memref<64x2x128xi32, #tpu.memory_space<vmem>> -> memref<1x1x128xi32, #tpu.memory_space<vmem>>
        %dma_wait3A_120 = tpu.memref_squeeze %dma_wait3A_119 : memref<1x1x128xi32, #tpu.memory_space<vmem>> -> memref<128xi32, #tpu.memory_space<vmem>>
        %dma_wait3A_121 = arith.constant 0 : i32
        %dma_wait3A_122 = arith.constant 0 : i32
        %dma_wait3A_123 = tpu.memref_slice %arg8[%dma_wait3A_121, %dma_wait3A_122] : memref<10112x128xf32, #tpu.memory_space<vmem_shared>> -> memref<10112x128xf32, #tpu.memory_space<vmem_shared>>
        tpu.wait_indirect_dma semaphore(%run_scoped3A_111 : memref<!tpu.dma_semaphore, #tpu.memory_space<semaphore_mem>>) src(%arg7 : memref<128x128xf32, #tpu.memory_space<vmem>>) dst(%dma_wait3A_123 : memref<10112x128xf32, #tpu.memory_space<vmem_shared>>)
        tpu.yield
      }) : () -> ()
    } else {
    }
    %eq3A_18 = arith.constant 1 : i32
    %eq3A_19 = arith.cmpi eq, %arg0, %eq3A_18 : i32
    %convert_element_type3A_20 = arith.extui %eq3A_19 : i1 to i32
    %cond3A_21 = arith.constant 0 : i32
    %cond3A_22 = arith.cmpi ne, %convert_element_type3A_20, %cond3A_21 : i32
    scf.if %cond3A_22 {
      %mul3A_24 = arith.constant 32 : i32
      %mul3A_25 = arith.muli %arg1, %mul3A_24 : i32
      %add3A_26 = arith.constant 2048 : i32
      %add3A_27 = arith.addi %add3A_26, %mul3A_25 : i32
      "tpu.region"() ({
        %run_scoped3A_67 = tpu.sem_alloc : memref<!tpu.dma_semaphore, #tpu.memory_space<semaphore_mem>>
        %dma_start3A_68 = arith.constant 0 : i32
        %dma_start3A_69 = arith.constant 0 : i32
        %dma_start3A_70 = arith.constant 0 : i32
        %dma_start3A_71 = tpu.memref_slice %arg5[%dma_start3A_68, %dma_start3A_69, %dma_start3A_70] : memref<64x2x128xi32, #tpu.memory_space<vmem>> -> memref<32x2x128xi32, #tpu.memory_space<vmem>>
        %dma_start3A_72 = arith.constant 0 : i32
        %dma_start3A_73 = arith.constant 0 : i32
        %dma_start3A_74 = tpu.memref_slice %arg3[%add3A_27, %dma_start3A_72, %dma_start3A_73] : memref<2560x2x128xi32, #tpu.memory_space<hbm>> -> memref<32x2x128xi32, #tpu.memory_space<hbm>>
        %dma_start3A_75 = arith.constant 0 : i32
        %dma_start3A_76 = arith.constant 0 : i32
        %dma_start3A_77 = arith.constant 0 : i32
        %dma_start3A_78 = tpu.memref_slice %arg5[%dma_start3A_75, %dma_start3A_76, %dma_start3A_77] : memref<64x2x128xi32, #tpu.memory_space<vmem>> -> memref<32x2x128xi32, #tpu.memory_space<vmem>>
        %dma_start3A_79 = arith.constant 0 : i32
        %dma_start3A_80 = arith.constant 0 : i32
        %dma_start3A_81 = tpu.memref_slice %arg3[%add3A_27, %dma_start3A_79, %dma_start3A_80] : memref<2560x2x128xi32, #tpu.memory_space<hbm>> -> memref<32x2x128xi32, #tpu.memory_space<hbm>>
        tpu.enqueue_dma source(%dma_start3A_81 : memref<32x2x128xi32, #tpu.memory_space<hbm>>) target(%dma_start3A_78 : memref<32x2x128xi32, #tpu.memory_space<vmem>>) target_semaphore(%run_scoped3A_67 : memref<!tpu.dma_semaphore, #tpu.memory_space<semaphore_mem>>)
        %dma_wait3A_82 = arith.constant 0 : i32
        %dma_wait3A_83 = arith.constant 0 : i32
        %dma_wait3A_84 = arith.constant 0 : i32
        %dma_wait3A_85 = tpu.memref_slice %arg5[%dma_wait3A_82, %dma_wait3A_83, %dma_wait3A_84] : memref<64x2x128xi32, #tpu.memory_space<vmem>> -> memref<32x2x128xi32, #tpu.memory_space<vmem>>
        %dma_wait3A_86 = arith.constant 0 : i32
        %dma_wait3A_87 = arith.constant 0 : i32
        %dma_wait3A_88 = tpu.memref_slice %arg3[%add3A_27, %dma_wait3A_86, %dma_wait3A_87] : memref<2560x2x128xi32, #tpu.memory_space<hbm>> -> memref<32x2x128xi32, #tpu.memory_space<hbm>>
        %dma_wait3A_89 = arith.constant 0 : i32
        %dma_wait3A_90 = arith.constant 0 : i32
        %dma_wait3A_91 = arith.constant 0 : i32
        %dma_wait3A_92 = tpu.memref_slice %arg5[%dma_wait3A_89, %dma_wait3A_90, %dma_wait3A_91] : memref<64x2x128xi32, #tpu.memory_space<vmem>> -> memref<32x2x128xi32, #tpu.memory_space<vmem>>
        %dma_wait3A_93 = arith.constant 0 : i32
        %dma_wait3A_94 = arith.constant 0 : i32
        %dma_wait3A_95 = tpu.memref_slice %arg3[%add3A_27, %dma_wait3A_93, %dma_wait3A_94] : memref<2560x2x128xi32, #tpu.memory_space<hbm>> -> memref<32x2x128xi32, #tpu.memory_space<hbm>>
        tpu.wait_dma2 semaphore(%run_scoped3A_67 : memref<!tpu.dma_semaphore, #tpu.memory_space<semaphore_mem>>) src(%dma_wait3A_95 : memref<32x2x128xi32, #tpu.memory_space<hbm>>) dst(%dma_wait3A_92 : memref<32x2x128xi32, #tpu.memory_space<vmem>>)
        tpu.yield
      }) : () -> ()
      %dma_start3A = arith.constant 0 : i32
      %dma_start3A_28 = arith.constant 0 : i32
      %dma_start3A_29 = arith.constant 0 : i32
      %dma_start3A_30 = tpu.memref_slice %arg5[%dma_start3A, %dma_start3A_28, %dma_start3A_29] : memref<64x2x128xi32, #tpu.memory_space<vmem>> -> memref<1x1x128xi32, #tpu.memory_space<vmem>>
      %dma_start3A_31 = tpu.memref_squeeze %dma_start3A_30 : memref<1x1x128xi32, #tpu.memory_space<vmem>> -> memref<128xi32, #tpu.memory_space<vmem>>
      %dma_start3A_32 = arith.constant 0 : i32
      %dma_start3A_33 = arith.constant 0 : i32
      %dma_start3A_34 = tpu.memref_slice %arg2[%dma_start3A_32, %dma_start3A_33] : memref<10112x128xf32, #tpu.memory_space<hbm>> -> memref<10112x128xf32, #tpu.memory_space<hbm>>
      tpu.enqueue_indirect_dma source(%dma_start3A_34 : memref<10112x128xf32, #tpu.memory_space<hbm>>) target(%arg6 : memref<128x128xf32, #tpu.memory_space<vmem>>) offsets(%dma_start3A_31 : memref<128xi32, #tpu.memory_space<vmem>>) semaphore(%arg9 : memref<!tpu.dma_semaphore, #tpu.memory_space<semaphore_mem>>)
      %scan3A_35 = arith.constant 0 : i32
      %scan3A_36 = arith.constant 0 : i32
      %scan3A_37 = arith.constant 15 : i32
      %scan3A_38 = arith.addi %scan3A_36, %scan3A_37 : i32
      %scan3A_39 = arith.constant 1 : i32
      scf.for %scan3A_67 = %scan3A_36 to %scan3A_38 step %scan3A_39  : i32 {
        %mul3A_68 = arith.constant 2 : i32
        %mul3A_69 = arith.muli %mul3A_68, %scan3A_67 : i32
        %add3A_70 = arith.constant 1 : i32
        %add3A_71 = arith.addi %mul3A_69, %add3A_70 : i32
        %dma_start3A_72 = arith.constant 0 : i32
        %dma_start3A_73 = arith.constant 0 : i32
        %dma_start3A_74 = tpu.memref_slice %arg5[%add3A_71, %dma_start3A_72, %dma_start3A_73] : memref<64x2x128xi32, #tpu.memory_space<vmem>> -> memref<1x1x128xi32, #tpu.memory_space<vmem>>
        %dma_start3A_75 = tpu.memref_squeeze %dma_start3A_74 : memref<1x1x128xi32, #tpu.memory_space<vmem>> -> memref<128xi32, #tpu.memory_space<vmem>>
        %dma_start3A_76 = arith.constant 0 : i32
        %dma_start3A_77 = arith.constant 0 : i32
        %dma_start3A_78 = tpu.memref_slice %arg2[%dma_start3A_76, %dma_start3A_77] : memref<10112x128xf32, #tpu.memory_space<hbm>> -> memref<10112x128xf32, #tpu.memory_space<hbm>>
        tpu.enqueue_indirect_dma source(%dma_start3A_78 : memref<10112x128xf32, #tpu.memory_space<hbm>>) target(%arg7 : memref<128x128xf32, #tpu.memory_space<vmem>>) offsets(%dma_start3A_75 : memref<128xi32, #tpu.memory_space<vmem>>) semaphore(%arg10 : memref<!tpu.dma_semaphore, #tpu.memory_space<semaphore_mem>>)
        %dma_wait3A_79 = arith.constant 0 : i32
        %dma_wait3A_80 = arith.constant 0 : i32
        %dma_wait3A_81 = tpu.memref_slice %arg5[%mul3A_69, %dma_wait3A_79, %dma_wait3A_80] : memref<64x2x128xi32, #tpu.memory_space<vmem>> -> memref<1x1x128xi32, #tpu.memory_space<vmem>>
        %dma_wait3A_82 = tpu.memref_squeeze %dma_wait3A_81 : memref<1x1x128xi32, #tpu.memory_space<vmem>> -> memref<128xi32, #tpu.memory_space<vmem>>
        %dma_wait3A_83 = arith.constant 0 : i32
        %dma_wait3A_84 = arith.constant 0 : i32
        %dma_wait3A_85 = tpu.memref_slice %arg2[%dma_wait3A_83, %dma_wait3A_84] : memref<10112x128xf32, #tpu.memory_space<hbm>> -> memref<10112x128xf32, #tpu.memory_space<hbm>>
        tpu.wait_indirect_dma semaphore(%arg9 : memref<!tpu.dma_semaphore, #tpu.memory_space<semaphore_mem>>) src(%dma_wait3A_85 : memref<10112x128xf32, #tpu.memory_space<hbm>>) dst(%arg6 : memref<128x128xf32, #tpu.memory_space<vmem>>)
        %run_scoped3A_86 = arith.constant 1 : i32
        "tpu.region"() ({
          %run_scoped3A_106 = tpu.sem_alloc : memref<!tpu.dma_semaphore, #tpu.memory_space<semaphore_mem>>
          %dma_start3A_107 = arith.constant 0 : i32
          %dma_start3A_108 = tpu.memref_slice %arg5[%mul3A_69, %run_scoped3A_86, %dma_start3A_107] : memref<64x2x128xi32, #tpu.memory_space<vmem>> -> memref<1x1x128xi32, #tpu.memory_space<vmem>>
          %dma_start3A_109 = tpu.memref_squeeze %dma_start3A_108 : memref<1x1x128xi32, #tpu.memory_space<vmem>> -> memref<128xi32, #tpu.memory_space<vmem>>
          %dma_start3A_110 = arith.constant 0 : i32
          %dma_start3A_111 = arith.constant 0 : i32
          %dma_start3A_112 = tpu.memref_slice %arg8[%dma_start3A_110, %dma_start3A_111] : memref<10112x128xf32, #tpu.memory_space<vmem_shared>> -> memref<10112x128xf32, #tpu.memory_space<vmem_shared>>
          tpu.enqueue_indirect_dma source(%arg6 : memref<128x128xf32, #tpu.memory_space<vmem>>) target(%dma_start3A_112 : memref<10112x128xf32, #tpu.memory_space<vmem_shared>>) offsets(%dma_start3A_109 : memref<128xi32, #tpu.memory_space<vmem>>) semaphore(%run_scoped3A_106 : memref<!tpu.dma_semaphore, #tpu.memory_space<semaphore_mem>>) {add = true}
          %dma_wait3A_113 = arith.constant 0 : i32
          %dma_wait3A_114 = tpu.memref_slice %arg5[%mul3A_69, %run_scoped3A_86, %dma_wait3A_113] : memref<64x2x128xi32, #tpu.memory_space<vmem>> -> memref<1x1x128xi32, #tpu.memory_space<vmem>>
          %dma_wait3A_115 = tpu.memref_squeeze %dma_wait3A_114 : memref<1x1x128xi32, #tpu.memory_space<vmem>> -> memref<128xi32, #tpu.memory_space<vmem>>
          %dma_wait3A_116 = arith.constant 0 : i32
          %dma_wait3A_117 = arith.constant 0 : i32
          %dma_wait3A_118 = tpu.memref_slice %arg8[%dma_wait3A_116, %dma_wait3A_117] : memref<10112x128xf32, #tpu.memory_space<vmem_shared>> -> memref<10112x128xf32, #tpu.memory_space<vmem_shared>>
          tpu.wait_indirect_dma semaphore(%run_scoped3A_106 : memref<!tpu.dma_semaphore, #tpu.memory_space<semaphore_mem>>) src(%arg6 : memref<128x128xf32, #tpu.memory_space<vmem>>) dst(%dma_wait3A_118 : memref<10112x128xf32, #tpu.memory_space<vmem_shared>>)
          tpu.yield
        }) : () -> ()
        %add3A_87 = arith.constant 2 : i32
        %add3A_88 = arith.addi %mul3A_69, %add3A_87 : i32
        %dma_start3A_89 = arith.constant 0 : i32
        %dma_start3A_90 = arith.constant 0 : i32
        %dma_start3A_91 = tpu.memref_slice %arg5[%add3A_88, %dma_start3A_89, %dma_start3A_90] : memref<64x2x128xi32, #tpu.memory_space<vmem>> -> memref<1x1x128xi32, #tpu.memory_space<vmem>>
        %dma_start3A_92 = tpu.memref_squeeze %dma_start3A_91 : memref<1x1x128xi32, #tpu.memory_space<vmem>> -> memref<128xi32, #tpu.memory_space<vmem>>
        %dma_start3A_93 = arith.constant 0 : i32
        %dma_start3A_94 = arith.constant 0 : i32
        %dma_start3A_95 = tpu.memref_slice %arg2[%dma_start3A_93, %dma_start3A_94] : memref<10112x128xf32, #tpu.memory_space<hbm>> -> memref<10112x128xf32, #tpu.memory_space<hbm>>
        tpu.enqueue_indirect_dma source(%dma_start3A_95 : memref<10112x128xf32, #tpu.memory_space<hbm>>) target(%arg6 : memref<128x128xf32, #tpu.memory_space<vmem>>) offsets(%dma_start3A_92 : memref<128xi32, #tpu.memory_space<vmem>>) semaphore(%arg9 : memref<!tpu.dma_semaphore, #tpu.memory_space<semaphore_mem>>)
        %add3A_96 = arith.constant 1 : i32
        %add3A_97 = arith.addi %mul3A_69, %add3A_96 : i32
        %dma_wait3A_98 = arith.constant 0 : i32
        %dma_wait3A_99 = arith.constant 0 : i32
        %dma_wait3A_100 = tpu.memref_slice %arg5[%add3A_97, %dma_wait3A_98, %dma_wait3A_99] : memref<64x2x128xi32, #tpu.memory_space<vmem>> -> memref<1x1x128xi32, #tpu.memory_space<vmem>>
        %dma_wait3A_101 = tpu.memref_squeeze %dma_wait3A_100 : memref<1x1x128xi32, #tpu.memory_space<vmem>> -> memref<128xi32, #tpu.memory_space<vmem>>
        %dma_wait3A_102 = arith.constant 0 : i32
        %dma_wait3A_103 = arith.constant 0 : i32
        %dma_wait3A_104 = tpu.memref_slice %arg2[%dma_wait3A_102, %dma_wait3A_103] : memref<10112x128xf32, #tpu.memory_space<hbm>> -> memref<10112x128xf32, #tpu.memory_space<hbm>>
        tpu.wait_indirect_dma semaphore(%arg10 : memref<!tpu.dma_semaphore, #tpu.memory_space<semaphore_mem>>) src(%dma_wait3A_104 : memref<10112x128xf32, #tpu.memory_space<hbm>>) dst(%arg7 : memref<128x128xf32, #tpu.memory_space<vmem>>)
        %run_scoped3A_105 = arith.constant 1 : i32
        "tpu.region"() ({
          %run_scoped3A_106 = tpu.sem_alloc : memref<!tpu.dma_semaphore, #tpu.memory_space<semaphore_mem>>
          %dma_start3A_107 = arith.constant 0 : i32
          %dma_start3A_108 = tpu.memref_slice %arg5[%add3A_97, %run_scoped3A_105, %dma_start3A_107] : memref<64x2x128xi32, #tpu.memory_space<vmem>> -> memref<1x1x128xi32, #tpu.memory_space<vmem>>
          %dma_start3A_109 = tpu.memref_squeeze %dma_start3A_108 : memref<1x1x128xi32, #tpu.memory_space<vmem>> -> memref<128xi32, #tpu.memory_space<vmem>>
          %dma_start3A_110 = arith.constant 0 : i32
          %dma_start3A_111 = arith.constant 0 : i32
          %dma_start3A_112 = tpu.memref_slice %arg8[%dma_start3A_110, %dma_start3A_111] : memref<10112x128xf32, #tpu.memory_space<vmem_shared>> -> memref<10112x128xf32, #tpu.memory_space<vmem_shared>>
          tpu.enqueue_indirect_dma source(%arg7 : memref<128x128xf32, #tpu.memory_space<vmem>>) target(%dma_start3A_112 : memref<10112x128xf32, #tpu.memory_space<vmem_shared>>) offsets(%dma_start3A_109 : memref<128xi32, #tpu.memory_space<vmem>>) semaphore(%run_scoped3A_106 : memref<!tpu.dma_semaphore, #tpu.memory_space<semaphore_mem>>) {add = true}
          %dma_wait3A_113 = arith.constant 0 : i32
          %dma_wait3A_114 = tpu.memref_slice %arg5[%add3A_97, %run_scoped3A_105, %dma_wait3A_113] : memref<64x2x128xi32, #tpu.memory_space<vmem>> -> memref<1x1x128xi32, #tpu.memory_space<vmem>>
          %dma_wait3A_115 = tpu.memref_squeeze %dma_wait3A_114 : memref<1x1x128xi32, #tpu.memory_space<vmem>> -> memref<128xi32, #tpu.memory_space<vmem>>
          %dma_wait3A_116 = arith.constant 0 : i32
          %dma_wait3A_117 = arith.constant 0 : i32
          %dma_wait3A_118 = tpu.memref_slice %arg8[%dma_wait3A_116, %dma_wait3A_117] : memref<10112x128xf32, #tpu.memory_space<vmem_shared>> -> memref<10112x128xf32, #tpu.memory_space<vmem_shared>>
          tpu.wait_indirect_dma semaphore(%run_scoped3A_106 : memref<!tpu.dma_semaphore, #tpu.memory_space<semaphore_mem>>) src(%arg7 : memref<128x128xf32, #tpu.memory_space<vmem>>) dst(%dma_wait3A_118 : memref<10112x128xf32, #tpu.memory_space<vmem_shared>>)
          tpu.yield
        }) : () -> ()
      }
      %scan3A_40 = arith.constant 15 : i32
      %dma_start3A_41 = arith.constant 31 : i32
      %dma_start3A_42 = arith.constant 0 : i32
      %dma_start3A_43 = arith.constant 0 : i32
      %dma_start3A_44 = tpu.memref_slice %arg5[%dma_start3A_41, %dma_start3A_42, %dma_start3A_43] : memref<64x2x128xi32, #tpu.memory_space<vmem>> -> memref<1x1x128xi32, #tpu.memory_space<vmem>>
      %dma_start3A_45 = tpu.memref_squeeze %dma_start3A_44 : memref<1x1x128xi32, #tpu.memory_space<vmem>> -> memref<128xi32, #tpu.memory_space<vmem>>
      %dma_start3A_46 = arith.constant 0 : i32
      %dma_start3A_47 = arith.constant 0 : i32
      %dma_start3A_48 = tpu.memref_slice %arg2[%dma_start3A_46, %dma_start3A_47] : memref<10112x128xf32, #tpu.memory_space<hbm>> -> memref<10112x128xf32, #tpu.memory_space<hbm>>
      tpu.enqueue_indirect_dma source(%dma_start3A_48 : memref<10112x128xf32, #tpu.memory_space<hbm>>) target(%arg7 : memref<128x128xf32, #tpu.memory_space<vmem>>) offsets(%dma_start3A_45 : memref<128xi32, #tpu.memory_space<vmem>>) semaphore(%arg10 : memref<!tpu.dma_semaphore, #tpu.memory_space<semaphore_mem>>)
      %dma_wait3A = arith.constant 30 : i32
      %dma_wait3A_49 = arith.constant 0 : i32
      %dma_wait3A_50 = arith.constant 0 : i32
      %dma_wait3A_51 = tpu.memref_slice %arg5[%dma_wait3A, %dma_wait3A_49, %dma_wait3A_50] : memref<64x2x128xi32, #tpu.memory_space<vmem>> -> memref<1x1x128xi32, #tpu.memory_space<vmem>>
      %dma_wait3A_52 = tpu.memref_squeeze %dma_wait3A_51 : memref<1x1x128xi32, #tpu.memory_space<vmem>> -> memref<128xi32, #tpu.memory_space<vmem>>
      %dma_wait3A_53 = arith.constant 0 : i32
      %dma_wait3A_54 = arith.constant 0 : i32
      %dma_wait3A_55 = tpu.memref_slice %arg2[%dma_wait3A_53, %dma_wait3A_54] : memref<10112x128xf32, #tpu.memory_space<hbm>> -> memref<10112x128xf32, #tpu.memory_space<hbm>>
      tpu.wait_indirect_dma semaphore(%arg9 : memref<!tpu.dma_semaphore, #tpu.memory_space<semaphore_mem>>) src(%dma_wait3A_55 : memref<10112x128xf32, #tpu.memory_space<hbm>>) dst(%arg6 : memref<128x128xf32, #tpu.memory_space<vmem>>)
      %run_scoped3A = arith.constant 30 : i32
      %run_scoped3A_56 = arith.constant 1 : i32
      "tpu.region"() ({
        %run_scoped3A_67 = tpu.sem_alloc : memref<!tpu.dma_semaphore, #tpu.memory_space<semaphore_mem>>
        %dma_start3A_68 = arith.constant 0 : i32
        %dma_start3A_69 = tpu.memref_slice %arg5[%run_scoped3A, %run_scoped3A_56, %dma_start3A_68] : memref<64x2x128xi32, #tpu.memory_space<vmem>> -> memref<1x1x128xi32, #tpu.memory_space<vmem>>
        %dma_start3A_70 = tpu.memref_squeeze %dma_start3A_69 : memref<1x1x128xi32, #tpu.memory_space<vmem>> -> memref<128xi32, #tpu.memory_space<vmem>>
        %dma_start3A_71 = arith.constant 0 : i32
        %dma_start3A_72 = arith.constant 0 : i32
        %dma_start3A_73 = tpu.memref_slice %arg8[%dma_start3A_71, %dma_start3A_72] : memref<10112x128xf32, #tpu.memory_space<vmem_shared>> -> memref<10112x128xf32, #tpu.memory_space<vmem_shared>>
        tpu.enqueue_indirect_dma source(%arg6 : memref<128x128xf32, #tpu.memory_space<vmem>>) target(%dma_start3A_73 : memref<10112x128xf32, #tpu.memory_space<vmem_shared>>) offsets(%dma_start3A_70 : memref<128xi32, #tpu.memory_space<vmem>>) semaphore(%run_scoped3A_67 : memref<!tpu.dma_semaphore, #tpu.memory_space<semaphore_mem>>) {add = true}
        %dma_wait3A_74 = arith.constant 0 : i32
        %dma_wait3A_75 = tpu.memref_slice %arg5[%run_scoped3A, %run_scoped3A_56, %dma_wait3A_74] : memref<64x2x128xi32, #tpu.memory_space<vmem>> -> memref<1x1x128xi32, #tpu.memory_space<vmem>>
        %dma_wait3A_76 = tpu.memref_squeeze %dma_wait3A_75 : memref<1x1x128xi32, #tpu.memory_space<vmem>> -> memref<128xi32, #tpu.memory_space<vmem>>
        %dma_wait3A_77 = arith.constant 0 : i32
        %dma_wait3A_78 = arith.constant 0 : i32
        %dma_wait3A_79 = tpu.memref_slice %arg8[%dma_wait3A_77, %dma_wait3A_78] : memref<10112x128xf32, #tpu.memory_space<vmem_shared>> -> memref<10112x128xf32, #tpu.memory_space<vmem_shared>>
        tpu.wait_indirect_dma semaphore(%run_scoped3A_67 : memref<!tpu.dma_semaphore, #tpu.memory_space<semaphore_mem>>) src(%arg6 : memref<128x128xf32, #tpu.memory_space<vmem>>) dst(%dma_wait3A_79 : memref<10112x128xf32, #tpu.memory_space<vmem_shared>>)
        tpu.yield
      }) : () -> ()
      %dma_wait3A_57 = arith.constant 31 : i32
      %dma_wait3A_58 = arith.constant 0 : i32
      %dma_wait3A_59 = arith.constant 0 : i32
      %dma_wait3A_60 = tpu.memref_slice %arg5[%dma_wait3A_57, %dma_wait3A_58, %dma_wait3A_59] : memref<64x2x128xi32, #tpu.memory_space<vmem>> -> memref<1x1x128xi32, #tpu.memory_space<vmem>>
      %dma_wait3A_61 = tpu.memref_squeeze %dma_wait3A_60 : memref<1x1x128xi32, #tpu.memory_space<vmem>> -> memref<128xi32, #tpu.memory_space<vmem>>
      %dma_wait3A_62 = arith.constant 0 : i32
      %dma_wait3A_63 = arith.constant 0 : i32
      %dma_wait3A_64 = tpu.memref_slice %arg2[%dma_wait3A_62, %dma_wait3A_63] : memref<10112x128xf32, #tpu.memory_space<hbm>> -> memref<10112x128xf32, #tpu.memory_space<hbm>>
      tpu.wait_indirect_dma semaphore(%arg10 : memref<!tpu.dma_semaphore, #tpu.memory_space<semaphore_mem>>) src(%dma_wait3A_64 : memref<10112x128xf32, #tpu.memory_space<hbm>>) dst(%arg7 : memref<128x128xf32, #tpu.memory_space<vmem>>)
      %run_scoped3A_65 = arith.constant 31 : i32
      %run_scoped3A_66 = arith.constant 1 : i32
      "tpu.region"() ({
        %run_scoped3A_67 = tpu.sem_alloc : memref<!tpu.dma_semaphore, #tpu.memory_space<semaphore_mem>>
        %dma_start3A_68 = arith.constant 0 : i32
        %dma_start3A_69 = tpu.memref_slice %arg5[%run_scoped3A_65, %run_scoped3A_66, %dma_start3A_68] : memref<64x2x128xi32, #tpu.memory_space<vmem>> -> memref<1x1x128xi32, #tpu.memory_space<vmem>>
        %dma_start3A_70 = tpu.memref_squeeze %dma_start3A_69 : memref<1x1x128xi32, #tpu.memory_space<vmem>> -> memref<128xi32, #tpu.memory_space<vmem>>
        %dma_start3A_71 = arith.constant 0 : i32
        %dma_start3A_72 = arith.constant 0 : i32
        %dma_start3A_73 = tpu.memref_slice %arg8[%dma_start3A_71, %dma_start3A_72] : memref<10112x128xf32, #tpu.memory_space<vmem_shared>> -> memref<10112x128xf32, #tpu.memory_space<vmem_shared>>
        tpu.enqueue_indirect_dma source(%arg7 : memref<128x128xf32, #tpu.memory_space<vmem>>) target(%dma_start3A_73 : memref<10112x128xf32, #tpu.memory_space<vmem_shared>>) offsets(%dma_start3A_70 : memref<128xi32, #tpu.memory_space<vmem>>) semaphore(%run_scoped3A_67 : memref<!tpu.dma_semaphore, #tpu.memory_space<semaphore_mem>>) {add = true}
        %dma_wait3A_74 = arith.constant 0 : i32
        %dma_wait3A_75 = tpu.memref_slice %arg5[%run_scoped3A_65, %run_scoped3A_66, %dma_wait3A_74] : memref<64x2x128xi32, #tpu.memory_space<vmem>> -> memref<1x1x128xi32, #tpu.memory_space<vmem>>
        %dma_wait3A_76 = tpu.memref_squeeze %dma_wait3A_75 : memref<1x1x128xi32, #tpu.memory_space<vmem>> -> memref<128xi32, #tpu.memory_space<vmem>>
        %dma_wait3A_77 = arith.constant 0 : i32
        %dma_wait3A_78 = arith.constant 0 : i32
        %dma_wait3A_79 = tpu.memref_slice %arg8[%dma_wait3A_77, %dma_wait3A_78] : memref<10112x128xf32, #tpu.memory_space<vmem_shared>> -> memref<10112x128xf32, #tpu.memory_space<vmem_shared>>
        tpu.wait_indirect_dma semaphore(%run_scoped3A_67 : memref<!tpu.dma_semaphore, #tpu.memory_space<semaphore_mem>>) src(%arg7 : memref<128x128xf32, #tpu.memory_space<vmem>>) dst(%dma_wait3A_79 : memref<10112x128xf32, #tpu.memory_space<vmem_shared>>)
        tpu.yield
      }) : () -> ()
    } else {
    }
    %barrier3A_23 = arith.constant 0 : index
    tpu.barrier barrier_id(%barrier3A_23)
    "tpu.region"() ({
      %run_scoped3A = tpu.sem_alloc : memref<!tpu.dma_semaphore, #tpu.memory_space<semaphore_mem>>
      %dma_start3A = arith.constant 0 : i32
      %dma_start3A_24 = tpu.memref_slice %arg4[%arg0, %mul3A_6, %dma_start3A] : memref<2x10112x128xf32, #tpu.memory_space<hbm>> -> memref<1x632x128xf32, #tpu.memory_space<hbm>>
      %dma_start3A_25 = tpu.memref_squeeze %dma_start3A_24 : memref<1x632x128xf32, #tpu.memory_space<hbm>> -> memref<632x128xf32, #tpu.memory_space<hbm>>
      %dma_start3A_26 = arith.constant 0 : i32
      %dma_start3A_27 = tpu.memref_slice %arg8[%mul3A_6, %dma_start3A_26] : memref<10112x128xf32, #tpu.memory_space<vmem_shared>> -> memref<632x128xf32, #tpu.memory_space<vmem_shared>>
      tpu.enqueue_dma source(%dma_start3A_27 : memref<632x128xf32, #tpu.memory_space<vmem_shared>>) target(%dma_start3A_25 : memref<632x128xf32, #tpu.memory_space<hbm>>) target_semaphore(%run_scoped3A : memref<!tpu.dma_semaphore, #tpu.memory_space<semaphore_mem>>)
      %dma_wait3A = arith.constant 0 : i32
      %dma_wait3A_28 = tpu.memref_slice %arg4[%arg0, %mul3A_6, %dma_wait3A] : memref<2x10112x128xf32, #tpu.memory_space<hbm>> -> memref<1x632x128xf32, #tpu.memory_space<hbm>>
      %dma_wait3A_29 = tpu.memref_squeeze %dma_wait3A_28 : memref<1x632x128xf32, #tpu.memory_space<hbm>> -> memref<632x128xf32, #tpu.memory_space<hbm>>
      %dma_wait3A_30 = arith.constant 0 : i32
      %dma_wait3A_31 = tpu.memref_slice %arg8[%mul3A_6, %dma_wait3A_30] : memref<10112x128xf32, #tpu.memory_space<vmem_shared>> -> memref<632x128xf32, #tpu.memory_space<vmem_shared>>
      tpu.wait_dma2 semaphore(%run_scoped3A : memref<!tpu.dma_semaphore, #tpu.memory_space<semaphore_mem>>) src(%dma_wait3A_31 : memref<632x128xf32, #tpu.memory_space<vmem_shared>>) dst(%dma_wait3A_29 : memref<632x128xf32, #tpu.memory_space<hbm>>)
      tpu.yield
    }) : () -> ()
    return
  }
}

#map = affine_map<(d0, d1) -> (0, 0)>
#map1 = affine_map<(d0, d1) -> (0, 0, 0)>
module attributes {stable_mosaic.version = 14 : i64} {
  func.func @_seg_partial(%arg0: i32, %arg1: i32, %arg2: memref<10112x128xf32, #tpu.memory_space<hbm>>, %arg3: memref<2560x2x128xi32, #tpu.memory_space<hbm>>, %arg4: memref<2x10112x128xf32, #tpu.memory_space<hbm>>, %arg5: memref<64x2x128xi32, #tpu.memory_space<vmem>>, %arg6: memref<128x128xf32, #tpu.memory_space<vmem>>, %arg7: memref<128x128xf32, #tpu.memory_space<vmem>>, %arg8: memref<10112x128xf32, #tpu.memory_space<vmem_shared>>, %arg9: memref<!tpu.dma_semaphore, #tpu.memory_space<semaphore_mem>>, %arg10: memref<!tpu.dma_semaphore, #tpu.memory_space<semaphore_mem>>) attributes {dimension_semantics = [#tpu.dimension_semantics<core_parallel>, #tpu.dimension_semantics<subcore_parallel>], iteration_bounds = array<i64: 2, 16>, scalar_prefetch = 0 : i64, scratch_operands = 6 : i64, tpu.core_type = #tpu.core_type<sc_vector_subcore>, window_params = [{transform_indices = #map}, {transform_indices = #map1}, {transform_indices = #map1}]} {
    %broadcast_in_dim3A = arith.constant 0.000000e+00 : f32
    %broadcast_in_dim3A_0 = vector.broadcast %broadcast_in_dim3A : f32 to vector<16xf32>
    %scan3A = arith.constant 0 : i32
    %scan3A_1 = arith.constant 0 : i32
    %scan3A_2 = arith.constant 128 : i32
    %scan3A_3 = arith.addi %scan3A_1, %scan3A_2 : i32
    %scan3A_4 = arith.constant 1 : i32
    scf.for %scan3A_24 = %scan3A_1 to %scan3A_3 step %scan3A_4  : i32 {
      %swap3A = arith.index_cast %scan3A_24 : i32 to index
      %swap3A_25 = arith.constant 0 : index
      %swap3A_26 = tpu.vector_load %arg6[%swap3A, %swap3A_25] {strides = array<i32>} : memref<128x128xf32, #tpu.memory_space<vmem>>, vector<1x16xf32>,
      %swap3A_27 = vector.shape_cast %swap3A_26 : vector<1x16xf32> to vector<16xf32>
      %swap3A_28 = vector.shape_cast %broadcast_in_dim3A_0 : vector<16xf32> to vector<1x16xf32>
      tpu.vector_store %arg6[%swap3A, %swap3A_25], %swap3A_28 {strides = array<i32>} : memref<128x128xf32, #tpu.memory_space<vmem>>, vector<1x16xf32>,
      %swap3A_29 = arith.index_cast %scan3A_24 : i32 to index
      %swap3A_30 = arith.constant 16 : index
      %swap3A_31 = tpu.vector_load %arg6[%swap3A_29, %swap3A_30] {strides = array<i32>} : memref<128x128xf32, #tpu.memory_space<vmem>>, vector<1x16xf32>,
      %swap3A_32 = vector.shape_cast %swap3A_31 : vector<1x16xf32> to vector<16xf32>
      %swap3A_33 = vector.shape_cast %broadcast_in_dim3A_0 : vector<16xf32> to vector<1x16xf32>
      tpu.vector_store %arg6[%swap3A_29, %swap3A_30], %swap3A_33 {strides = array<i32>} : memref<128x128xf32, #tpu.memory_space<vmem>>, vector<1x16xf32>,
      %swap3A_34 = arith.index_cast %scan3A_24 : i32 to index
      %swap3A_35 = arith.constant 32 : index
      %swap3A_36 = tpu.vector_load %arg6[%swap3A_34, %swap3A_35] {strides = array<i32>} : memref<128x128xf32, #tpu.memory_space<vmem>>, vector<1x16xf32>,
      %swap3A_37 = vector.shape_cast %swap3A_36 : vector<1x16xf32> to vector<16xf32>
      %swap3A_38 = vector.shape_cast %broadcast_in_dim3A_0 : vector<16xf32> to vector<1x16xf32>
      tpu.vector_store %arg6[%swap3A_34, %swap3A_35], %swap3A_38 {strides = array<i32>} : memref<128x128xf32, #tpu.memory_space<vmem>>, vector<1x16xf32>,
      %swap3A_39 = arith.index_cast %scan3A_24 : i32 to index
      %swap3A_40 = arith.constant 48 : index
      %swap3A_41 = tpu.vector_load %arg6[%swap3A_39, %swap3A_40] {strides = array<i32>} : memref<128x128xf32, #tpu.memory_space<vmem>>, vector<1x16xf32>,
      %swap3A_42 = vector.shape_cast %swap3A_41 : vector<1x16xf32> to vector<16xf32>
      %swap3A_43 = vector.shape_cast %broadcast_in_dim3A_0 : vector<16xf32> to vector<1x16xf32>
      tpu.vector_store %arg6[%swap3A_39, %swap3A_40], %swap3A_43 {strides = array<i32>} : memref<128x128xf32, #tpu.memory_space<vmem>>, vector<1x16xf32>,
      %swap3A_44 = arith.index_cast %scan3A_24 : i32 to index
      %swap3A_45 = arith.constant 64 : index
      %swap3A_46 = tpu.vector_load %arg6[%swap3A_44, %swap3A_45] {strides = array<i32>} : memref<128x128xf32, #tpu.memory_space<vmem>>, vector<1x16xf32>,
      %swap3A_47 = vector.shape_cast %swap3A_46 : vector<1x16xf32> to vector<16xf32>
      %swap3A_48 = vector.shape_cast %broadcast_in_dim3A_0 : vector<16xf32> to vector<1x16xf32>
      tpu.vector_store %arg6[%swap3A_44, %swap3A_45], %swap3A_48 {strides = array<i32>} : memref<128x128xf32, #tpu.memory_space<vmem>>, vector<1x16xf32>,
      %swap3A_49 = arith.index_cast %scan3A_24 : i32 to index
      %swap3A_50 = arith.constant 80 : index
      %swap3A_51 = tpu.vector_load %arg6[%swap3A_49, %swap3A_50] {strides = array<i32>} : memref<128x128xf32, #tpu.memory_space<vmem>>, vector<1x16xf32>,
      %swap3A_52 = vector.shape_cast %swap3A_51 : vector<1x16xf32> to vector<16xf32>
      %swap3A_53 = vector.shape_cast %broadcast_in_dim3A_0 : vector<16xf32> to vector<1x16xf32>
      tpu.vector_store %arg6[%swap3A_49, %swap3A_50], %swap3A_53 {strides = array<i32>} : memref<128x128xf32, #tpu.memory_space<vmem>>, vector<1x16xf32>,
      %swap3A_54 = arith.index_cast %scan3A_24 : i32 to index
      %swap3A_55 = arith.constant 96 : index
      %swap3A_56 = tpu.vector_load %arg6[%swap3A_54, %swap3A_55] {strides = array<i32>} : memref<128x128xf32, #tpu.memory_space<vmem>>, vector<1x16xf32>,
      %swap3A_57 = vector.shape_cast %swap3A_56 : vector<1x16xf32> to vector<16xf32>
      %swap3A_58 = vector.shape_cast %broadcast_in_dim3A_0 : vector<16xf32> to vector<1x16xf32>
      tpu.vector_store %arg6[%swap3A_54, %swap3A_55], %swap3A_58 {strides = array<i32>} : memref<128x128xf32, #tpu.memory_space<vmem>>, vector<1x16xf32>,
      %swap3A_59 = arith.index_cast %scan3A_24 : i32 to index
      %swap3A_60 = arith.constant 112 : index
      %swap3A_61 = tpu.vector_load %arg6[%swap3A_59, %swap3A_60] {strides = array<i32>} : memref<128x128xf32, #tpu.memory_space<vmem>>, vector<1x16xf32>,
      %swap3A_62 = vector.shape_cast %swap3A_61 : vector<1x16xf32> to vector<16xf32>
      %swap3A_63 = vector.shape_cast %broadcast_in_dim3A_0 : vector<16xf32> to vector<1x16xf32>
      tpu.vector_store %arg6[%swap3A_59, %swap3A_60], %swap3A_63 {strides = array<i32>} : memref<128x128xf32, #tpu.memory_space<vmem>>, vector<1x16xf32>,
    }
    %scan3A_5 = arith.constant 128 : i32
    %mul3A = arith.constant 632 : i32
    %mul3A_6 = arith.muli %arg1, %mul3A : i32
    %add3A = arith.constant 0 : i32
    %add3A_7 = arith.addi %mul3A_6, %add3A : i32
    "tpu.region"() ({
      %run_scoped3A = tpu.sem_alloc : memref<!tpu.dma_semaphore, #tpu.memory_space<semaphore_mem>>
      %dma_start3A = arith.constant 0 : i32
      %dma_start3A_24 = tpu.memref_slice %arg8[%add3A_7, %dma_start3A] : memref<10112x128xf32, #tpu.memory_space<vmem_shared>> -> memref<128x128xf32, #tpu.memory_space<vmem_shared>>
      %dma_start3A_25 = arith.constant 0 : i32
      %dma_start3A_26 = tpu.memref_slice %arg8[%add3A_7, %dma_start3A_25] : memref<10112x128xf32, #tpu.memory_space<vmem_shared>> -> memref<128x128xf32, #tpu.memory_space<vmem_shared>>
      tpu.enqueue_dma source(%arg6 : memref<128x128xf32, #tpu.memory_space<vmem>>) target(%dma_start3A_26 : memref<128x128xf32, #tpu.memory_space<vmem_shared>>) target_semaphore(%run_scoped3A : memref<!tpu.dma_semaphore, #tpu.memory_space<semaphore_mem>>)
      %dma_wait3A = arith.constant 0 : i32
      %dma_wait3A_27 = tpu.memref_slice %arg8[%add3A_7, %dma_wait3A] : memref<10112x128xf32, #tpu.memory_space<vmem_shared>> -> memref<128x128xf32, #tpu.memory_space<vmem_shared>>
      %dma_wait3A_28 = arith.constant 0 : i32
      %dma_wait3A_29 = tpu.memref_slice %arg8[%add3A_7, %dma_wait3A_28] : memref<10112x128xf32, #tpu.memory_space<vmem_shared>> -> memref<128x128xf32, #tpu.memory_space<vmem_shared>>
      tpu.wait_dma2 semaphore(%run_scoped3A : memref<!tpu.dma_semaphore, #tpu.memory_space<semaphore_mem>>) src(%arg6 : memref<128x128xf32, #tpu.memory_space<vmem>>) dst(%dma_wait3A_29 : memref<128x128xf32, #tpu.memory_space<vmem_shared>>)
      tpu.yield
    }) : () -> ()
    %add3A_8 = arith.constant 128 : i32
    %add3A_9 = arith.addi %mul3A_6, %add3A_8 : i32
    "tpu.region"() ({
      %run_scoped3A = tpu.sem_alloc : memref<!tpu.dma_semaphore, #tpu.memory_space<semaphore_mem>>
      %dma_start3A = arith.constant 0 : i32
      %dma_start3A_24 = tpu.memref_slice %arg8[%add3A_9, %dma_start3A] : memref<10112x128xf32, #tpu.memory_space<vmem_shared>> -> memref<128x128xf32, #tpu.memory_space<vmem_shared>>
      %dma_start3A_25 = arith.constant 0 : i32
      %dma_start3A_26 = tpu.memref_slice %arg8[%add3A_9, %dma_start3A_25] : memref<10112x128xf32, #tpu.memory_space<vmem_shared>> -> memref<128x128xf32, #tpu.memory_space<vmem_shared>>
      tpu.enqueue_dma source(%arg6 : memref<128x128xf32, #tpu.memory_space<vmem>>) target(%dma_start3A_26 : memref<128x128xf32, #tpu.memory_space<vmem_shared>>) target_semaphore(%run_scoped3A : memref<!tpu.dma_semaphore, #tpu.memory_space<semaphore_mem>>)
      %dma_wait3A = arith.constant 0 : i32
      %dma_wait3A_27 = tpu.memref_slice %arg8[%add3A_9, %dma_wait3A] : memref<10112x128xf32, #tpu.memory_space<vmem_shared>> -> memref<128x128xf32, #tpu.memory_space<vmem_shared>>
      %dma_wait3A_28 = arith.constant 0 : i32
      %dma_wait3A_29 = tpu.memref_slice %arg8[%add3A_9, %dma_wait3A_28] : memref<10112x128xf32, #tpu.memory_space<vmem_shared>> -> memref<128x128xf32, #tpu.memory_space<vmem_shared>>
      tpu.wait_dma2 semaphore(%run_scoped3A : memref<!tpu.dma_semaphore, #tpu.memory_space<semaphore_mem>>) src(%arg6 : memref<128x128xf32, #tpu.memory_space<vmem>>) dst(%dma_wait3A_29 : memref<128x128xf32, #tpu.memory_space<vmem_shared>>)
      tpu.yield
    }) : () -> ()
    %add3A_10 = arith.constant 256 : i32
    %add3A_11 = arith.addi %mul3A_6, %add3A_10 : i32
    "tpu.region"() ({
      %run_scoped3A = tpu.sem_alloc : memref<!tpu.dma_semaphore, #tpu.memory_space<semaphore_mem>>
      %dma_start3A = arith.constant 0 : i32
      %dma_start3A_24 = tpu.memref_slice %arg8[%add3A_11, %dma_start3A] : memref<10112x128xf32, #tpu.memory_space<vmem_shared>> -> memref<128x128xf32, #tpu.memory_space<vmem_shared>>
      %dma_start3A_25 = arith.constant 0 : i32
      %dma_start3A_26 = tpu.memref_slice %arg8[%add3A_11, %dma_start3A_25] : memref<10112x128xf32, #tpu.memory_space<vmem_shared>> -> memref<128x128xf32, #tpu.memory_space<vmem_shared>>
      tpu.enqueue_dma source(%arg6 : memref<128x128xf32, #tpu.memory_space<vmem>>) target(%dma_start3A_26 : memref<128x128xf32, #tpu.memory_space<vmem_shared>>) target_semaphore(%run_scoped3A : memref<!tpu.dma_semaphore, #tpu.memory_space<semaphore_mem>>)
      %dma_wait3A = arith.constant 0 : i32
      %dma_wait3A_27 = tpu.memref_slice %arg8[%add3A_11, %dma_wait3A] : memref<10112x128xf32, #tpu.memory_space<vmem_shared>> -> memref<128x128xf32, #tpu.memory_space<vmem_shared>>
      %dma_wait3A_28 = arith.constant 0 : i32
      %dma_wait3A_29 = tpu.memref_slice %arg8[%add3A_11, %dma_wait3A_28] : memref<10112x128xf32, #tpu.memory_space<vmem_shared>> -> memref<128x128xf32, #tpu.memory_space<vmem_shared>>
      tpu.wait_dma2 semaphore(%run_scoped3A : memref<!tpu.dma_semaphore, #tpu.memory_space<semaphore_mem>>) src(%arg6 : memref<128x128xf32, #tpu.memory_space<vmem>>) dst(%dma_wait3A_29 : memref<128x128xf32, #tpu.memory_space<vmem_shared>>)
      tpu.yield
    }) : () -> ()
    %add3A_12 = arith.constant 384 : i32
    %add3A_13 = arith.addi %mul3A_6, %add3A_12 : i32
    "tpu.region"() ({
      %run_scoped3A = tpu.sem_alloc : memref<!tpu.dma_semaphore, #tpu.memory_space<semaphore_mem>>
      %dma_start3A = arith.constant 0 : i32
      %dma_start3A_24 = tpu.memref_slice %arg8[%add3A_13, %dma_start3A] : memref<10112x128xf32, #tpu.memory_space<vmem_shared>> -> memref<128x128xf32, #tpu.memory_space<vmem_shared>>
      %dma_start3A_25 = arith.constant 0 : i32
      %dma_start3A_26 = tpu.memref_slice %arg8[%add3A_13, %dma_start3A_25] : memref<10112x128xf32, #tpu.memory_space<vmem_shared>> -> memref<128x128xf32, #tpu.memory_space<vmem_shared>>
      tpu.enqueue_dma source(%arg6 : memref<128x128xf32, #tpu.memory_space<vmem>>) target(%dma_start3A_26 : memref<128x128xf32, #tpu.memory_space<vmem_shared>>) target_semaphore(%run_scoped3A : memref<!tpu.dma_semaphore, #tpu.memory_space<semaphore_mem>>)
      %dma_wait3A = arith.constant 0 : i32
      %dma_wait3A_27 = tpu.memref_slice %arg8[%add3A_13, %dma_wait3A] : memref<10112x128xf32, #tpu.memory_space<vmem_shared>> -> memref<128x128xf32, #tpu.memory_space<vmem_shared>>
      %dma_wait3A_28 = arith.constant 0 : i32
      %dma_wait3A_29 = tpu.memref_slice %arg8[%add3A_13, %dma_wait3A_28] : memref<10112x128xf32, #tpu.memory_space<vmem_shared>> -> memref<128x128xf32, #tpu.memory_space<vmem_shared>>
      tpu.wait_dma2 semaphore(%run_scoped3A : memref<!tpu.dma_semaphore, #tpu.memory_space<semaphore_mem>>) src(%arg6 : memref<128x128xf32, #tpu.memory_space<vmem>>) dst(%dma_wait3A_29 : memref<128x128xf32, #tpu.memory_space<vmem_shared>>)
      tpu.yield
    }) : () -> ()
    %add3A_14 = arith.constant 512 : i32
    %add3A_15 = arith.addi %mul3A_6, %add3A_14 : i32
    "tpu.region"() ({
      %run_scoped3A = tpu.sem_alloc : memref<!tpu.dma_semaphore, #tpu.memory_space<semaphore_mem>>
      %dma_start3A = arith.constant 0 : i32
      %dma_start3A_24 = arith.constant 0 : i32
      %dma_start3A_25 = tpu.memref_slice %arg6[%dma_start3A, %dma_start3A_24] : memref<128x128xf32, #tpu.memory_space<vmem>> -> memref<120x128xf32, #tpu.memory_space<vmem>>
      %dma_start3A_26 = arith.constant 0 : i32
      %dma_start3A_27 = tpu.memref_slice %arg8[%add3A_15, %dma_start3A_26] : memref<10112x128xf32, #tpu.memory_space<vmem_shared>> -> memref<120x128xf32, #tpu.memory_space<vmem_shared>>
      %dma_start3A_28 = arith.constant 0 : i32
      %dma_start3A_29 = tpu.memref_slice %arg8[%add3A_15, %dma_start3A_28] : memref<10112x128xf32, #tpu.memory_space<vmem_shared>> -> memref<120x128xf32, #tpu.memory_space<vmem_shared>>
      %dma_start3A_30 = arith.constant 0 : i32
      %dma_start3A_31 = arith.constant 0 : i32
      %dma_start3A_32 = tpu.memref_slice %arg6[%dma_start3A_30, %dma_start3A_31] : memref<128x128xf32, #tpu.memory_space<vmem>> -> memref<120x128xf32, #tpu.memory_space<vmem>>
      tpu.enqueue_dma source(%dma_start3A_32 : memref<120x128xf32, #tpu.memory_space<vmem>>) target(%dma_start3A_29 : memref<120x128xf32, #tpu.memory_space<vmem_shared>>) target_semaphore(%run_scoped3A : memref<!tpu.dma_semaphore, #tpu.memory_space<semaphore_mem>>)
      %dma_wait3A = arith.constant 0 : i32
      %dma_wait3A_33 = arith.constant 0 : i32
      %dma_wait3A_34 = tpu.memref_slice %arg6[%dma_wait3A, %dma_wait3A_33] : memref<128x128xf32, #tpu.memory_space<vmem>> -> memref<120x128xf32, #tpu.memory_space<vmem>>
      %dma_wait3A_35 = arith.constant 0 : i32
      %dma_wait3A_36 = tpu.memref_slice %arg8[%add3A_15, %dma_wait3A_35] : memref<10112x128xf32, #tpu.memory_space<vmem_shared>> -> memref<120x128xf32, #tpu.memory_space<vmem_shared>>
      %dma_wait3A_37 = arith.constant 0 : i32
      %dma_wait3A_38 = tpu.memref_slice %arg8[%add3A_15, %dma_wait3A_37] : memref<10112x128xf32, #tpu.memory_space<vmem_shared>> -> memref<120x128xf32, #tpu.memory_space<vmem_shared>>
      %dma_wait3A_39 = arith.constant 0 : i32
      %dma_wait3A_40 = arith.constant 0 : i32
      %dma_wait3A_41 = tpu.memref_slice %arg6[%dma_wait3A_39, %dma_wait3A_40] : memref<128x128xf32, #tpu.memory_space<vmem>> -> memref<120x128xf32, #tpu.memory_space<vmem>>
      tpu.wait_dma2 semaphore(%run_scoped3A : memref<!tpu.dma_semaphore, #tpu.memory_space<semaphore_mem>>) src(%dma_wait3A_41 : memref<120x128xf32, #tpu.memory_space<vmem>>) dst(%dma_wait3A_38 : memref<120x128xf32, #tpu.memory_space<vmem_shared>>)
      tpu.yield
    }) : () -> ()
    %barrier3A = arith.constant 0 : index
    tpu.barrier barrier_id(%barrier3A)
    %eq3A = arith.constant 0 : i32
    %eq3A_16 = arith.cmpi eq, %arg0, %eq3A : i32
    %convert_element_type3A = arith.extui %eq3A_16 : i1 to i32
    %cond3A = arith.constant 0 : i32
    %cond3A_17 = arith.cmpi ne, %convert_element_type3A, %cond3A : i32
    scf.if %cond3A_17 {
      %mul3A_24 = arith.constant 128 : i32
      %mul3A_25 = arith.muli %arg1, %mul3A_24 : i32
      "tpu.region"() ({
        %run_scoped3A_111 = tpu.sem_alloc : memref<!tpu.dma_semaphore, #tpu.memory_space<semaphore_mem>>
        %dma_start3A_112 = arith.constant 0 : i32
        %dma_start3A_113 = arith.constant 0 : i32
        %dma_start3A_114 = arith.constant 0 : i32
        %dma_start3A_115 = tpu.memref_slice %arg5[%dma_start3A_112, %dma_start3A_113, %dma_start3A_114] : memref<64x2x128xi32, #tpu.memory_space<vmem>> -> memref<64x2x128xi32, #tpu.memory_space<vmem>>
        %dma_start3A_116 = arith.constant 0 : i32
        %dma_start3A_117 = arith.constant 0 : i32
        %dma_start3A_118 = tpu.memref_slice %arg3[%mul3A_25, %dma_start3A_116, %dma_start3A_117] : memref<2560x2x128xi32, #tpu.memory_space<hbm>> -> memref<64x2x128xi32, #tpu.memory_space<hbm>>
        %dma_start3A_119 = arith.constant 0 : i32
        %dma_start3A_120 = arith.constant 0 : i32
        %dma_start3A_121 = arith.constant 0 : i32
        %dma_start3A_122 = tpu.memref_slice %arg5[%dma_start3A_119, %dma_start3A_120, %dma_start3A_121] : memref<64x2x128xi32, #tpu.memory_space<vmem>> -> memref<64x2x128xi32, #tpu.memory_space<vmem>>
        %dma_start3A_123 = arith.constant 0 : i32
        %dma_start3A_124 = arith.constant 0 : i32
        %dma_start3A_125 = tpu.memref_slice %arg3[%mul3A_25, %dma_start3A_123, %dma_start3A_124] : memref<2560x2x128xi32, #tpu.memory_space<hbm>> -> memref<64x2x128xi32, #tpu.memory_space<hbm>>
        tpu.enqueue_dma source(%dma_start3A_125 : memref<64x2x128xi32, #tpu.memory_space<hbm>>) target(%dma_start3A_122 : memref<64x2x128xi32, #tpu.memory_space<vmem>>) target_semaphore(%run_scoped3A_111 : memref<!tpu.dma_semaphore, #tpu.memory_space<semaphore_mem>>)
        %dma_wait3A_126 = arith.constant 0 : i32
        %dma_wait3A_127 = arith.constant 0 : i32
        %dma_wait3A_128 = arith.constant 0 : i32
        %dma_wait3A_129 = tpu.memref_slice %arg5[%dma_wait3A_126, %dma_wait3A_127, %dma_wait3A_128] : memref<64x2x128xi32, #tpu.memory_space<vmem>> -> memref<64x2x128xi32, #tpu.memory_space<vmem>>
        %dma_wait3A_130 = arith.constant 0 : i32
        %dma_wait3A_131 = arith.constant 0 : i32
        %dma_wait3A_132 = tpu.memref_slice %arg3[%mul3A_25, %dma_wait3A_130, %dma_wait3A_131] : memref<2560x2x128xi32, #tpu.memory_space<hbm>> -> memref<64x2x128xi32, #tpu.memory_space<hbm>>
        %dma_wait3A_133 = arith.constant 0 : i32
        %dma_wait3A_134 = arith.constant 0 : i32
        %dma_wait3A_135 = arith.constant 0 : i32
        %dma_wait3A_136 = tpu.memref_slice %arg5[%dma_wait3A_133, %dma_wait3A_134, %dma_wait3A_135] : memref<64x2x128xi32, #tpu.memory_space<vmem>> -> memref<64x2x128xi32, #tpu.memory_space<vmem>>
        %dma_wait3A_137 = arith.constant 0 : i32
        %dma_wait3A_138 = arith.constant 0 : i32
        %dma_wait3A_139 = tpu.memref_slice %arg3[%mul3A_25, %dma_wait3A_137, %dma_wait3A_138] : memref<2560x2x128xi32, #tpu.memory_space<hbm>> -> memref<64x2x128xi32, #tpu.memory_space<hbm>>
        tpu.wait_dma2 semaphore(%run_scoped3A_111 : memref<!tpu.dma_semaphore, #tpu.memory_space<semaphore_mem>>) src(%dma_wait3A_139 : memref<64x2x128xi32, #tpu.memory_space<hbm>>) dst(%dma_wait3A_136 : memref<64x2x128xi32, #tpu.memory_space<vmem>>)
        tpu.yield
      }) : () -> ()
      %dma_start3A = arith.constant 0 : i32
      %dma_start3A_26 = arith.constant 0 : i32
      %dma_start3A_27 = arith.constant 0 : i32
      %dma_start3A_28 = tpu.memref_slice %arg5[%dma_start3A, %dma_start3A_26, %dma_start3A_27] : memref<64x2x128xi32, #tpu.memory_space<vmem>> -> memref<1x1x128xi32, #tpu.memory_space<vmem>>
      %dma_start3A_29 = tpu.memref_squeeze %dma_start3A_28 : memref<1x1x128xi32, #tpu.memory_space<vmem>> -> memref<128xi32, #tpu.memory_space<vmem>>
      %dma_start3A_30 = arith.constant 0 : i32
      %dma_start3A_31 = arith.constant 0 : i32
      %dma_start3A_32 = tpu.memref_slice %arg2[%dma_start3A_30, %dma_start3A_31] : memref<10112x128xf32, #tpu.memory_space<hbm>> -> memref<10112x128xf32, #tpu.memory_space<hbm>>
      tpu.enqueue_indirect_dma source(%dma_start3A_32 : memref<10112x128xf32, #tpu.memory_space<hbm>>) target(%arg6 : memref<128x128xf32, #tpu.memory_space<vmem>>) offsets(%dma_start3A_29 : memref<128xi32, #tpu.memory_space<vmem>>) semaphore(%arg9 : memref<!tpu.dma_semaphore, #tpu.memory_space<semaphore_mem>>)
      %scan3A_33 = arith.constant 0 : i32
      %scan3A_34 = arith.constant 0 : i32
      %scan3A_35 = arith.constant 31 : i32
      %scan3A_36 = arith.addi %scan3A_34, %scan3A_35 : i32
      %scan3A_37 = arith.constant 1 : i32
      scf.for %scan3A_111 = %scan3A_34 to %scan3A_36 step %scan3A_37  : i32 {
        %mul3A_112 = arith.constant 2 : i32
        %mul3A_113 = arith.muli %mul3A_112, %scan3A_111 : i32
        %add3A_114 = arith.constant 1 : i32
        %add3A_115 = arith.addi %mul3A_113, %add3A_114 : i32
        %dma_start3A_116 = arith.constant 0 : i32
        %dma_start3A_117 = arith.constant 0 : i32
        %dma_start3A_118 = tpu.memref_slice %arg5[%add3A_115, %dma_start3A_116, %dma_start3A_117] : memref<64x2x128xi32, #tpu.memory_space<vmem>> -> memref<1x1x128xi32, #tpu.memory_space<vmem>>
        %dma_start3A_119 = tpu.memref_squeeze %dma_start3A_118 : memref<1x1x128xi32, #tpu.memory_space<vmem>> -> memref<128xi32, #tpu.memory_space<vmem>>
        %dma_start3A_120 = arith.constant 0 : i32
        %dma_start3A_121 = arith.constant 0 : i32
        %dma_start3A_122 = tpu.memref_slice %arg2[%dma_start3A_120, %dma_start3A_121] : memref<10112x128xf32, #tpu.memory_space<hbm>> -> memref<10112x128xf32, #tpu.memory_space<hbm>>
        tpu.enqueue_indirect_dma source(%dma_start3A_122 : memref<10112x128xf32, #tpu.memory_space<hbm>>) target(%arg7 : memref<128x128xf32, #tpu.memory_space<vmem>>) offsets(%dma_start3A_119 : memref<128xi32, #tpu.memory_space<vmem>>) semaphore(%arg10 : memref<!tpu.dma_semaphore, #tpu.memory_space<semaphore_mem>>)
        %dma_wait3A_123 = arith.constant 0 : i32
        %dma_wait3A_124 = arith.constant 0 : i32
        %dma_wait3A_125 = tpu.memref_slice %arg5[%mul3A_113, %dma_wait3A_123, %dma_wait3A_124] : memref<64x2x128xi32, #tpu.memory_space<vmem>> -> memref<1x1x128xi32, #tpu.memory_space<vmem>>
        %dma_wait3A_126 = tpu.memref_squeeze %dma_wait3A_125 : memref<1x1x128xi32, #tpu.memory_space<vmem>> -> memref<128xi32, #tpu.memory_space<vmem>>
        %dma_wait3A_127 = arith.constant 0 : i32
        %dma_wait3A_128 = arith.constant 0 : i32
        %dma_wait3A_129 = tpu.memref_slice %arg2[%dma_wait3A_127, %dma_wait3A_128] : memref<10112x128xf32, #tpu.memory_space<hbm>> -> memref<10112x128xf32, #tpu.memory_space<hbm>>
        tpu.wait_indirect_dma semaphore(%arg9 : memref<!tpu.dma_semaphore, #tpu.memory_space<semaphore_mem>>) src(%dma_wait3A_129 : memref<10112x128xf32, #tpu.memory_space<hbm>>) dst(%arg6 : memref<128x128xf32, #tpu.memory_space<vmem>>)
        %run_scoped3A_130 = arith.constant 1 : i32
        "tpu.region"() ({
          %run_scoped3A_150 = tpu.sem_alloc : memref<!tpu.dma_semaphore, #tpu.memory_space<semaphore_mem>>
          %dma_start3A_151 = arith.constant 0 : i32
          %dma_start3A_152 = tpu.memref_slice %arg5[%mul3A_113, %run_scoped3A_130, %dma_start3A_151] : memref<64x2x128xi32, #tpu.memory_space<vmem>> -> memref<1x1x128xi32, #tpu.memory_space<vmem>>
          %dma_start3A_153 = tpu.memref_squeeze %dma_start3A_152 : memref<1x1x128xi32, #tpu.memory_space<vmem>> -> memref<128xi32, #tpu.memory_space<vmem>>
          %dma_start3A_154 = arith.constant 0 : i32
          %dma_start3A_155 = arith.constant 0 : i32
          %dma_start3A_156 = tpu.memref_slice %arg8[%dma_start3A_154, %dma_start3A_155] : memref<10112x128xf32, #tpu.memory_space<vmem_shared>> -> memref<10112x128xf32, #tpu.memory_space<vmem_shared>>
          tpu.enqueue_indirect_dma source(%arg6 : memref<128x128xf32, #tpu.memory_space<vmem>>) target(%dma_start3A_156 : memref<10112x128xf32, #tpu.memory_space<vmem_shared>>) offsets(%dma_start3A_153 : memref<128xi32, #tpu.memory_space<vmem>>) semaphore(%run_scoped3A_150 : memref<!tpu.dma_semaphore, #tpu.memory_space<semaphore_mem>>) {add = true}
          %dma_wait3A_157 = arith.constant 0 : i32
          %dma_wait3A_158 = tpu.memref_slice %arg5[%mul3A_113, %run_scoped3A_130, %dma_wait3A_157] : memref<64x2x128xi32, #tpu.memory_space<vmem>> -> memref<1x1x128xi32, #tpu.memory_space<vmem>>
          %dma_wait3A_159 = tpu.memref_squeeze %dma_wait3A_158 : memref<1x1x128xi32, #tpu.memory_space<vmem>> -> memref<128xi32, #tpu.memory_space<vmem>>
          %dma_wait3A_160 = arith.constant 0 : i32
          %dma_wait3A_161 = arith.constant 0 : i32
          %dma_wait3A_162 = tpu.memref_slice %arg8[%dma_wait3A_160, %dma_wait3A_161] : memref<10112x128xf32, #tpu.memory_space<vmem_shared>> -> memref<10112x128xf32, #tpu.memory_space<vmem_shared>>
          tpu.wait_indirect_dma semaphore(%run_scoped3A_150 : memref<!tpu.dma_semaphore, #tpu.memory_space<semaphore_mem>>) src(%arg6 : memref<128x128xf32, #tpu.memory_space<vmem>>) dst(%dma_wait3A_162 : memref<10112x128xf32, #tpu.memory_space<vmem_shared>>)
          tpu.yield
        }) : () -> ()
        %add3A_131 = arith.constant 2 : i32
        %add3A_132 = arith.addi %mul3A_113, %add3A_131 : i32
        %dma_start3A_133 = arith.constant 0 : i32
        %dma_start3A_134 = arith.constant 0 : i32
        %dma_start3A_135 = tpu.memref_slice %arg5[%add3A_132, %dma_start3A_133, %dma_start3A_134] : memref<64x2x128xi32, #tpu.memory_space<vmem>> -> memref<1x1x128xi32, #tpu.memory_space<vmem>>
        %dma_start3A_136 = tpu.memref_squeeze %dma_start3A_135 : memref<1x1x128xi32, #tpu.memory_space<vmem>> -> memref<128xi32, #tpu.memory_space<vmem>>
        %dma_start3A_137 = arith.constant 0 : i32
        %dma_start3A_138 = arith.constant 0 : i32
        %dma_start3A_139 = tpu.memref_slice %arg2[%dma_start3A_137, %dma_start3A_138] : memref<10112x128xf32, #tpu.memory_space<hbm>> -> memref<10112x128xf32, #tpu.memory_space<hbm>>
        tpu.enqueue_indirect_dma source(%dma_start3A_139 : memref<10112x128xf32, #tpu.memory_space<hbm>>) target(%arg6 : memref<128x128xf32, #tpu.memory_space<vmem>>) offsets(%dma_start3A_136 : memref<128xi32, #tpu.memory_space<vmem>>) semaphore(%arg9 : memref<!tpu.dma_semaphore, #tpu.memory_space<semaphore_mem>>)
        %add3A_140 = arith.constant 1 : i32
        %add3A_141 = arith.addi %mul3A_113, %add3A_140 : i32
        %dma_wait3A_142 = arith.constant 0 : i32
        %dma_wait3A_143 = arith.constant 0 : i32
        %dma_wait3A_144 = tpu.memref_slice %arg5[%add3A_141, %dma_wait3A_142, %dma_wait3A_143] : memref<64x2x128xi32, #tpu.memory_space<vmem>> -> memref<1x1x128xi32, #tpu.memory_space<vmem>>
        %dma_wait3A_145 = tpu.memref_squeeze %dma_wait3A_144 : memref<1x1x128xi32, #tpu.memory_space<vmem>> -> memref<128xi32, #tpu.memory_space<vmem>>
        %dma_wait3A_146 = arith.constant 0 : i32
        %dma_wait3A_147 = arith.constant 0 : i32
        %dma_wait3A_148 = tpu.memref_slice %arg2[%dma_wait3A_146, %dma_wait3A_147] : memref<10112x128xf32, #tpu.memory_space<hbm>> -> memref<10112x128xf32, #tpu.memory_space<hbm>>
        tpu.wait_indirect_dma semaphore(%arg10 : memref<!tpu.dma_semaphore, #tpu.memory_space<semaphore_mem>>) src(%dma_wait3A_148 : memref<10112x128xf32, #tpu.memory_space<hbm>>) dst(%arg7 : memref<128x128xf32, #tpu.memory_space<vmem>>)
        %run_scoped3A_149 = arith.constant 1 : i32
        "tpu.region"() ({
          %run_scoped3A_150 = tpu.sem_alloc : memref<!tpu.dma_semaphore, #tpu.memory_space<semaphore_mem>>
          %dma_start3A_151 = arith.constant 0 : i32
          %dma_start3A_152 = tpu.memref_slice %arg5[%add3A_141, %run_scoped3A_149, %dma_start3A_151] : memref<64x2x128xi32, #tpu.memory_space<vmem>> -> memref<1x1x128xi32, #tpu.memory_space<vmem>>
          %dma_start3A_153 = tpu.memref_squeeze %dma_start3A_152 : memref<1x1x128xi32, #tpu.memory_space<vmem>> -> memref<128xi32, #tpu.memory_space<vmem>>
          %dma_start3A_154 = arith.constant 0 : i32
          %dma_start3A_155 = arith.constant 0 : i32
          %dma_start3A_156 = tpu.memref_slice %arg8[%dma_start3A_154, %dma_start3A_155] : memref<10112x128xf32, #tpu.memory_space<vmem_shared>> -> memref<10112x128xf32, #tpu.memory_space<vmem_shared>>
          tpu.enqueue_indirect_dma source(%arg7 : memref<128x128xf32, #tpu.memory_space<vmem>>) target(%dma_start3A_156 : memref<10112x128xf32, #tpu.memory_space<vmem_shared>>) offsets(%dma_start3A_153 : memref<128xi32, #tpu.memory_space<vmem>>) semaphore(%run_scoped3A_150 : memref<!tpu.dma_semaphore, #tpu.memory_space<semaphore_mem>>) {add = true}
          %dma_wait3A_157 = arith.constant 0 : i32
          %dma_wait3A_158 = tpu.memref_slice %arg5[%add3A_141, %run_scoped3A_149, %dma_wait3A_157] : memref<64x2x128xi32, #tpu.memory_space<vmem>> -> memref<1x1x128xi32, #tpu.memory_space<vmem>>
          %dma_wait3A_159 = tpu.memref_squeeze %dma_wait3A_158 : memref<1x1x128xi32, #tpu.memory_space<vmem>> -> memref<128xi32, #tpu.memory_space<vmem>>
          %dma_wait3A_160 = arith.constant 0 : i32
          %dma_wait3A_161 = arith.constant 0 : i32
          %dma_wait3A_162 = tpu.memref_slice %arg8[%dma_wait3A_160, %dma_wait3A_161] : memref<10112x128xf32, #tpu.memory_space<vmem_shared>> -> memref<10112x128xf32, #tpu.memory_space<vmem_shared>>
          tpu.wait_indirect_dma semaphore(%run_scoped3A_150 : memref<!tpu.dma_semaphore, #tpu.memory_space<semaphore_mem>>) src(%arg7 : memref<128x128xf32, #tpu.memory_space<vmem>>) dst(%dma_wait3A_162 : memref<10112x128xf32, #tpu.memory_space<vmem_shared>>)
          tpu.yield
        }) : () -> ()
      }
      %scan3A_38 = arith.constant 31 : i32
      %dma_start3A_39 = arith.constant 63 : i32
      %dma_start3A_40 = arith.constant 0 : i32
      %dma_start3A_41 = arith.constant 0 : i32
      %dma_start3A_42 = tpu.memref_slice %arg5[%dma_start3A_39, %dma_start3A_40, %dma_start3A_41] : memref<64x2x128xi32, #tpu.memory_space<vmem>> -> memref<1x1x128xi32, #tpu.memory_space<vmem>>
      %dma_start3A_43 = tpu.memref_squeeze %dma_start3A_42 : memref<1x1x128xi32, #tpu.memory_space<vmem>> -> memref<128xi32, #tpu.memory_space<vmem>>
      %dma_start3A_44 = arith.constant 0 : i32
      %dma_start3A_45 = arith.constant 0 : i32
      %dma_start3A_46 = tpu.memref_slice %arg2[%dma_start3A_44, %dma_start3A_45] : memref<10112x128xf32, #tpu.memory_space<hbm>> -> memref<10112x128xf32, #tpu.memory_space<hbm>>
      tpu.enqueue_indirect_dma source(%dma_start3A_46 : memref<10112x128xf32, #tpu.memory_space<hbm>>) target(%arg7 : memref<128x128xf32, #tpu.memory_space<vmem>>) offsets(%dma_start3A_43 : memref<128xi32, #tpu.memory_space<vmem>>) semaphore(%arg10 : memref<!tpu.dma_semaphore, #tpu.memory_space<semaphore_mem>>)
      %dma_wait3A = arith.constant 62 : i32
      %dma_wait3A_47 = arith.constant 0 : i32
      %dma_wait3A_48 = arith.constant 0 : i32
      %dma_wait3A_49 = tpu.memref_slice %arg5[%dma_wait3A, %dma_wait3A_47, %dma_wait3A_48] : memref<64x2x128xi32, #tpu.memory_space<vmem>> -> memref<1x1x128xi32, #tpu.memory_space<vmem>>
      %dma_wait3A_50 = tpu.memref_squeeze %dma_wait3A_49 : memref<1x1x128xi32, #tpu.memory_space<vmem>> -> memref<128xi32, #tpu.memory_space<vmem>>
      %dma_wait3A_51 = arith.constant 0 : i32
      %dma_wait3A_52 = arith.constant 0 : i32
      %dma_wait3A_53 = tpu.memref_slice %arg2[%dma_wait3A_51, %dma_wait3A_52] : memref<10112x128xf32, #tpu.memory_space<hbm>> -> memref<10112x128xf32, #tpu.memory_space<hbm>>
      tpu.wait_indirect_dma semaphore(%arg9 : memref<!tpu.dma_semaphore, #tpu.memory_space<semaphore_mem>>) src(%dma_wait3A_53 : memref<10112x128xf32, #tpu.memory_space<hbm>>) dst(%arg6 : memref<128x128xf32, #tpu.memory_space<vmem>>)
      %run_scoped3A = arith.constant 62 : i32
      %run_scoped3A_54 = arith.constant 1 : i32
      "tpu.region"() ({
        %run_scoped3A_111 = tpu.sem_alloc : memref<!tpu.dma_semaphore, #tpu.memory_space<semaphore_mem>>
        %dma_start3A_112 = arith.constant 0 : i32
        %dma_start3A_113 = tpu.memref_slice %arg5[%run_scoped3A, %run_scoped3A_54, %dma_start3A_112] : memref<64x2x128xi32, #tpu.memory_space<vmem>> -> memref<1x1x128xi32, #tpu.memory_space<vmem>>
        %dma_start3A_114 = tpu.memref_squeeze %dma_start3A_113 : memref<1x1x128xi32, #tpu.memory_space<vmem>> -> memref<128xi32, #tpu.memory_space<vmem>>
        %dma_start3A_115 = arith.constant 0 : i32
        %dma_start3A_116 = arith.constant 0 : i32
        %dma_start3A_117 = tpu.memref_slice %arg8[%dma_start3A_115, %dma_start3A_116] : memref<10112x128xf32, #tpu.memory_space<vmem_shared>> -> memref<10112x128xf32, #tpu.memory_space<vmem_shared>>
        tpu.enqueue_indirect_dma source(%arg6 : memref<128x128xf32, #tpu.memory_space<vmem>>) target(%dma_start3A_117 : memref<10112x128xf32, #tpu.memory_space<vmem_shared>>) offsets(%dma_start3A_114 : memref<128xi32, #tpu.memory_space<vmem>>) semaphore(%run_scoped3A_111 : memref<!tpu.dma_semaphore, #tpu.memory_space<semaphore_mem>>) {add = true}
        %dma_wait3A_118 = arith.constant 0 : i32
        %dma_wait3A_119 = tpu.memref_slice %arg5[%run_scoped3A, %run_scoped3A_54, %dma_wait3A_118] : memref<64x2x128xi32, #tpu.memory_space<vmem>> -> memref<1x1x128xi32, #tpu.memory_space<vmem>>
        %dma_wait3A_120 = tpu.memref_squeeze %dma_wait3A_119 : memref<1x1x128xi32, #tpu.memory_space<vmem>> -> memref<128xi32, #tpu.memory_space<vmem>>
        %dma_wait3A_121 = arith.constant 0 : i32
        %dma_wait3A_122 = arith.constant 0 : i32
        %dma_wait3A_123 = tpu.memref_slice %arg8[%dma_wait3A_121, %dma_wait3A_122] : memref<10112x128xf32, #tpu.memory_space<vmem_shared>> -> memref<10112x128xf32, #tpu.memory_space<vmem_shared>>
        tpu.wait_indirect_dma semaphore(%run_scoped3A_111 : memref<!tpu.dma_semaphore, #tpu.memory_space<semaphore_mem>>) src(%arg6 : memref<128x128xf32, #tpu.memory_space<vmem>>) dst(%dma_wait3A_123 : memref<10112x128xf32, #tpu.memory_space<vmem_shared>>)
        tpu.yield
      }) : () -> ()
      %dma_wait3A_55 = arith.constant 63 : i32
      %dma_wait3A_56 = arith.constant 0 : i32
      %dma_wait3A_57 = arith.constant 0 : i32
      %dma_wait3A_58 = tpu.memref_slice %arg5[%dma_wait3A_55, %dma_wait3A_56, %dma_wait3A_57] : memref<64x2x128xi32, #tpu.memory_space<vmem>> -> memref<1x1x128xi32, #tpu.memory_space<vmem>>
      %dma_wait3A_59 = tpu.memref_squeeze %dma_wait3A_58 : memref<1x1x128xi32, #tpu.memory_space<vmem>> -> memref<128xi32, #tpu.memory_space<vmem>>
      %dma_wait3A_60 = arith.constant 0 : i32
      %dma_wait3A_61 = arith.constant 0 : i32
      %dma_wait3A_62 = tpu.memref_slice %arg2[%dma_wait3A_60, %dma_wait3A_61] : memref<10112x128xf32, #tpu.memory_space<hbm>> -> memref<10112x128xf32, #tpu.memory_space<hbm>>
      tpu.wait_indirect_dma semaphore(%arg10 : memref<!tpu.dma_semaphore, #tpu.memory_space<semaphore_mem>>) src(%dma_wait3A_62 : memref<10112x128xf32, #tpu.memory_space<hbm>>) dst(%arg7 : memref<128x128xf32, #tpu.memory_space<vmem>>)
      %run_scoped3A_63 = arith.constant 63 : i32
      %run_scoped3A_64 = arith.constant 1 : i32
      "tpu.region"() ({
        %run_scoped3A_111 = tpu.sem_alloc : memref<!tpu.dma_semaphore, #tpu.memory_space<semaphore_mem>>
        %dma_start3A_112 = arith.constant 0 : i32
        %dma_start3A_113 = tpu.memref_slice %arg5[%run_scoped3A_63, %run_scoped3A_64, %dma_start3A_112] : memref<64x2x128xi32, #tpu.memory_space<vmem>> -> memref<1x1x128xi32, #tpu.memory_space<vmem>>
        %dma_start3A_114 = tpu.memref_squeeze %dma_start3A_113 : memref<1x1x128xi32, #tpu.memory_space<vmem>> -> memref<128xi32, #tpu.memory_space<vmem>>
        %dma_start3A_115 = arith.constant 0 : i32
        %dma_start3A_116 = arith.constant 0 : i32
        %dma_start3A_117 = tpu.memref_slice %arg8[%dma_start3A_115, %dma_start3A_116] : memref<10112x128xf32, #tpu.memory_space<vmem_shared>> -> memref<10112x128xf32, #tpu.memory_space<vmem_shared>>
        tpu.enqueue_indirect_dma source(%arg7 : memref<128x128xf32, #tpu.memory_space<vmem>>) target(%dma_start3A_117 : memref<10112x128xf32, #tpu.memory_space<vmem_shared>>) offsets(%dma_start3A_114 : memref<128xi32, #tpu.memory_space<vmem>>) semaphore(%run_scoped3A_111 : memref<!tpu.dma_semaphore, #tpu.memory_space<semaphore_mem>>) {add = true}
        %dma_wait3A_118 = arith.constant 0 : i32
        %dma_wait3A_119 = tpu.memref_slice %arg5[%run_scoped3A_63, %run_scoped3A_64, %dma_wait3A_118] : memref<64x2x128xi32, #tpu.memory_space<vmem>> -> memref<1x1x128xi32, #tpu.memory_space<vmem>>
        %dma_wait3A_120 = tpu.memref_squeeze %dma_wait3A_119 : memref<1x1x128xi32, #tpu.memory_space<vmem>> -> memref<128xi32, #tpu.memory_space<vmem>>
        %dma_wait3A_121 = arith.constant 0 : i32
        %dma_wait3A_122 = arith.constant 0 : i32
        %dma_wait3A_123 = tpu.memref_slice %arg8[%dma_wait3A_121, %dma_wait3A_122] : memref<10112x128xf32, #tpu.memory_space<vmem_shared>> -> memref<10112x128xf32, #tpu.memory_space<vmem_shared>>
        tpu.wait_indirect_dma semaphore(%run_scoped3A_111 : memref<!tpu.dma_semaphore, #tpu.memory_space<semaphore_mem>>) src(%arg7 : memref<128x128xf32, #tpu.memory_space<vmem>>) dst(%dma_wait3A_123 : memref<10112x128xf32, #tpu.memory_space<vmem_shared>>)
        tpu.yield
      }) : () -> ()
      %mul3A_65 = arith.constant 128 : i32
      %mul3A_66 = arith.muli %arg1, %mul3A_65 : i32
      %add3A_67 = arith.constant 64 : i32
      %add3A_68 = arith.addi %mul3A_66, %add3A_67 : i32
      "tpu.region"() ({
        %run_scoped3A_111 = tpu.sem_alloc : memref<!tpu.dma_semaphore, #tpu.memory_space<semaphore_mem>>
        %dma_start3A_112 = arith.constant 0 : i32
        %dma_start3A_113 = arith.constant 0 : i32
        %dma_start3A_114 = arith.constant 0 : i32
        %dma_start3A_115 = tpu.memref_slice %arg5[%dma_start3A_112, %dma_start3A_113, %dma_start3A_114] : memref<64x2x128xi32, #tpu.memory_space<vmem>> -> memref<64x2x128xi32, #tpu.memory_space<vmem>>
        %dma_start3A_116 = arith.constant 0 : i32
        %dma_start3A_117 = arith.constant 0 : i32
        %dma_start3A_118 = tpu.memref_slice %arg3[%add3A_68, %dma_start3A_116, %dma_start3A_117] : memref<2560x2x128xi32, #tpu.memory_space<hbm>> -> memref<64x2x128xi32, #tpu.memory_space<hbm>>
        %dma_start3A_119 = arith.constant 0 : i32
        %dma_start3A_120 = arith.constant 0 : i32
        %dma_start3A_121 = arith.constant 0 : i32
        %dma_start3A_122 = tpu.memref_slice %arg5[%dma_start3A_119, %dma_start3A_120, %dma_start3A_121] : memref<64x2x128xi32, #tpu.memory_space<vmem>> -> memref<64x2x128xi32, #tpu.memory_space<vmem>>
        %dma_start3A_123 = arith.constant 0 : i32
        %dma_start3A_124 = arith.constant 0 : i32
        %dma_start3A_125 = tpu.memref_slice %arg3[%add3A_68, %dma_start3A_123, %dma_start3A_124] : memref<2560x2x128xi32, #tpu.memory_space<hbm>> -> memref<64x2x128xi32, #tpu.memory_space<hbm>>
        tpu.enqueue_dma source(%dma_start3A_125 : memref<64x2x128xi32, #tpu.memory_space<hbm>>) target(%dma_start3A_122 : memref<64x2x128xi32, #tpu.memory_space<vmem>>) target_semaphore(%run_scoped3A_111 : memref<!tpu.dma_semaphore, #tpu.memory_space<semaphore_mem>>)
        %dma_wait3A_126 = arith.constant 0 : i32
        %dma_wait3A_127 = arith.constant 0 : i32
        %dma_wait3A_128 = arith.constant 0 : i32
        %dma_wait3A_129 = tpu.memref_slice %arg5[%dma_wait3A_126, %dma_wait3A_127, %dma_wait3A_128] : memref<64x2x128xi32, #tpu.memory_space<vmem>> -> memref<64x2x128xi32, #tpu.memory_space<vmem>>
        %dma_wait3A_130 = arith.constant 0 : i32
        %dma_wait3A_131 = arith.constant 0 : i32
        %dma_wait3A_132 = tpu.memref_slice %arg3[%add3A_68, %dma_wait3A_130, %dma_wait3A_131] : memref<2560x2x128xi32, #tpu.memory_space<hbm>> -> memref<64x2x128xi32, #tpu.memory_space<hbm>>
        %dma_wait3A_133 = arith.constant 0 : i32
        %dma_wait3A_134 = arith.constant 0 : i32
        %dma_wait3A_135 = arith.constant 0 : i32
        %dma_wait3A_136 = tpu.memref_slice %arg5[%dma_wait3A_133, %dma_wait3A_134, %dma_wait3A_135] : memref<64x2x128xi32, #tpu.memory_space<vmem>> -> memref<64x2x128xi32, #tpu.memory_space<vmem>>
        %dma_wait3A_137 = arith.constant 0 : i32
        %dma_wait3A_138 = arith.constant 0 : i32
        %dma_wait3A_139 = tpu.memref_slice %arg3[%add3A_68, %dma_wait3A_137, %dma_wait3A_138] : memref<2560x2x128xi32, #tpu.memory_space<hbm>> -> memref<64x2x128xi32, #tpu.memory_space<hbm>>
        tpu.wait_dma2 semaphore(%run_scoped3A_111 : memref<!tpu.dma_semaphore, #tpu.memory_space<semaphore_mem>>) src(%dma_wait3A_139 : memref<64x2x128xi32, #tpu.memory_space<hbm>>) dst(%dma_wait3A_136 : memref<64x2x128xi32, #tpu.memory_space<vmem>>)
        tpu.yield
      }) : () -> ()
      %dma_start3A_69 = arith.constant 0 : i32
      %dma_start3A_70 = arith.constant 0 : i32
      %dma_start3A_71 = arith.constant 0 : i32
      %dma_start3A_72 = tpu.memref_slice %arg5[%dma_start3A_69, %dma_start3A_70, %dma_start3A_71] : memref<64x2x128xi32, #tpu.memory_space<vmem>> -> memref<1x1x128xi32, #tpu.memory_space<vmem>>
      %dma_start3A_73 = tpu.memref_squeeze %dma_start3A_72 : memref<1x1x128xi32, #tpu.memory_space<vmem>> -> memref<128xi32, #tpu.memory_space<vmem>>
      %dma_start3A_74 = arith.constant 0 : i32
      %dma_start3A_75 = arith.constant 0 : i32
      %dma_start3A_76 = tpu.memref_slice %arg2[%dma_start3A_74, %dma_start3A_75] : memref<10112x128xf32, #tpu.memory_space<hbm>> -> memref<10112x128xf32, #tpu.memory_space<hbm>>
      tpu.enqueue_indirect_dma source(%dma_start3A_76 : memref<10112x128xf32, #tpu.memory_space<hbm>>) target(%arg6 : memref<128x128xf32, #tpu.memory_space<vmem>>) offsets(%dma_start3A_73 : memref<128xi32, #tpu.memory_space<vmem>>) semaphore(%arg9 : memref<!tpu.dma_semaphore, #tpu.memory_space<semaphore_mem>>)
      %scan3A_77 = arith.constant 0 : i32
      %scan3A_78 = arith.constant 0 : i32
      %scan3A_79 = arith.constant 31 : i32
      %scan3A_80 = arith.addi %scan3A_78, %scan3A_79 : i32
      %scan3A_81 = arith.constant 1 : i32
      scf.for %scan3A_111 = %scan3A_78 to %scan3A_80 step %scan3A_81  : i32 {
        %mul3A_112 = arith.constant 2 : i32
        %mul3A_113 = arith.muli %mul3A_112, %scan3A_111 : i32
        %add3A_114 = arith.constant 1 : i32
        %add3A_115 = arith.addi %mul3A_113, %add3A_114 : i32
        %dma_start3A_116 = arith.constant 0 : i32
        %dma_start3A_117 = arith.constant 0 : i32
        %dma_start3A_118 = tpu.memref_slice %arg5[%add3A_115, %dma_start3A_116, %dma_start3A_117] : memref<64x2x128xi32, #tpu.memory_space<vmem>> -> memref<1x1x128xi32, #tpu.memory_space<vmem>>
        %dma_start3A_119 = tpu.memref_squeeze %dma_start3A_118 : memref<1x1x128xi32, #tpu.memory_space<vmem>> -> memref<128xi32, #tpu.memory_space<vmem>>
        %dma_start3A_120 = arith.constant 0 : i32
        %dma_start3A_121 = arith.constant 0 : i32
        %dma_start3A_122 = tpu.memref_slice %arg2[%dma_start3A_120, %dma_start3A_121] : memref<10112x128xf32, #tpu.memory_space<hbm>> -> memref<10112x128xf32, #tpu.memory_space<hbm>>
        tpu.enqueue_indirect_dma source(%dma_start3A_122 : memref<10112x128xf32, #tpu.memory_space<hbm>>) target(%arg7 : memref<128x128xf32, #tpu.memory_space<vmem>>) offsets(%dma_start3A_119 : memref<128xi32, #tpu.memory_space<vmem>>) semaphore(%arg10 : memref<!tpu.dma_semaphore, #tpu.memory_space<semaphore_mem>>)
        %dma_wait3A_123 = arith.constant 0 : i32
        %dma_wait3A_124 = arith.constant 0 : i32
        %dma_wait3A_125 = tpu.memref_slice %arg5[%mul3A_113, %dma_wait3A_123, %dma_wait3A_124] : memref<64x2x128xi32, #tpu.memory_space<vmem>> -> memref<1x1x128xi32, #tpu.memory_space<vmem>>
        %dma_wait3A_126 = tpu.memref_squeeze %dma_wait3A_125 : memref<1x1x128xi32, #tpu.memory_space<vmem>> -> memref<128xi32, #tpu.memory_space<vmem>>
        %dma_wait3A_127 = arith.constant 0 : i32
        %dma_wait3A_128 = arith.constant 0 : i32
        %dma_wait3A_129 = tpu.memref_slice %arg2[%dma_wait3A_127, %dma_wait3A_128] : memref<10112x128xf32, #tpu.memory_space<hbm>> -> memref<10112x128xf32, #tpu.memory_space<hbm>>
        tpu.wait_indirect_dma semaphore(%arg9 : memref<!tpu.dma_semaphore, #tpu.memory_space<semaphore_mem>>) src(%dma_wait3A_129 : memref<10112x128xf32, #tpu.memory_space<hbm>>) dst(%arg6 : memref<128x128xf32, #tpu.memory_space<vmem>>)
        %run_scoped3A_130 = arith.constant 1 : i32
        "tpu.region"() ({
          %run_scoped3A_150 = tpu.sem_alloc : memref<!tpu.dma_semaphore, #tpu.memory_space<semaphore_mem>>
          %dma_start3A_151 = arith.constant 0 : i32
          %dma_start3A_152 = tpu.memref_slice %arg5[%mul3A_113, %run_scoped3A_130, %dma_start3A_151] : memref<64x2x128xi32, #tpu.memory_space<vmem>> -> memref<1x1x128xi32, #tpu.memory_space<vmem>>
          %dma_start3A_153 = tpu.memref_squeeze %dma_start3A_152 : memref<1x1x128xi32, #tpu.memory_space<vmem>> -> memref<128xi32, #tpu.memory_space<vmem>>
          %dma_start3A_154 = arith.constant 0 : i32
          %dma_start3A_155 = arith.constant 0 : i32
          %dma_start3A_156 = tpu.memref_slice %arg8[%dma_start3A_154, %dma_start3A_155] : memref<10112x128xf32, #tpu.memory_space<vmem_shared>> -> memref<10112x128xf32, #tpu.memory_space<vmem_shared>>
          tpu.enqueue_indirect_dma source(%arg6 : memref<128x128xf32, #tpu.memory_space<vmem>>) target(%dma_start3A_156 : memref<10112x128xf32, #tpu.memory_space<vmem_shared>>) offsets(%dma_start3A_153 : memref<128xi32, #tpu.memory_space<vmem>>) semaphore(%run_scoped3A_150 : memref<!tpu.dma_semaphore, #tpu.memory_space<semaphore_mem>>) {add = true}
          %dma_wait3A_157 = arith.constant 0 : i32
          %dma_wait3A_158 = tpu.memref_slice %arg5[%mul3A_113, %run_scoped3A_130, %dma_wait3A_157] : memref<64x2x128xi32, #tpu.memory_space<vmem>> -> memref<1x1x128xi32, #tpu.memory_space<vmem>>
          %dma_wait3A_159 = tpu.memref_squeeze %dma_wait3A_158 : memref<1x1x128xi32, #tpu.memory_space<vmem>> -> memref<128xi32, #tpu.memory_space<vmem>>
          %dma_wait3A_160 = arith.constant 0 : i32
          %dma_wait3A_161 = arith.constant 0 : i32
          %dma_wait3A_162 = tpu.memref_slice %arg8[%dma_wait3A_160, %dma_wait3A_161] : memref<10112x128xf32, #tpu.memory_space<vmem_shared>> -> memref<10112x128xf32, #tpu.memory_space<vmem_shared>>
          tpu.wait_indirect_dma semaphore(%run_scoped3A_150 : memref<!tpu.dma_semaphore, #tpu.memory_space<semaphore_mem>>) src(%arg6 : memref<128x128xf32, #tpu.memory_space<vmem>>) dst(%dma_wait3A_162 : memref<10112x128xf32, #tpu.memory_space<vmem_shared>>)
          tpu.yield
        }) : () -> ()
        %add3A_131 = arith.constant 2 : i32
        %add3A_132 = arith.addi %mul3A_113, %add3A_131 : i32
        %dma_start3A_133 = arith.constant 0 : i32
        %dma_start3A_134 = arith.constant 0 : i32
        %dma_start3A_135 = tpu.memref_slice %arg5[%add3A_132, %dma_start3A_133, %dma_start3A_134] : memref<64x2x128xi32, #tpu.memory_space<vmem>> -> memref<1x1x128xi32, #tpu.memory_space<vmem>>
        %dma_start3A_136 = tpu.memref_squeeze %dma_start3A_135 : memref<1x1x128xi32, #tpu.memory_space<vmem>> -> memref<128xi32, #tpu.memory_space<vmem>>
        %dma_start3A_137 = arith.constant 0 : i32
        %dma_start3A_138 = arith.constant 0 : i32
        %dma_start3A_139 = tpu.memref_slice %arg2[%dma_start3A_137, %dma_start3A_138] : memref<10112x128xf32, #tpu.memory_space<hbm>> -> memref<10112x128xf32, #tpu.memory_space<hbm>>
        tpu.enqueue_indirect_dma source(%dma_start3A_139 : memref<10112x128xf32, #tpu.memory_space<hbm>>) target(%arg6 : memref<128x128xf32, #tpu.memory_space<vmem>>) offsets(%dma_start3A_136 : memref<128xi32, #tpu.memory_space<vmem>>) semaphore(%arg9 : memref<!tpu.dma_semaphore, #tpu.memory_space<semaphore_mem>>)
        %add3A_140 = arith.constant 1 : i32
        %add3A_141 = arith.addi %mul3A_113, %add3A_140 : i32
        %dma_wait3A_142 = arith.constant 0 : i32
        %dma_wait3A_143 = arith.constant 0 : i32
        %dma_wait3A_144 = tpu.memref_slice %arg5[%add3A_141, %dma_wait3A_142, %dma_wait3A_143] : memref<64x2x128xi32, #tpu.memory_space<vmem>> -> memref<1x1x128xi32, #tpu.memory_space<vmem>>
        %dma_wait3A_145 = tpu.memref_squeeze %dma_wait3A_144 : memref<1x1x128xi32, #tpu.memory_space<vmem>> -> memref<128xi32, #tpu.memory_space<vmem>>
        %dma_wait3A_146 = arith.constant 0 : i32
        %dma_wait3A_147 = arith.constant 0 : i32
        %dma_wait3A_148 = tpu.memref_slice %arg2[%dma_wait3A_146, %dma_wait3A_147] : memref<10112x128xf32, #tpu.memory_space<hbm>> -> memref<10112x128xf32, #tpu.memory_space<hbm>>
        tpu.wait_indirect_dma semaphore(%arg10 : memref<!tpu.dma_semaphore, #tpu.memory_space<semaphore_mem>>) src(%dma_wait3A_148 : memref<10112x128xf32, #tpu.memory_space<hbm>>) dst(%arg7 : memref<128x128xf32, #tpu.memory_space<vmem>>)
        %run_scoped3A_149 = arith.constant 1 : i32
        "tpu.region"() ({
          %run_scoped3A_150 = tpu.sem_alloc : memref<!tpu.dma_semaphore, #tpu.memory_space<semaphore_mem>>
          %dma_start3A_151 = arith.constant 0 : i32
          %dma_start3A_152 = tpu.memref_slice %arg5[%add3A_141, %run_scoped3A_149, %dma_start3A_151] : memref<64x2x128xi32, #tpu.memory_space<vmem>> -> memref<1x1x128xi32, #tpu.memory_space<vmem>>
          %dma_start3A_153 = tpu.memref_squeeze %dma_start3A_152 : memref<1x1x128xi32, #tpu.memory_space<vmem>> -> memref<128xi32, #tpu.memory_space<vmem>>
          %dma_start3A_154 = arith.constant 0 : i32
          %dma_start3A_155 = arith.constant 0 : i32
          %dma_start3A_156 = tpu.memref_slice %arg8[%dma_start3A_154, %dma_start3A_155] : memref<10112x128xf32, #tpu.memory_space<vmem_shared>> -> memref<10112x128xf32, #tpu.memory_space<vmem_shared>>
          tpu.enqueue_indirect_dma source(%arg7 : memref<128x128xf32, #tpu.memory_space<vmem>>) target(%dma_start3A_156 : memref<10112x128xf32, #tpu.memory_space<vmem_shared>>) offsets(%dma_start3A_153 : memref<128xi32, #tpu.memory_space<vmem>>) semaphore(%run_scoped3A_150 : memref<!tpu.dma_semaphore, #tpu.memory_space<semaphore_mem>>) {add = true}
          %dma_wait3A_157 = arith.constant 0 : i32
          %dma_wait3A_158 = tpu.memref_slice %arg5[%add3A_141, %run_scoped3A_149, %dma_wait3A_157] : memref<64x2x128xi32, #tpu.memory_space<vmem>> -> memref<1x1x128xi32, #tpu.memory_space<vmem>>
          %dma_wait3A_159 = tpu.memref_squeeze %dma_wait3A_158 : memref<1x1x128xi32, #tpu.memory_space<vmem>> -> memref<128xi32, #tpu.memory_space<vmem>>
          %dma_wait3A_160 = arith.constant 0 : i32
          %dma_wait3A_161 = arith.constant 0 : i32
          %dma_wait3A_162 = tpu.memref_slice %arg8[%dma_wait3A_160, %dma_wait3A_161] : memref<10112x128xf32, #tpu.memory_space<vmem_shared>> -> memref<10112x128xf32, #tpu.memory_space<vmem_shared>>
          tpu.wait_indirect_dma semaphore(%run_scoped3A_150 : memref<!tpu.dma_semaphore, #tpu.memory_space<semaphore_mem>>) src(%arg7 : memref<128x128xf32, #tpu.memory_space<vmem>>) dst(%dma_wait3A_162 : memref<10112x128xf32, #tpu.memory_space<vmem_shared>>)
          tpu.yield
        }) : () -> ()
      }
      %scan3A_82 = arith.constant 31 : i32
      %dma_start3A_83 = arith.constant 63 : i32
      %dma_start3A_84 = arith.constant 0 : i32
      %dma_start3A_85 = arith.constant 0 : i32
      %dma_start3A_86 = tpu.memref_slice %arg5[%dma_start3A_83, %dma_start3A_84, %dma_start3A_85] : memref<64x2x128xi32, #tpu.memory_space<vmem>> -> memref<1x1x128xi32, #tpu.memory_space<vmem>>
      %dma_start3A_87 = tpu.memref_squeeze %dma_start3A_86 : memref<1x1x128xi32, #tpu.memory_space<vmem>> -> memref<128xi32, #tpu.memory_space<vmem>>
      %dma_start3A_88 = arith.constant 0 : i32
      %dma_start3A_89 = arith.constant 0 : i32
      %dma_start3A_90 = tpu.memref_slice %arg2[%dma_start3A_88, %dma_start3A_89] : memref<10112x128xf32, #tpu.memory_space<hbm>> -> memref<10112x128xf32, #tpu.memory_space<hbm>>
      tpu.enqueue_indirect_dma source(%dma_start3A_90 : memref<10112x128xf32, #tpu.memory_space<hbm>>) target(%arg7 : memref<128x128xf32, #tpu.memory_space<vmem>>) offsets(%dma_start3A_87 : memref<128xi32, #tpu.memory_space<vmem>>) semaphore(%arg10 : memref<!tpu.dma_semaphore, #tpu.memory_space<semaphore_mem>>)
      %dma_wait3A_91 = arith.constant 62 : i32
      %dma_wait3A_92 = arith.constant 0 : i32
      %dma_wait3A_93 = arith.constant 0 : i32
      %dma_wait3A_94 = tpu.memref_slice %arg5[%dma_wait3A_91, %dma_wait3A_92, %dma_wait3A_93] : memref<64x2x128xi32, #tpu.memory_space<vmem>> -> memref<1x1x128xi32, #tpu.memory_space<vmem>>
      %dma_wait3A_95 = tpu.memref_squeeze %dma_wait3A_94 : memref<1x1x128xi32, #tpu.memory_space<vmem>> -> memref<128xi32, #tpu.memory_space<vmem>>
      %dma_wait3A_96 = arith.constant 0 : i32
      %dma_wait3A_97 = arith.constant 0 : i32
      %dma_wait3A_98 = tpu.memref_slice %arg2[%dma_wait3A_96, %dma_wait3A_97] : memref<10112x128xf32, #tpu.memory_space<hbm>> -> memref<10112x128xf32, #tpu.memory_space<hbm>>
      tpu.wait_indirect_dma semaphore(%arg9 : memref<!tpu.dma_semaphore, #tpu.memory_space<semaphore_mem>>) src(%dma_wait3A_98 : memref<10112x128xf32, #tpu.memory_space<hbm>>) dst(%arg6 : memref<128x128xf32, #tpu.memory_space<vmem>>)
      %run_scoped3A_99 = arith.constant 62 : i32
      %run_scoped3A_100 = arith.constant 1 : i32
      "tpu.region"() ({
        %run_scoped3A_111 = tpu.sem_alloc : memref<!tpu.dma_semaphore, #tpu.memory_space<semaphore_mem>>
        %dma_start3A_112 = arith.constant 0 : i32
        %dma_start3A_113 = tpu.memref_slice %arg5[%run_scoped3A_99, %run_scoped3A_100, %dma_start3A_112] : memref<64x2x128xi32, #tpu.memory_space<vmem>> -> memref<1x1x128xi32, #tpu.memory_space<vmem>>
        %dma_start3A_114 = tpu.memref_squeeze %dma_start3A_113 : memref<1x1x128xi32, #tpu.memory_space<vmem>> -> memref<128xi32, #tpu.memory_space<vmem>>
        %dma_start3A_115 = arith.constant 0 : i32
        %dma_start3A_116 = arith.constant 0 : i32
        %dma_start3A_117 = tpu.memref_slice %arg8[%dma_start3A_115, %dma_start3A_116] : memref<10112x128xf32, #tpu.memory_space<vmem_shared>> -> memref<10112x128xf32, #tpu.memory_space<vmem_shared>>
        tpu.enqueue_indirect_dma source(%arg6 : memref<128x128xf32, #tpu.memory_space<vmem>>) target(%dma_start3A_117 : memref<10112x128xf32, #tpu.memory_space<vmem_shared>>) offsets(%dma_start3A_114 : memref<128xi32, #tpu.memory_space<vmem>>) semaphore(%run_scoped3A_111 : memref<!tpu.dma_semaphore, #tpu.memory_space<semaphore_mem>>) {add = true}
        %dma_wait3A_118 = arith.constant 0 : i32
        %dma_wait3A_119 = tpu.memref_slice %arg5[%run_scoped3A_99, %run_scoped3A_100, %dma_wait3A_118] : memref<64x2x128xi32, #tpu.memory_space<vmem>> -> memref<1x1x128xi32, #tpu.memory_space<vmem>>
        %dma_wait3A_120 = tpu.memref_squeeze %dma_wait3A_119 : memref<1x1x128xi32, #tpu.memory_space<vmem>> -> memref<128xi32, #tpu.memory_space<vmem>>
        %dma_wait3A_121 = arith.constant 0 : i32
        %dma_wait3A_122 = arith.constant 0 : i32
        %dma_wait3A_123 = tpu.memref_slice %arg8[%dma_wait3A_121, %dma_wait3A_122] : memref<10112x128xf32, #tpu.memory_space<vmem_shared>> -> memref<10112x128xf32, #tpu.memory_space<vmem_shared>>
        tpu.wait_indirect_dma semaphore(%run_scoped3A_111 : memref<!tpu.dma_semaphore, #tpu.memory_space<semaphore_mem>>) src(%arg6 : memref<128x128xf32, #tpu.memory_space<vmem>>) dst(%dma_wait3A_123 : memref<10112x128xf32, #tpu.memory_space<vmem_shared>>)
        tpu.yield
      }) : () -> ()
      %dma_wait3A_101 = arith.constant 63 : i32
      %dma_wait3A_102 = arith.constant 0 : i32
      %dma_wait3A_103 = arith.constant 0 : i32
      %dma_wait3A_104 = tpu.memref_slice %arg5[%dma_wait3A_101, %dma_wait3A_102, %dma_wait3A_103] : memref<64x2x128xi32, #tpu.memory_space<vmem>> -> memref<1x1x128xi32, #tpu.memory_space<vmem>>
      %dma_wait3A_105 = tpu.memref_squeeze %dma_wait3A_104 : memref<1x1x128xi32, #tpu.memory_space<vmem>> -> memref<128xi32, #tpu.memory_space<vmem>>
      %dma_wait3A_106 = arith.constant 0 : i32
      %dma_wait3A_107 = arith.constant 0 : i32
      %dma_wait3A_108 = tpu.memref_slice %arg2[%dma_wait3A_106, %dma_wait3A_107] : memref<10112x128xf32, #tpu.memory_space<hbm>> -> memref<10112x128xf32, #tpu.memory_space<hbm>>
      tpu.wait_indirect_dma semaphore(%arg10 : memref<!tpu.dma_semaphore, #tpu.memory_space<semaphore_mem>>) src(%dma_wait3A_108 : memref<10112x128xf32, #tpu.memory_space<hbm>>) dst(%arg7 : memref<128x128xf32, #tpu.memory_space<vmem>>)
      %run_scoped3A_109 = arith.constant 63 : i32
      %run_scoped3A_110 = arith.constant 1 : i32
      "tpu.region"() ({
        %run_scoped3A_111 = tpu.sem_alloc : memref<!tpu.dma_semaphore, #tpu.memory_space<semaphore_mem>>
        %dma_start3A_112 = arith.constant 0 : i32
        %dma_start3A_113 = tpu.memref_slice %arg5[%run_scoped3A_109, %run_scoped3A_110, %dma_start3A_112] : memref<64x2x128xi32, #tpu.memory_space<vmem>> -> memref<1x1x128xi32, #tpu.memory_space<vmem>>
        %dma_start3A_114 = tpu.memref_squeeze %dma_start3A_113 : memref<1x1x128xi32, #tpu.memory_space<vmem>> -> memref<128xi32, #tpu.memory_space<vmem>>
        %dma_start3A_115 = arith.constant 0 : i32
        %dma_start3A_116 = arith.constant 0 : i32
        %dma_start3A_117 = tpu.memref_slice %arg8[%dma_start3A_115, %dma_start3A_116] : memref<10112x128xf32, #tpu.memory_space<vmem_shared>> -> memref<10112x128xf32, #tpu.memory_space<vmem_shared>>
        tpu.enqueue_indirect_dma source(%arg7 : memref<128x128xf32, #tpu.memory_space<vmem>>) target(%dma_start3A_117 : memref<10112x128xf32, #tpu.memory_space<vmem_shared>>) offsets(%dma_start3A_114 : memref<128xi32, #tpu.memory_space<vmem>>) semaphore(%run_scoped3A_111 : memref<!tpu.dma_semaphore, #tpu.memory_space<semaphore_mem>>) {add = true}
        %dma_wait3A_118 = arith.constant 0 : i32
        %dma_wait3A_119 = tpu.memref_slice %arg5[%run_scoped3A_109, %run_scoped3A_110, %dma_wait3A_118] : memref<64x2x128xi32, #tpu.memory_space<vmem>> -> memref<1x1x128xi32, #tpu.memory_space<vmem>>
        %dma_wait3A_120 = tpu.memref_squeeze %dma_wait3A_119 : memref<1x1x128xi32, #tpu.memory_space<vmem>> -> memref<128xi32, #tpu.memory_space<vmem>>
        %dma_wait3A_121 = arith.constant 0 : i32
        %dma_wait3A_122 = arith.constant 0 : i32
        %dma_wait3A_123 = tpu.memref_slice %arg8[%dma_wait3A_121, %dma_wait3A_122] : memref<10112x128xf32, #tpu.memory_space<vmem_shared>> -> memref<10112x128xf32, #tpu.memory_space<vmem_shared>>
        tpu.wait_indirect_dma semaphore(%run_scoped3A_111 : memref<!tpu.dma_semaphore, #tpu.memory_space<semaphore_mem>>) src(%arg7 : memref<128x128xf32, #tpu.memory_space<vmem>>) dst(%dma_wait3A_123 : memref<10112x128xf32, #tpu.memory_space<vmem_shared>>)
        tpu.yield
      }) : () -> ()
    } else {
    }
    %eq3A_18 = arith.constant 1 : i32
    %eq3A_19 = arith.cmpi eq, %arg0, %eq3A_18 : i32
    %convert_element_type3A_20 = arith.extui %eq3A_19 : i1 to i32
    %cond3A_21 = arith.constant 0 : i32
    %cond3A_22 = arith.cmpi ne, %convert_element_type3A_20, %cond3A_21 : i32
    scf.if %cond3A_22 {
      %mul3A_24 = arith.constant 32 : i32
      %mul3A_25 = arith.muli %arg1, %mul3A_24 : i32
      %add3A_26 = arith.constant 2048 : i32
      %add3A_27 = arith.addi %add3A_26, %mul3A_25 : i32
      "tpu.region"() ({
        %run_scoped3A_67 = tpu.sem_alloc : memref<!tpu.dma_semaphore, #tpu.memory_space<semaphore_mem>>
        %dma_start3A_68 = arith.constant 0 : i32
        %dma_start3A_69 = arith.constant 0 : i32
        %dma_start3A_70 = arith.constant 0 : i32
        %dma_start3A_71 = tpu.memref_slice %arg5[%dma_start3A_68, %dma_start3A_69, %dma_start3A_70] : memref<64x2x128xi32, #tpu.memory_space<vmem>> -> memref<32x2x128xi32, #tpu.memory_space<vmem>>
        %dma_start3A_72 = arith.constant 0 : i32
        %dma_start3A_73 = arith.constant 0 : i32
        %dma_start3A_74 = tpu.memref_slice %arg3[%add3A_27, %dma_start3A_72, %dma_start3A_73] : memref<2560x2x128xi32, #tpu.memory_space<hbm>> -> memref<32x2x128xi32, #tpu.memory_space<hbm>>
        %dma_start3A_75 = arith.constant 0 : i32
        %dma_start3A_76 = arith.constant 0 : i32
        %dma_start3A_77 = arith.constant 0 : i32
        %dma_start3A_78 = tpu.memref_slice %arg5[%dma_start3A_75, %dma_start3A_76, %dma_start3A_77] : memref<64x2x128xi32, #tpu.memory_space<vmem>> -> memref<32x2x128xi32, #tpu.memory_space<vmem>>
        %dma_start3A_79 = arith.constant 0 : i32
        %dma_start3A_80 = arith.constant 0 : i32
        %dma_start3A_81 = tpu.memref_slice %arg3[%add3A_27, %dma_start3A_79, %dma_start3A_80] : memref<2560x2x128xi32, #tpu.memory_space<hbm>> -> memref<32x2x128xi32, #tpu.memory_space<hbm>>
        tpu.enqueue_dma source(%dma_start3A_81 : memref<32x2x128xi32, #tpu.memory_space<hbm>>) target(%dma_start3A_78 : memref<32x2x128xi32, #tpu.memory_space<vmem>>) target_semaphore(%run_scoped3A_67 : memref<!tpu.dma_semaphore, #tpu.memory_space<semaphore_mem>>)
        %dma_wait3A_82 = arith.constant 0 : i32
        %dma_wait3A_83 = arith.constant 0 : i32
        %dma_wait3A_84 = arith.constant 0 : i32
        %dma_wait3A_85 = tpu.memref_slice %arg5[%dma_wait3A_82, %dma_wait3A_83, %dma_wait3A_84] : memref<64x2x128xi32, #tpu.memory_space<vmem>> -> memref<32x2x128xi32, #tpu.memory_space<vmem>>
        %dma_wait3A_86 = arith.constant 0 : i32
        %dma_wait3A_87 = arith.constant 0 : i32
        %dma_wait3A_88 = tpu.memref_slice %arg3[%add3A_27, %dma_wait3A_86, %dma_wait3A_87] : memref<2560x2x128xi32, #tpu.memory_space<hbm>> -> memref<32x2x128xi32, #tpu.memory_space<hbm>>
        %dma_wait3A_89 = arith.constant 0 : i32
        %dma_wait3A_90 = arith.constant 0 : i32
        %dma_wait3A_91 = arith.constant 0 : i32
        %dma_wait3A_92 = tpu.memref_slice %arg5[%dma_wait3A_89, %dma_wait3A_90, %dma_wait3A_91] : memref<64x2x128xi32, #tpu.memory_space<vmem>> -> memref<32x2x128xi32, #tpu.memory_space<vmem>>
        %dma_wait3A_93 = arith.constant 0 : i32
        %dma_wait3A_94 = arith.constant 0 : i32
        %dma_wait3A_95 = tpu.memref_slice %arg3[%add3A_27, %dma_wait3A_93, %dma_wait3A_94] : memref<2560x2x128xi32, #tpu.memory_space<hbm>> -> memref<32x2x128xi32, #tpu.memory_space<hbm>>
        tpu.wait_dma2 semaphore(%run_scoped3A_67 : memref<!tpu.dma_semaphore, #tpu.memory_space<semaphore_mem>>) src(%dma_wait3A_95 : memref<32x2x128xi32, #tpu.memory_space<hbm>>) dst(%dma_wait3A_92 : memref<32x2x128xi32, #tpu.memory_space<vmem>>)
        tpu.yield
      }) : () -> ()
      %dma_start3A = arith.constant 0 : i32
      %dma_start3A_28 = arith.constant 0 : i32
      %dma_start3A_29 = arith.constant 0 : i32
      %dma_start3A_30 = tpu.memref_slice %arg5[%dma_start3A, %dma_start3A_28, %dma_start3A_29] : memref<64x2x128xi32, #tpu.memory_space<vmem>> -> memref<1x1x128xi32, #tpu.memory_space<vmem>>
      %dma_start3A_31 = tpu.memref_squeeze %dma_start3A_30 : memref<1x1x128xi32, #tpu.memory_space<vmem>> -> memref<128xi32, #tpu.memory_space<vmem>>
      %dma_start3A_32 = arith.constant 0 : i32
      %dma_start3A_33 = arith.constant 0 : i32
      %dma_start3A_34 = tpu.memref_slice %arg2[%dma_start3A_32, %dma_start3A_33] : memref<10112x128xf32, #tpu.memory_space<hbm>> -> memref<10112x128xf32, #tpu.memory_space<hbm>>
      tpu.enqueue_indirect_dma source(%dma_start3A_34 : memref<10112x128xf32, #tpu.memory_space<hbm>>) target(%arg6 : memref<128x128xf32, #tpu.memory_space<vmem>>) offsets(%dma_start3A_31 : memref<128xi32, #tpu.memory_space<vmem>>) semaphore(%arg9 : memref<!tpu.dma_semaphore, #tpu.memory_space<semaphore_mem>>)
      %scan3A_35 = arith.constant 0 : i32
      %scan3A_36 = arith.constant 0 : i32
      %scan3A_37 = arith.constant 15 : i32
      %scan3A_38 = arith.addi %scan3A_36, %scan3A_37 : i32
      %scan3A_39 = arith.constant 1 : i32
      scf.for %scan3A_67 = %scan3A_36 to %scan3A_38 step %scan3A_39  : i32 {
        %mul3A_68 = arith.constant 2 : i32
        %mul3A_69 = arith.muli %mul3A_68, %scan3A_67 : i32
        %add3A_70 = arith.constant 1 : i32
        %add3A_71 = arith.addi %mul3A_69, %add3A_70 : i32
        %dma_start3A_72 = arith.constant 0 : i32
        %dma_start3A_73 = arith.constant 0 : i32
        %dma_start3A_74 = tpu.memref_slice %arg5[%add3A_71, %dma_start3A_72, %dma_start3A_73] : memref<64x2x128xi32, #tpu.memory_space<vmem>> -> memref<1x1x128xi32, #tpu.memory_space<vmem>>
        %dma_start3A_75 = tpu.memref_squeeze %dma_start3A_74 : memref<1x1x128xi32, #tpu.memory_space<vmem>> -> memref<128xi32, #tpu.memory_space<vmem>>
        %dma_start3A_76 = arith.constant 0 : i32
        %dma_start3A_77 = arith.constant 0 : i32
        %dma_start3A_78 = tpu.memref_slice %arg2[%dma_start3A_76, %dma_start3A_77] : memref<10112x128xf32, #tpu.memory_space<hbm>> -> memref<10112x128xf32, #tpu.memory_space<hbm>>
        tpu.enqueue_indirect_dma source(%dma_start3A_78 : memref<10112x128xf32, #tpu.memory_space<hbm>>) target(%arg7 : memref<128x128xf32, #tpu.memory_space<vmem>>) offsets(%dma_start3A_75 : memref<128xi32, #tpu.memory_space<vmem>>) semaphore(%arg10 : memref<!tpu.dma_semaphore, #tpu.memory_space<semaphore_mem>>)
        %dma_wait3A_79 = arith.constant 0 : i32
        %dma_wait3A_80 = arith.constant 0 : i32
        %dma_wait3A_81 = tpu.memref_slice %arg5[%mul3A_69, %dma_wait3A_79, %dma_wait3A_80] : memref<64x2x128xi32, #tpu.memory_space<vmem>> -> memref<1x1x128xi32, #tpu.memory_space<vmem>>
        %dma_wait3A_82 = tpu.memref_squeeze %dma_wait3A_81 : memref<1x1x128xi32, #tpu.memory_space<vmem>> -> memref<128xi32, #tpu.memory_space<vmem>>
        %dma_wait3A_83 = arith.constant 0 : i32
        %dma_wait3A_84 = arith.constant 0 : i32
        %dma_wait3A_85 = tpu.memref_slice %arg2[%dma_wait3A_83, %dma_wait3A_84] : memref<10112x128xf32, #tpu.memory_space<hbm>> -> memref<10112x128xf32, #tpu.memory_space<hbm>>
        tpu.wait_indirect_dma semaphore(%arg9 : memref<!tpu.dma_semaphore, #tpu.memory_space<semaphore_mem>>) src(%dma_wait3A_85 : memref<10112x128xf32, #tpu.memory_space<hbm>>) dst(%arg6 : memref<128x128xf32, #tpu.memory_space<vmem>>)
        %run_scoped3A_86 = arith.constant 1 : i32
        "tpu.region"() ({
          %run_scoped3A_106 = tpu.sem_alloc : memref<!tpu.dma_semaphore, #tpu.memory_space<semaphore_mem>>
          %dma_start3A_107 = arith.constant 0 : i32
          %dma_start3A_108 = tpu.memref_slice %arg5[%mul3A_69, %run_scoped3A_86, %dma_start3A_107] : memref<64x2x128xi32, #tpu.memory_space<vmem>> -> memref<1x1x128xi32, #tpu.memory_space<vmem>>
          %dma_start3A_109 = tpu.memref_squeeze %dma_start3A_108 : memref<1x1x128xi32, #tpu.memory_space<vmem>> -> memref<128xi32, #tpu.memory_space<vmem>>
          %dma_start3A_110 = arith.constant 0 : i32
          %dma_start3A_111 = arith.constant 0 : i32
          %dma_start3A_112 = tpu.memref_slice %arg8[%dma_start3A_110, %dma_start3A_111] : memref<10112x128xf32, #tpu.memory_space<vmem_shared>> -> memref<10112x128xf32, #tpu.memory_space<vmem_shared>>
          tpu.enqueue_indirect_dma source(%arg6 : memref<128x128xf32, #tpu.memory_space<vmem>>) target(%dma_start3A_112 : memref<10112x128xf32, #tpu.memory_space<vmem_shared>>) offsets(%dma_start3A_109 : memref<128xi32, #tpu.memory_space<vmem>>) semaphore(%run_scoped3A_106 : memref<!tpu.dma_semaphore, #tpu.memory_space<semaphore_mem>>) {add = true}
          %dma_wait3A_113 = arith.constant 0 : i32
          %dma_wait3A_114 = tpu.memref_slice %arg5[%mul3A_69, %run_scoped3A_86, %dma_wait3A_113] : memref<64x2x128xi32, #tpu.memory_space<vmem>> -> memref<1x1x128xi32, #tpu.memory_space<vmem>>
          %dma_wait3A_115 = tpu.memref_squeeze %dma_wait3A_114 : memref<1x1x128xi32, #tpu.memory_space<vmem>> -> memref<128xi32, #tpu.memory_space<vmem>>
          %dma_wait3A_116 = arith.constant 0 : i32
          %dma_wait3A_117 = arith.constant 0 : i32
          %dma_wait3A_118 = tpu.memref_slice %arg8[%dma_wait3A_116, %dma_wait3A_117] : memref<10112x128xf32, #tpu.memory_space<vmem_shared>> -> memref<10112x128xf32, #tpu.memory_space<vmem_shared>>
          tpu.wait_indirect_dma semaphore(%run_scoped3A_106 : memref<!tpu.dma_semaphore, #tpu.memory_space<semaphore_mem>>) src(%arg6 : memref<128x128xf32, #tpu.memory_space<vmem>>) dst(%dma_wait3A_118 : memref<10112x128xf32, #tpu.memory_space<vmem_shared>>)
          tpu.yield
        }) : () -> ()
        %add3A_87 = arith.constant 2 : i32
        %add3A_88 = arith.addi %mul3A_69, %add3A_87 : i32
        %dma_start3A_89 = arith.constant 0 : i32
        %dma_start3A_90 = arith.constant 0 : i32
        %dma_start3A_91 = tpu.memref_slice %arg5[%add3A_88, %dma_start3A_89, %dma_start3A_90] : memref<64x2x128xi32, #tpu.memory_space<vmem>> -> memref<1x1x128xi32, #tpu.memory_space<vmem>>
        %dma_start3A_92 = tpu.memref_squeeze %dma_start3A_91 : memref<1x1x128xi32, #tpu.memory_space<vmem>> -> memref<128xi32, #tpu.memory_space<vmem>>
        %dma_start3A_93 = arith.constant 0 : i32
        %dma_start3A_94 = arith.constant 0 : i32
        %dma_start3A_95 = tpu.memref_slice %arg2[%dma_start3A_93, %dma_start3A_94] : memref<10112x128xf32, #tpu.memory_space<hbm>> -> memref<10112x128xf32, #tpu.memory_space<hbm>>
        tpu.enqueue_indirect_dma source(%dma_start3A_95 : memref<10112x128xf32, #tpu.memory_space<hbm>>) target(%arg6 : memref<128x128xf32, #tpu.memory_space<vmem>>) offsets(%dma_start3A_92 : memref<128xi32, #tpu.memory_space<vmem>>) semaphore(%arg9 : memref<!tpu.dma_semaphore, #tpu.memory_space<semaphore_mem>>)
        %add3A_96 = arith.constant 1 : i32
        %add3A_97 = arith.addi %mul3A_69, %add3A_96 : i32
        %dma_wait3A_98 = arith.constant 0 : i32
        %dma_wait3A_99 = arith.constant 0 : i32
        %dma_wait3A_100 = tpu.memref_slice %arg5[%add3A_97, %dma_wait3A_98, %dma_wait3A_99] : memref<64x2x128xi32, #tpu.memory_space<vmem>> -> memref<1x1x128xi32, #tpu.memory_space<vmem>>
        %dma_wait3A_101 = tpu.memref_squeeze %dma_wait3A_100 : memref<1x1x128xi32, #tpu.memory_space<vmem>> -> memref<128xi32, #tpu.memory_space<vmem>>
        %dma_wait3A_102 = arith.constant 0 : i32
        %dma_wait3A_103 = arith.constant 0 : i32
        %dma_wait3A_104 = tpu.memref_slice %arg2[%dma_wait3A_102, %dma_wait3A_103] : memref<10112x128xf32, #tpu.memory_space<hbm>> -> memref<10112x128xf32, #tpu.memory_space<hbm>>
        tpu.wait_indirect_dma semaphore(%arg10 : memref<!tpu.dma_semaphore, #tpu.memory_space<semaphore_mem>>) src(%dma_wait3A_104 : memref<10112x128xf32, #tpu.memory_space<hbm>>) dst(%arg7 : memref<128x128xf32, #tpu.memory_space<vmem>>)
        %run_scoped3A_105 = arith.constant 1 : i32
        "tpu.region"() ({
          %run_scoped3A_106 = tpu.sem_alloc : memref<!tpu.dma_semaphore, #tpu.memory_space<semaphore_mem>>
          %dma_start3A_107 = arith.constant 0 : i32
          %dma_start3A_108 = tpu.memref_slice %arg5[%add3A_97, %run_scoped3A_105, %dma_start3A_107] : memref<64x2x128xi32, #tpu.memory_space<vmem>> -> memref<1x1x128xi32, #tpu.memory_space<vmem>>
          %dma_start3A_109 = tpu.memref_squeeze %dma_start3A_108 : memref<1x1x128xi32, #tpu.memory_space<vmem>> -> memref<128xi32, #tpu.memory_space<vmem>>
          %dma_start3A_110 = arith.constant 0 : i32
          %dma_start3A_111 = arith.constant 0 : i32
          %dma_start3A_112 = tpu.memref_slice %arg8[%dma_start3A_110, %dma_start3A_111] : memref<10112x128xf32, #tpu.memory_space<vmem_shared>> -> memref<10112x128xf32, #tpu.memory_space<vmem_shared>>
          tpu.enqueue_indirect_dma source(%arg7 : memref<128x128xf32, #tpu.memory_space<vmem>>) target(%dma_start3A_112 : memref<10112x128xf32, #tpu.memory_space<vmem_shared>>) offsets(%dma_start3A_109 : memref<128xi32, #tpu.memory_space<vmem>>) semaphore(%run_scoped3A_106 : memref<!tpu.dma_semaphore, #tpu.memory_space<semaphore_mem>>) {add = true}
          %dma_wait3A_113 = arith.constant 0 : i32
          %dma_wait3A_114 = tpu.memref_slice %arg5[%add3A_97, %run_scoped3A_105, %dma_wait3A_113] : memref<64x2x128xi32, #tpu.memory_space<vmem>> -> memref<1x1x128xi32, #tpu.memory_space<vmem>>
          %dma_wait3A_115 = tpu.memref_squeeze %dma_wait3A_114 : memref<1x1x128xi32, #tpu.memory_space<vmem>> -> memref<128xi32, #tpu.memory_space<vmem>>
          %dma_wait3A_116 = arith.constant 0 : i32
          %dma_wait3A_117 = arith.constant 0 : i32
          %dma_wait3A_118 = tpu.memref_slice %arg8[%dma_wait3A_116, %dma_wait3A_117] : memref<10112x128xf32, #tpu.memory_space<vmem_shared>> -> memref<10112x128xf32, #tpu.memory_space<vmem_shared>>
          tpu.wait_indirect_dma semaphore(%run_scoped3A_106 : memref<!tpu.dma_semaphore, #tpu.memory_space<semaphore_mem>>) src(%arg7 : memref<128x128xf32, #tpu.memory_space<vmem>>) dst(%dma_wait3A_118 : memref<10112x128xf32, #tpu.memory_space<vmem_shared>>)
          tpu.yield
        }) : () -> ()
      }
      %scan3A_40 = arith.constant 15 : i32
      %dma_start3A_41 = arith.constant 31 : i32
      %dma_start3A_42 = arith.constant 0 : i32
      %dma_start3A_43 = arith.constant 0 : i32
      %dma_start3A_44 = tpu.memref_slice %arg5[%dma_start3A_41, %dma_start3A_42, %dma_start3A_43] : memref<64x2x128xi32, #tpu.memory_space<vmem>> -> memref<1x1x128xi32, #tpu.memory_space<vmem>>
      %dma_start3A_45 = tpu.memref_squeeze %dma_start3A_44 : memref<1x1x128xi32, #tpu.memory_space<vmem>> -> memref<128xi32, #tpu.memory_space<vmem>>
      %dma_start3A_46 = arith.constant 0 : i32
      %dma_start3A_47 = arith.constant 0 : i32
      %dma_start3A_48 = tpu.memref_slice %arg2[%dma_start3A_46, %dma_start3A_47] : memref<10112x128xf32, #tpu.memory_space<hbm>> -> memref<10112x128xf32, #tpu.memory_space<hbm>>
      tpu.enqueue_indirect_dma source(%dma_start3A_48 : memref<10112x128xf32, #tpu.memory_space<hbm>>) target(%arg7 : memref<128x128xf32, #tpu.memory_space<vmem>>) offsets(%dma_start3A_45 : memref<128xi32, #tpu.memory_space<vmem>>) semaphore(%arg10 : memref<!tpu.dma_semaphore, #tpu.memory_space<semaphore_mem>>)
      %dma_wait3A = arith.constant 30 : i32
      %dma_wait3A_49 = arith.constant 0 : i32
      %dma_wait3A_50 = arith.constant 0 : i32
      %dma_wait3A_51 = tpu.memref_slice %arg5[%dma_wait3A, %dma_wait3A_49, %dma_wait3A_50] : memref<64x2x128xi32, #tpu.memory_space<vmem>> -> memref<1x1x128xi32, #tpu.memory_space<vmem>>
      %dma_wait3A_52 = tpu.memref_squeeze %dma_wait3A_51 : memref<1x1x128xi32, #tpu.memory_space<vmem>> -> memref<128xi32, #tpu.memory_space<vmem>>
      %dma_wait3A_53 = arith.constant 0 : i32
      %dma_wait3A_54 = arith.constant 0 : i32
      %dma_wait3A_55 = tpu.memref_slice %arg2[%dma_wait3A_53, %dma_wait3A_54] : memref<10112x128xf32, #tpu.memory_space<hbm>> -> memref<10112x128xf32, #tpu.memory_space<hbm>>
      tpu.wait_indirect_dma semaphore(%arg9 : memref<!tpu.dma_semaphore, #tpu.memory_space<semaphore_mem>>) src(%dma_wait3A_55 : memref<10112x128xf32, #tpu.memory_space<hbm>>) dst(%arg6 : memref<128x128xf32, #tpu.memory_space<vmem>>)
      %run_scoped3A = arith.constant 30 : i32
      %run_scoped3A_56 = arith.constant 1 : i32
      "tpu.region"() ({
        %run_scoped3A_67 = tpu.sem_alloc : memref<!tpu.dma_semaphore, #tpu.memory_space<semaphore_mem>>
        %dma_start3A_68 = arith.constant 0 : i32
        %dma_start3A_69 = tpu.memref_slice %arg5[%run_scoped3A, %run_scoped3A_56, %dma_start3A_68] : memref<64x2x128xi32, #tpu.memory_space<vmem>> -> memref<1x1x128xi32, #tpu.memory_space<vmem>>
        %dma_start3A_70 = tpu.memref_squeeze %dma_start3A_69 : memref<1x1x128xi32, #tpu.memory_space<vmem>> -> memref<128xi32, #tpu.memory_space<vmem>>
        %dma_start3A_71 = arith.constant 0 : i32
        %dma_start3A_72 = arith.constant 0 : i32
        %dma_start3A_73 = tpu.memref_slice %arg8[%dma_start3A_71, %dma_start3A_72] : memref<10112x128xf32, #tpu.memory_space<vmem_shared>> -> memref<10112x128xf32, #tpu.memory_space<vmem_shared>>
        tpu.enqueue_indirect_dma source(%arg6 : memref<128x128xf32, #tpu.memory_space<vmem>>) target(%dma_start3A_73 : memref<10112x128xf32, #tpu.memory_space<vmem_shared>>) offsets(%dma_start3A_70 : memref<128xi32, #tpu.memory_space<vmem>>) semaphore(%run_scoped3A_67 : memref<!tpu.dma_semaphore, #tpu.memory_space<semaphore_mem>>) {add = true}
        %dma_wait3A_74 = arith.constant 0 : i32
        %dma_wait3A_75 = tpu.memref_slice %arg5[%run_scoped3A, %run_scoped3A_56, %dma_wait3A_74] : memref<64x2x128xi32, #tpu.memory_space<vmem>> -> memref<1x1x128xi32, #tpu.memory_space<vmem>>
        %dma_wait3A_76 = tpu.memref_squeeze %dma_wait3A_75 : memref<1x1x128xi32, #tpu.memory_space<vmem>> -> memref<128xi32, #tpu.memory_space<vmem>>
        %dma_wait3A_77 = arith.constant 0 : i32
        %dma_wait3A_78 = arith.constant 0 : i32
        %dma_wait3A_79 = tpu.memref_slice %arg8[%dma_wait3A_77, %dma_wait3A_78] : memref<10112x128xf32, #tpu.memory_space<vmem_shared>> -> memref<10112x128xf32, #tpu.memory_space<vmem_shared>>
        tpu.wait_indirect_dma semaphore(%run_scoped3A_67 : memref<!tpu.dma_semaphore, #tpu.memory_space<semaphore_mem>>) src(%arg6 : memref<128x128xf32, #tpu.memory_space<vmem>>) dst(%dma_wait3A_79 : memref<10112x128xf32, #tpu.memory_space<vmem_shared>>)
        tpu.yield
      }) : () -> ()
      %dma_wait3A_57 = arith.constant 31 : i32
      %dma_wait3A_58 = arith.constant 0 : i32
      %dma_wait3A_59 = arith.constant 0 : i32
      %dma_wait3A_60 = tpu.memref_slice %arg5[%dma_wait3A_57, %dma_wait3A_58, %dma_wait3A_59] : memref<64x2x128xi32, #tpu.memory_space<vmem>> -> memref<1x1x128xi32, #tpu.memory_space<vmem>>
      %dma_wait3A_61 = tpu.memref_squeeze %dma_wait3A_60 : memref<1x1x128xi32, #tpu.memory_space<vmem>> -> memref<128xi32, #tpu.memory_space<vmem>>
      %dma_wait3A_62 = arith.constant 0 : i32
      %dma_wait3A_63 = arith.constant 0 : i32
      %dma_wait3A_64 = tpu.memref_slice %arg2[%dma_wait3A_62, %dma_wait3A_63] : memref<10112x128xf32, #tpu.memory_space<hbm>> -> memref<10112x128xf32, #tpu.memory_space<hbm>>
      tpu.wait_indirect_dma semaphore(%arg10 : memref<!tpu.dma_semaphore, #tpu.memory_space<semaphore_mem>>) src(%dma_wait3A_64 : memref<10112x128xf32, #tpu.memory_space<hbm>>) dst(%arg7 : memref<128x128xf32, #tpu.memory_space<vmem>>)
      %run_scoped3A_65 = arith.constant 31 : i32
      %run_scoped3A_66 = arith.constant 1 : i32
      "tpu.region"() ({
        %run_scoped3A_67 = tpu.sem_alloc : memref<!tpu.dma_semaphore, #tpu.memory_space<semaphore_mem>>
        %dma_start3A_68 = arith.constant 0 : i32
        %dma_start3A_69 = tpu.memref_slice %arg5[%run_scoped3A_65, %run_scoped3A_66, %dma_start3A_68] : memref<64x2x128xi32, #tpu.memory_space<vmem>> -> memref<1x1x128xi32, #tpu.memory_space<vmem>>
        %dma_start3A_70 = tpu.memref_squeeze %dma_start3A_69 : memref<1x1x128xi32, #tpu.memory_space<vmem>> -> memref<128xi32, #tpu.memory_space<vmem>>
        %dma_start3A_71 = arith.constant 0 : i32
        %dma_start3A_72 = arith.constant 0 : i32
        %dma_start3A_73 = tpu.memref_slice %arg8[%dma_start3A_71, %dma_start3A_72] : memref<10112x128xf32, #tpu.memory_space<vmem_shared>> -> memref<10112x128xf32, #tpu.memory_space<vmem_shared>>
        tpu.enqueue_indirect_dma source(%arg7 : memref<128x128xf32, #tpu.memory_space<vmem>>) target(%dma_start3A_73 : memref<10112x128xf32, #tpu.memory_space<vmem_shared>>) offsets(%dma_start3A_70 : memref<128xi32, #tpu.memory_space<vmem>>) semaphore(%run_scoped3A_67 : memref<!tpu.dma_semaphore, #tpu.memory_space<semaphore_mem>>) {add = true}
        %dma_wait3A_74 = arith.constant 0 : i32
        %dma_wait3A_75 = tpu.memref_slice %arg5[%run_scoped3A_65, %run_scoped3A_66, %dma_wait3A_74] : memref<64x2x128xi32, #tpu.memory_space<vmem>> -> memref<1x1x128xi32, #tpu.memory_space<vmem>>
        %dma_wait3A_76 = tpu.memref_squeeze %dma_wait3A_75 : memref<1x1x128xi32, #tpu.memory_space<vmem>> -> memref<128xi32, #tpu.memory_space<vmem>>
        %dma_wait3A_77 = arith.constant 0 : i32
        %dma_wait3A_78 = arith.constant 0 : i32
        %dma_wait3A_79 = tpu.memref_slice %arg8[%dma_wait3A_77, %dma_wait3A_78] : memref<10112x128xf32, #tpu.memory_space<vmem_shared>> -> memref<10112x128xf32, #tpu.memory_space<vmem_shared>>
        tpu.wait_indirect_dma semaphore(%run_scoped3A_67 : memref<!tpu.dma_semaphore, #tpu.memory_space<semaphore_mem>>) src(%arg7 : memref<128x128xf32, #tpu.memory_space<vmem>>) dst(%dma_wait3A_79 : memref<10112x128xf32, #tpu.memory_space<vmem_shared>>)
        tpu.yield
      }) : () -> ()
    } else {
    }
    %barrier3A_23 = arith.constant 0 : index
    tpu.barrier barrier_id(%barrier3A_23)
    "tpu.region"() ({
      %run_scoped3A = tpu.sem_alloc : memref<!tpu.dma_semaphore, #tpu.memory_space<semaphore_mem>>
      %dma_start3A = arith.constant 0 : i32
      %dma_start3A_24 = tpu.memref_slice %arg4[%arg0, %mul3A_6, %dma_start3A] : memref<2x10112x128xf32, #tpu.memory_space<hbm>> -> memref<1x632x128xf32, #tpu.memory_space<hbm>>
      %dma_start3A_25 = tpu.memref_squeeze %dma_start3A_24 : memref<1x632x128xf32, #tpu.memory_space<hbm>> -> memref<632x128xf32, #tpu.memory_space<hbm>>
      %dma_start3A_26 = arith.constant 0 : i32
      %dma_start3A_27 = tpu.memref_slice %arg8[%mul3A_6, %dma_start3A_26] : memref<10112x128xf32, #tpu.memory_space<vmem_shared>> -> memref<632x128xf32, #tpu.memory_space<vmem_shared>>
      tpu.enqueue_dma source(%dma_start3A_27 : memref<632x128xf32, #tpu.memory_space<vmem_shared>>) target(%dma_start3A_25 : memref<632x128xf32, #tpu.memory_space<hbm>>) target_semaphore(%run_scoped3A : memref<!tpu.dma_semaphore, #tpu.memory_space<semaphore_mem>>)
      %dma_wait3A = arith.constant 0 : i32
      %dma_wait3A_28 = tpu.memref_slice %arg4[%arg0, %mul3A_6, %dma_wait3A] : memref<2x10112x128xf32, #tpu.memory_space<hbm>> -> memref<1x632x128xf32, #tpu.memory_space<hbm>>
      %dma_wait3A_29 = tpu.memref_squeeze %dma_wait3A_28 : memref<1x632x128xf32, #tpu.memory_space<hbm>> -> memref<632x128xf32, #tpu.memory_space<hbm>>
      %dma_wait3A_30 = arith.constant 0 : i32
      %dma_wait3A_31 = tpu.memref_slice %arg8[%mul3A_6, %dma_wait3A_30] : memref<10112x128xf32, #tpu.memory_space<vmem_shared>> -> memref<632x128xf32, #tpu.memory_space<vmem_shared>>
      tpu.wait_dma2 semaphore(%run_scoped3A : memref<!tpu.dma_semaphore, #tpu.memory_space<semaphore_mem>>) src(%dma_wait3A_31 : memref<632x128xf32, #tpu.memory_space<vmem_shared>>) dst(%dma_wait3A_29 : memref<632x128xf32, #tpu.memory_space<hbm>>)
      tpu.yield
    }) : () -> ()
    return
  }
}

module attributes {stable_mosaic.version = 14 : i64} {
  func.func @_mm_body(%arg0: i32, %arg1: memref<1264x128xf32, #tpu.memory_space<vmem>>, %arg2: memref<128x128xf32, #tpu.memory_space<vmem>>, %arg3: memref<1264x128xf32, #tpu.memory_space<vmem>>) attributes {dimension_semantics = [#tpu.dimension_semantics<arbitrary>], iteration_bounds = array<i64: 8>, scalar_prefetch = 0 : i64, scratch_operands = 0 : i64, tpu.core_type = #tpu.core_type<tc>, window_params = [{transform_indices = @transform_0, window_bounds = array<i64: 1264, 128>}, {pipeline_mode = #tpu.pipeline_mode<synchronous>, transform_indices = @transform_1, window_bounds = array<i64: 128, 128>}, {transform_indices = @transform_2, window_bounds = array<i64: 1264, 128>}]} {
    %get3A = arith.constant 0 : index
    %get3A_0 = arith.constant 0 : index
    %get3A_1 = vector.load %arg1[%get3A, %get3A_0] : memref<1264x128xf32, #tpu.memory_space<vmem>>, vector<1264x128xf32>
    %get3A_2 = arith.constant 0 : index
    %get3A_3 = arith.constant 0 : index
    %get3A_4 = vector.load %arg2[%get3A_2, %get3A_3] : memref<128x128xf32, #tpu.memory_space<vmem>>, vector<128x128xf32>
    %dot_general3A = arith.constant dense<0.000000e+00> : vector<1264x128xf32>
    %dot_general3A_5 = tpu.matmul %get3A_1, %get3A_4, %dot_general3A {dimension_numbers = #tpu.dot_dimension_numbers<[1], [0], [0], [1], [0, 0, 1, 1], [], []>, transpose_lhs_hint = false} : vector<1264x128xf32>, vector<128x128xf32>, vector<1264x128xf32> -> vector<1264x128xf32>
    %swap3A = arith.constant 0 : index
    %swap3A_6 = arith.constant 0 : index
    %swap3A_7 = vector.load %arg3[%swap3A, %swap3A_6] : memref<1264x128xf32, #tpu.memory_space<vmem>>, vector<1264x128xf32>
    tpu.vector_store %arg3[%swap3A, %swap3A_6], %dot_general3A_5 {strides = array<i32>} : memref<1264x128xf32, #tpu.memory_space<vmem>>, vector<1264x128xf32>,
    return
  }
  func.func @transform_0(%arg0: i32) -> (i32, i32) {
    %c0_i32 = arith.constant 0 : i32
    %c0_i32_0 = arith.constant 0 : i32
    return %arg0, %c0_i32 : i32, i32
  }
  func.func @transform_1(%arg0: i32) -> (i32, i32) {
    %c0_i32 = arith.constant 0 : i32
    %c0_i32_0 = arith.constant 0 : i32
    %c0_i32_1 = arith.constant 0 : i32
    return %c0_i32, %c0_i32_0 : i32, i32
  }
  func.func @transform_2(%arg0: i32) -> (i32, i32) {
    %c0_i32 = arith.constant 0 : i32
    %c0_i32_0 = arith.constant 0 : i32
    return %arg0, %c0_i32 : i32, i32
  }
}

module attributes {stable_mosaic.version = 14 : i64} {
  func.func @_fuse_body(%arg0: i32, %arg1: memref<2x1264x128xf32, #tpu.memory_space<vmem>>, %arg2: memref<1x128xf32, #tpu.memory_space<vmem>>, %arg3: memref<128x128xf32, #tpu.memory_space<vmem>>, %arg4: memref<1264x128xf32, #tpu.memory_space<vmem>>) attributes {dimension_semantics = [#tpu.dimension_semantics<arbitrary>], iteration_bounds = array<i64: 8>, scalar_prefetch = 0 : i64, scratch_operands = 0 : i64, tpu.core_type = #tpu.core_type<tc>, window_params = [{transform_indices = @transform_0, window_bounds = array<i64: 2, 1264, 128>}, {pipeline_mode = #tpu.pipeline_mode<synchronous>, transform_indices = @transform_1, window_bounds = array<i64: 1, 128>}, {pipeline_mode = #tpu.pipeline_mode<synchronous>, transform_indices = @transform_2, window_bounds = array<i64: 128, 128>}, {transform_indices = @transform_3, window_bounds = array<i64: 1264, 128>}]} {
    %mul3A = arith.constant 1264 : i32
    %mul3A_0 = arith.muli %arg0, %mul3A : i32
    %iota3A = tpu.iota {dimensions = array<i32: 0>} : vector<1264x1xi32>
    %add3A = vector.broadcast %mul3A_0 : i32 to vector<1264x1xi32>
    %add3A_1 = arith.addi %add3A, %iota3A : vector<1264x1xi32>
    %get3A = arith.constant 0 : index
    %get3A_2 = arith.constant 0 : index
    %get3A_3 = arith.constant 0 : index
    %get3A_4 = vector.load %arg1[%get3A, %get3A_2, %get3A_3] : memref<2x1264x128xf32, #tpu.memory_space<vmem>>, vector<1x1264x128xf32>
    %get3A_5 = vector.shape_cast %get3A_4 : vector<1x1264x128xf32> to vector<1264x128xf32>
    %get3A_6 = arith.constant 1 : index
    %get3A_7 = arith.constant 0 : index
    %get3A_8 = arith.constant 0 : index
    %get3A_9 = vector.load %arg1[%get3A_6, %get3A_7, %get3A_8] : memref<2x1264x128xf32, #tpu.memory_space<vmem>>, vector<1x1264x128xf32>
    %get3A_10 = vector.shape_cast %get3A_9 : vector<1x1264x128xf32> to vector<1264x128xf32>
    %add3A_11 = arith.addf %get3A_5, %get3A_10 : vector<1264x128xf32>
    %get3A_12 = arith.constant 0 : index
    %get3A_13 = arith.constant 0 : index
    %get3A_14 = vector.load %arg2[%get3A_12, %get3A_13] : memref<1x128xf32, #tpu.memory_space<vmem>>, vector<1x128xf32>
    %add3A_15 = vector.broadcast %get3A_14 : vector<1x128xf32> to vector<1264x128xf32>
    %add3A_16 = arith.addf %add3A_11, %add3A_15 : vector<1264x128xf32>
    %max3A = arith.constant 0.000000e+00 : f32
    %max3A_17 = vector.broadcast %max3A : f32 to vector<1264x128xf32>
    %max3A_18 = arith.maximumf %add3A_16, %max3A_17 : vector<1264x128xf32>
    %lt3A = arith.constant 10000 : i32
    %lt3A_19 = vector.broadcast %lt3A : i32 to vector<1264x1xi32>
    %lt3A_20 = arith.cmpi slt, %add3A_1, %lt3A_19 : vector<1264x1xi32>
    %jit3A = arith.constant 0.000000e+00 : f32
    %broadcast_in_dim3A = vector.shape_cast %lt3A_20 : vector<1264x1xi1> to vector<1264x1xi1>
    %broadcast_in_dim3A_21 = vector.broadcast %broadcast_in_dim3A : vector<1264x1xi1> to vector<1264x128xi1>
    %broadcast_in_dim3A_22 = vector.broadcast %jit3A : f32 to vector<1264x128xf32>
    %select_n3A = arith.select %broadcast_in_dim3A_21, %max3A_18, %broadcast_in_dim3A_22 : vector<1264x128xi1>, vector<1264x128xf32>
    %get3A_23 = arith.constant 0 : index
    %get3A_24 = arith.constant 0 : index
    %get3A_25 = vector.load %arg3[%get3A_23, %get3A_24] : memref<128x128xf32, #tpu.memory_space<vmem>>, vector<128x128xf32>
    %dot_general3A = arith.constant dense<0.000000e+00> : vector<1264x128xf32>
    %dot_general3A_26 = tpu.matmul %select_n3A, %get3A_25, %dot_general3A {dimension_numbers = #tpu.dot_dimension_numbers<[1], [0], [0], [1], [0, 0, 1, 1], [], []>, transpose_lhs_hint = false} : vector<1264x128xf32>, vector<128x128xf32>, vector<1264x128xf32> -> vector<1264x128xf32>
    %swap3A = arith.constant 0 : index
    %swap3A_27 = arith.constant 0 : index
    %swap3A_28 = vector.load %arg4[%swap3A, %swap3A_27] : memref<1264x128xf32, #tpu.memory_space<vmem>>, vector<1264x128xf32>
    tpu.vector_store %arg4[%swap3A, %swap3A_27], %dot_general3A_26 {strides = array<i32>} : memref<1264x128xf32, #tpu.memory_space<vmem>>, vector<1264x128xf32>,
    return
  }
  func.func @transform_0(%arg0: i32) -> (i32, i32, i32) {
    %c0_i32 = arith.constant 0 : i32
    %c0_i32_0 = arith.constant 0 : i32
    %c0_i32_1 = arith.constant 0 : i32
    return %c0_i32, %arg0, %c0_i32_0 : i32, i32, i32
  }
  func.func @transform_1(%arg0: i32) -> (i32, i32) {
    %c0_i32 = arith.constant 0 : i32
    %c0_i32_0 = arith.constant 0 : i32
    %c0_i32_1 = arith.constant 0 : i32
    return %c0_i32, %c0_i32_0 : i32, i32
  }
  func.func @transform_2(%arg0: i32) -> (i32, i32) {
    %c0_i32 = arith.constant 0 : i32
    %c0_i32_0 = arith.constant 0 : i32
    %c0_i32_1 = arith.constant 0 : i32
    return %c0_i32, %c0_i32_0 : i32, i32
  }
  func.func @transform_3(%arg0: i32) -> (i32, i32) {
    %c0_i32 = arith.constant 0 : i32
    %c0_i32_0 = arith.constant 0 : i32
    return %arg0, %c0_i32 : i32, i32
  }
}

module attributes {stable_mosaic.version = 14 : i64} {
  func.func @_final_body(%arg0: i32, %arg1: memref<2x1264x128xf32, #tpu.memory_space<vmem>>, %arg2: memref<1x128xf32, #tpu.memory_space<vmem>>, %arg3: memref<1264x128xf32, #tpu.memory_space<vmem>>) attributes {dimension_semantics = [#tpu.dimension_semantics<arbitrary>], iteration_bounds = array<i64: 8>, scalar_prefetch = 0 : i64, scratch_operands = 0 : i64, tpu.core_type = #tpu.core_type<tc>, window_params = [{transform_indices = @transform_0, window_bounds = array<i64: 2, 1264, 128>}, {pipeline_mode = #tpu.pipeline_mode<synchronous>, transform_indices = @transform_1, window_bounds = array<i64: 1, 128>}, {transform_indices = @transform_2, window_bounds = array<i64: 1264, 128>}]} {
    %get3A = arith.constant 0 : index
    %get3A_0 = arith.constant 0 : index
    %get3A_1 = arith.constant 0 : index
    %get3A_2 = vector.load %arg1[%get3A, %get3A_0, %get3A_1] : memref<2x1264x128xf32, #tpu.memory_space<vmem>>, vector<1x1264x128xf32>
    %get3A_3 = vector.shape_cast %get3A_2 : vector<1x1264x128xf32> to vector<1264x128xf32>
    %get3A_4 = arith.constant 1 : index
    %get3A_5 = arith.constant 0 : index
    %get3A_6 = arith.constant 0 : index
    %get3A_7 = vector.load %arg1[%get3A_4, %get3A_5, %get3A_6] : memref<2x1264x128xf32, #tpu.memory_space<vmem>>, vector<1x1264x128xf32>
    %get3A_8 = vector.shape_cast %get3A_7 : vector<1x1264x128xf32> to vector<1264x128xf32>
    %add3A = arith.addf %get3A_3, %get3A_8 : vector<1264x128xf32>
    %get3A_9 = arith.constant 0 : index
    %get3A_10 = arith.constant 0 : index
    %get3A_11 = vector.load %arg2[%get3A_9, %get3A_10] : memref<1x128xf32, #tpu.memory_space<vmem>>, vector<1x128xf32>
    %add3A_12 = vector.broadcast %get3A_11 : vector<1x128xf32> to vector<1264x128xf32>
    %add3A_13 = arith.addf %add3A, %add3A_12 : vector<1264x128xf32>
    %swap3A = arith.constant 0 : index
    %swap3A_14 = arith.constant 0 : index
    %swap3A_15 = vector.load %arg3[%swap3A, %swap3A_14] : memref<1264x128xf32, #tpu.memory_space<vmem>>, vector<1264x128xf32>
    tpu.vector_store %arg3[%swap3A, %swap3A_14], %add3A_13 {strides = array<i32>} : memref<1264x128xf32, #tpu.memory_space<vmem>>, vector<1264x128xf32>,
    return
  }
  func.func @transform_0(%arg0: i32) -> (i32, i32, i32) {
    %c0_i32 = arith.constant 0 : i32
    %c0_i32_0 = arith.constant 0 : i32
    %c0_i32_1 = arith.constant 0 : i32
    return %c0_i32, %arg0, %c0_i32_0 : i32, i32, i32
  }
  func.func @transform_1(%arg0: i32) -> (i32, i32) {
    %c0_i32 = arith.constant 0 : i32
    %c0_i32_0 = arith.constant 0 : i32
    %c0_i32_1 = arith.constant 0 : i32
    return %c0_i32, %c0_i32_0 : i32, i32
  }
  func.func @transform_2(%arg0: i32) -> (i32, i32) {
    %c0_i32 = arith.constant 0 : i32
    %c0_i32_0 = arith.constant 0 : i32
    return %arg0, %c0_i32 : i32, i32
  }
}

</mosaic_0001>

<sc_bundles>
// kernel: kernel.10.cloned.1.call-start
scs
__scs_entry_jumppad:
0x0: {  	(pc) =	sbr.rel $0x88, $3  }
0x1: {  	(tag) =	ssettag $0x0;
	lr =	simm.s32 $0x1  }
0x2: {  	[smem:$0x3F9B] =	sst lr;
	_ =	strace $0xD0000000  }
0x3: {  	_ = 	snop  }
0x4: {  	_ = 	snop  }
0x5: {  	_ = 	snop  }
0x6: {  	_ = 	snop  }
0x7: {  	_ = 	snop  }
__scs_overlays_trampoline_lowered:
0x8: {  	[smem:$0x3FAA] =	sst s0  }
0x9: {  	[smem:$0x3FAB] =	sst s1  }
0xa: {  	[smem:$0x3FAC] =	sst s2  }
0xb: {  	[smem:$0x3FAD] =	sst s3  }
0xc: {  	[smem:$0x3FAE] =	sst s4  }
0xd: {  	[smem:$0x3FAF] =	sst s5  }
0xe: {  	[smem:$0x3FB0] =	sst s6  }
0xf: {  	[smem:$0x3FB1] =	sst s7  }
0x10: {  	[smem:$0x3FB2] =	sst s8  }
0x11: {  	[smem:$0x3FB3] =	sst s9;
	s0 =	simm.s32 @!p0 $0x0  }
0x12: {  	s1 =	sld [smem:$0x3F99];
	s0 =	simm.s32 @p0 $0x1  }
0x13: {  	[smem:$0x3FB4] =	sst s0;
	s0 =	simm.s32 @!p1 $0x0  }
0x14: {  	s2 =	sld [smem:$0x3F98];
	s0 =	simm.s32 @p1 $0x1  }
0x15: {  	[smem:$0x3FB5] =	sst s0;
	s0 =	simm.s32 @!p2 $0x0  }
0x16: {  	s3 =	sld [smem:$0x3FDB];
	s0 =	simm.s32 @p2 $0x1  }
0x17: {  	s4 =	simm.s32 $0x1BF5;
	[smem:$0x3FB7] =	sst s0  }
0x18: {  	s0 =	sld [smem:$0x3F9A];
	_ =	swait.ge [sflag:s4], $0x0  }
0x19: {  	s7 =	sld [smem:$0x3F9B]  }
0x1a: {  	s8 =	sadd.s32 $0xFFFFE003, lr  }
0x1b: {  	s9 =	sadd.s32 $0xFFFFFEF7, lr;
	s5 =	simm.s32 $0xFFFFFFFF;
	p2 =	slt.u32 s8, $0xFFFFF086  }
0x1c: {  	p1 =	slt.u32 s9, $0xF7A;
	s5 =	simm.s32 @!p2 $0x0  }
0x1d: {  	s5 =	simm.s32 @p1 $0x1;
	p0 =	seq.s32 s7, s2  }
0x1e: {  	s7 =	smul.u32 @!p0 $0xF7A, s2;
	p2 =	seq.s32 @!p0 s5, $0x0  }
0x1f: {  	s9 =	smul.u32 $0xF7A, s1;
	s8 =	simm.s32 @!p0 $0x1BF5;
	p2 =	por !p2, p0  }
0x20: {  	[sflag:s8] =	ssyncset.s32 @!p0 $0xFFFFF086;
	s6 =	sadd.s32 @!p0 s3, s7;
	s7 =	simm.s32 @!p0 $0x108  }
0x21: {  	s3 =	sadd.s32 s3, s9;
	s6 =	sadd.s32 @!p0 $0x88, s6;
	s7 =	simm.s32 @p2 $0x1082  }
0x22: {  	[simem:s7], [sflag:s8] =	dma.local @!p0 [hbm:s6], $0xF7A  }
0x23: {  	s9 =	sor.u32 $0xD0000000, s2;
	s6 =	simm.s32 $0x108;
	_ =	swait.ge @!p0 [sflag:s8], $0x0  }
0x24: {  	s3 =	sadd.s32 $0x88, s3;
	s6 =	simm.s32 @!p1 $0x1082;
	[sflag:s4] =	ssyncset.s32 $0xFFFFF086  }
0x25: {  	[simem:s6], [sflag:s4] =	dma.local [hbm:s3], $0xF7A  }
0x26: {  	[smem:$0x3F9B] =	sst s1;
	(tag) =	ssettag s2;
	_ =	strace s9  }
0x27: {  	s1 =	sld [smem:$0x3FAB]  }
0x28: {  	s2 =	sld [smem:$0x3FAC]  }
0x29: {  	s4 =	sld [smem:$0x3FAE]  }
0x2a: {  	p0 =	seq.s32 s5, $0x0;
	s5 =	sld [smem:$0x3FAF]  }
0x2b: {  	s6 =	sld [smem:$0x3FB0]  }
0x2c: {  	s7 =	sld [smem:$0x3FB1]  }
0x2d: {  	s3 =	simm.s32 $0x108;
	s8 =	sld [smem:$0x3FB2]  }
0x2e: {  	s3 =	simm.s32 @!p0 $0x1082;
	s9 =	sld [smem:$0x3FB3]  }
0x2f: {  	lr =	sadd.s32 s0, s3;
	s0 =	sld [smem:$0x3FAA]  }
0x30: {  	s3 =	sld [smem:$0x3FAD]  }
0x31: {  	[smem:$0x3FB6] =	sst s10  }
0x32: {  	s10 =	sld [smem:$0x3FB4];
	_ =	sdelay $0x3  }
0x33: {  	p0 =	seq.s32 s10, $0x1;
	s10 =	sld [smem:$0x3FB6];
	_ =	sdelay $0x3  }
0x34: {  	[smem:$0x3FB6] =	sst s10  }
0x35: {  	s10 =	sld [smem:$0x3FB5];
	_ =	sdelay $0x3  }
0x36: {  	p1 =	seq.s32 s10, $0x1;
	s10 =	sld [smem:$0x3FB6];
	_ =	sdelay $0x3  }
0x37: {  	[smem:$0x3FB6] =	sst s10  }
0x38: {  	s10 =	sld [smem:$0x3FB7]  }
0x39: {  	_ = 	snop;
	(pc) =	sbr.ind lr, $3  }
0x3a: {  	_ = 	snop  }
0x3b: {  	_ = 	snop  }
0x3c: {  	p2 =	seq.s32 s10, $0x1;
	s10 =	sld [smem:$0x3FB6]  }
0x3d: {  	_ =	shalt  }
0x3e: {  	_ =	shalt  }
0x3f: {  	_ =	shalt  }
0x40: {  	_ =	shalt  }
0x41: {  	_ =	shalt  }
0x42: {  	_ =	shalt  }
0x43: {  	_ =	shalt  }
0x44: {  	_ =	shalt  }
0x45: {  	_ =	shalt  }
0x46: {  	_ =	shalt  }
0x47: {  	_ =	shalt  }
0x48: {  	_ =	shalt  }
0x49: {  	_ =	shalt  }
0x4a: {  	_ =	shalt  }
0x4b: {  	_ =	shalt  }
0x4c: {  	_ =	shalt  }
0x4d: {  	_ =	shalt  }
0x4e: {  	_ =	shalt  }
0x4f: {  	_ =	shalt  }
0x50: {  	_ =	shalt  }
0x51: {  	_ =	shalt  }
0x52: {  	_ =	shalt  }
0x53: {  	_ =	shalt  }
0x54: {  	_ =	shalt  }
0x55: {  	_ =	shalt  }
0x56: {  	_ =	shalt  }
0x57: {  	_ =	shalt  }
0x58: {  	_ =	shalt  }
0x59: {  	_ =	shalt  }
0x5a: {  	_ =	shalt  }
0x5b: {  	_ =	shalt  }
0x5c: {  	_ =	shalt  }
0x5d: {  	_ =	shalt  }
0x5e: {  	_ =	shalt  }
0x5f: {  	_ =	shalt  }
0x60: {  	_ =	shalt  }
0x61: {  	_ =	shalt  }
0x62: {  	_ =	shalt  }
0x63: {  	_ =	shalt  }
0x64: {  	_ =	shalt  }
0x65: {  	_ =	shalt  }
0x66: {  	_ =	shalt  }
0x67: {  	_ =	shalt  }
0x68: {  	_ =	shalt  }
0x69: {  	_ =	shalt  }
0x6a: {  	_ =	shalt  }
0x6b: {  	_ =	shalt  }
0x6c: {  	_ =	shalt  }
0x6d: {  	_ =	shalt  }
0x6e: {  	_ =	shalt  }
0x6f: {  	_ =	shalt  }
0x70: {  	_ =	shalt  }
0x71: {  	_ =	shalt  }
0x72: {  	_ =	shalt  }
0x73: {  	_ =	shalt  }
0x74: {  	_ =	shalt  }
0x75: {  	_ =	shalt  }
0x76: {  	_ =	shalt  }
0x77: {  	_ =	shalt  }
0x78: {  	_ =	shalt  }
0x79: {  	_ =	shalt  }
0x7a: {  	_ =	shalt  }
0x7b: {  	_ =	shalt  }
0x7c: {  	_ =	shalt  }
0x7d: {  	_ =	shalt  }
0x7e: {  	_ =	shalt  }
0x7f: {  	_ =	shalt  }
0x80: {  	_ =	shalt  }
0x81: {  	_ =	shalt  }
0x82: {  	_ =	shalt  }
0x83: {  	_ =	shalt  }
0x84: {  	_ =	shalt  }
0x85: {  	_ =	shalt  }
0x86: {  	_ =	shalt  }
0x87: {  	_ =	shalt  }
.Lfunc_end0:
.L_simem_size_0:
called_computation.1_lowered:
.L_overlay_start_0:
0x88: {  	s2 =	sld [smem:$0x3FD9]  }
0x89: {  	s3 =	sld [smem:$0x3FFE];
	_ =	sdelay $0x1  }
0x8a: {  	s1 =	srdreg.scid  }
0x8b: {  	s0 =	sand.u32 $0x1, s1  }
0x8c: {  	s17 =	sshll.u32 s0, $0xA;
	s2 =	sadd.s32 s3, s2  }
0x8d: {  	s2 =	sadd.s32 s2, s17  }
0x8e: {  	[smem:$0x3FC2] =	sst s2  }
0x8f: {  	_ = 	snop  }
0x90: {  	s2 =	sld [smem:$0x3FD0];
	(tm) =	ssettm $0x1  }
0x91: {  	s18 =	sld [smem:$0x3FFB];
	_ =	sdelay $0x3  }
0x92: {  	_ =	strace s18  }
0x93: {  	s3 =	sld [smem:$0x3FFC];
	_ =	sdelay $0x3  }
0x94: {  	_ =	strace s3  }
0x95: {  	s3 =	sld [smem:$0x3FFD];
	_ =	sdelay $0x3  }
0x96: {  	_ =	strace s3  }
0x97: {  	_ =	strace $0x8FFFFFFF  }
0x98: {  	s19 =	sld [smem:$0x3FDB];
	_ =	sdelay $0x1  }
0x99: {  	s4 =	simm.s32 $_scs_section_size  }
0x9a: {  	s5 =	simm.s32 $_size__tile_overlayer_lowered;
	s6 =	simm.s32 $_tile_overlayer_lowered  }
0x9b: {  	s22 =	simm.s32 $0x1BFF;
	s21 =	sshll.u32 s6, $0x1;
	s3 =	sadd.s32 s4, s19  }
0x9c: {  	s7 =	simm.s32 $0x0;
	s20 =	sshll.u32 s5, $0x1;
	s5 =	sadd.s32 s21, s3  }
0x9d: {  	[timem:s7], [sflag:s22] =	dma.local [hbm:s5], s20  }
0x9e: {  	_ =	swait.ge [sflag:s22], s20  }
0x9f: {  	s4 =	ssub.s32 $0x0, s20;
	[sflag:s22] =	ssyncset.done $0x0  }
0xa0: {  	[sflag:s22] =	ssyncadd.s32 s4;
	_ =	sdelay $0x1  }
0xa1: {  	s23 =	simm.s32 $0x1B8B  }
0xa2: {  	_ =	swait.ge [sflag:s23], $0x1  }
0xa3: {  	[sflag:s23] =	ssyncset.done $0x0  }
0xa4: {  	s25 =	simm.s32 $0x1B8E;
	s24 =	sld [smem:$0x3FFE];
	[sflag:s23] =	ssyncadd.s32 $0xFFFFFFFF  }
0xa5: {  	s26 =	simm.s32 $execute0_lowered;
	[smem:$0x3FD2] =	sst s25  }
0xa6: {  	s5 =	sshll.u32 s26, $0x1;
	_ =	strace $0x80000049;
	[dreg:$0x1] =	wrdreg $0xFFFFFFFF  }
0xa7: {  	s28 =	simm.s32 $_size_execute0_lowered;
	s3 =	sadd.s32 s3, s5;
	[dreg:$0x0] =	wrdreg $0x0  }
0xa8: {  	s5 =	sshll.u32 s28, $0x1;
	[dreg:$0x2] =	wrdreg s3  }
0xa9: {  	[dreg:$0x3] =	wrdreg s5  }
0xaa: {  	[dreg:$0x4] =	wrdreg $0xC0  }
0xab: {  	_ =	task [dreg:s7], $0x5FFFF  }
0xac: {  	[dreg:$0x1] =	wrdreg $0xFFFFFFFF  }
0xad: {  	[dreg:$0x0] =	wrdreg $0x60  }
0xae: {  	[dreg:$0x2] =	wrdreg s24  }
0xaf: {  	[dreg:$0x3] =	wrdreg s2  }
0xb0: {  	[dreg:$0x4] =	wrdreg $0xC0000  }
0xb1: {  	[dreg:$0x5] =	wrdreg $0x9  }
0xb2: {  	_ =	task.clear_ibuf [dreg:s7], $0x6FFFF;
	_ =	strace $0x90000049  }
0xb3: {  	s29 =	simm.s32 $0x9;
	_ =	strace $0x8000004B  }
0xb4: {  	_ =	swait.ge [sflag:s29], $0x1  }
0xb5: {  	[sflag:s29] =	ssyncadd.s32 $0xFFFFFFFF  }
0xb6: {  	_ =	strace $0x9000004B  }
0xb7: {  	_ =	sfence  }
0xb8: {  	s30 =	sld [smem:$0x0];
	_ =	sdelay $0x2  }
0xb9: {  	s31 =	sshll.u32 s1, $0xD;
	s1 =	sshrl.u32 s1, $0x2  }
0xba: {  	s3 =	sand.u32 $0x4000, s31;
	s1 =	sadd.s32 s1, s30  }
0xbb: {  	s0 =	sor.u32 s3, s0;
	s1 =	sshll.u32 s1, $0x11  }
0xbc: {  	s0 =	sor.u32 s1, s0  }
0xbd: {  	s0 =	sadd.s32 $0x8F2B, s0  }
0xbe: {  	[sflag:s0] =	ssyncadd.remote.s32 $0x1  }
0xbf: {  	_ =	sfence.sel $0xFFFF  }
0xc0: {  	[dreg:$0x0] =	wrdreg $0xFFFFFFFF;
	(pc) =	sbr.abs _section_cstart, $3  }
0xc1: {  	[dreg:$0x1] =	wrdreg $0xFFFFFFFF  }
0xc2: {  	_ =	task.clear_ibuf [dreg:s7], $0x2FFFF;
	_ =	strace $0x9FFFFFFF  }
0xc3: {  	(tm) =	ssettm $0x7FFFFFFF  }
tec
execute0_lowered:
.L_overlay_start_1:
0x0: {  	(tag) =	ssettag $0x1  }
0x1: {  	s5 =	rddreg [dreg:$0x0]  }
0x2: {  	s11 =	rddreg [dreg:$0x1]  }
0x3: {  	s0 =	srdreg.scid;
	s2 =	rddreg [dreg:$0x2]  }
0x4: {  	s1 =	stileid.u32;
	s3 =	simm.s32 $0x0;
	s16 =	simm.s32 $0x3  }
0x5: {  	s17 =	simm.s32 $0x80;
	s18 =	simm.s32 $0x8000;
	s19 =	simm.s32 $0x1  }
0x6: {  	s20 =	simm.s32 $0x2;
	s21 =	simm.s32 $0x3F00;
	s22 =	simm.s32 $0x3E80  }
0x7: {  	s23 =	simm.s32 $0x3F80;
	s12 =	sand.u32 $0x1, s0;
	s0 =	rddreg [dreg:$0x3]  }
0x8: {  	s24 =	simm.s32 $0x0;
	s7 =	smul.u32 $0x13C00, s1;
	[smem:$0x7FF] =	sst s3  }
0x9: {  	s8 =	smul.u32 $0x4F000, s1;
	s4 =	sadd.s32 $0x1800, s5;
	s10 =	sshll.u32 s1, $0xC  }
0xa: {  	s15 =	sshll.u32 s1, $0xA;
	s6 =	smul.u32 $0x13C000, s12;
	_ =	strace $0x8000004A  }
0xb: {  	s30 =	ssub.s32 $0x2, s12;
	s10 =	sadd.s32 s11, s10;
	s15 =	sadd.s32 s15, s11  }
0xc: {  	p0 =	seq.s32 s12, $0x1;
	s8 =	sshrl.u32 s8, $0x2;
	s31 =	sshrl.u32 s30, $0x1  }
.Ltmp0:
0xd: {  	s11 =	sadd.s32 $0x800, s10;
	s6 =	sadd.s32 s7, s6;
	(pc) =	sbr.rel .LBB2_1-.Ltmp0, $4  }
0xe: {  	s12 =	sadd.s32 $0x10000, s15;
	s15 =	simm.s32 $0x4000;
	s6 =	sshrl.u32 s6, $0x3  }
0xf: {  	s14 =	ssub.s32 s30, s31;
	s13 =	sadd.s32 s6, s5;
	s5 =	sadd.s32 s8, s2  }
0x10: {  	s14 =	smax.u32 s14, $0x1;
	s6 =	sadd.s32 $0x4000, s5;
	s7 =	sadd.s32 $0x8000, s5  }
0x11: {  	v0 =	vimm.f32 $0.0e+00;
	s8 =	sadd.s32 $0xC000, s5;
	s9 =	sadd.s32 $0x10000, s5;
	s13 =	sadd.s32 $0x29000, s13  }
.LBB2_9:
0x12: {  	s26 =	sadd.s32 $0x3F00, s25;
	[sflag:s16] =	ssyncadd.s32 @p1 $0xFFFFC000  }
0x13: {  	[tilespmem:s18], [sflag:$0x2] =	stream.indirect.gather [hbm4b:s4+s17], $0x80, s26, s17, $0xb8;
	[tilespmem:$0x1FC00] =	vst v63  }
0x14: {  	_ =	swait.ge [sflag:s19], $0x4000  }
0x15: {  	[sflag:s19] =	ssyncset.done $0x0  }
0x16: {  	s29 =	sadd.s32 $0x3E80, s25;
	[sflag:s19] =	ssyncadd.s32 $0xFFFFC000  }
0x17: {  	[spmem:s2] =	stream.indirect.scatter.add.f32 [tilespmem:s15], [sflag:$0x3], $0x80, s29, s17, $0xb8;
	[tilespmem:$0x1FC00] =	vst v63  }
0x18: {  	_ =	swait.ge [sflag:s16], $0x4000  }
0x19: {  	[sflag:s16] =	ssyncset.done $0x0  }
0x1a: {  	s30 =	sadd.s32 $0x4000, s25;
	[sflag:s16] =	ssyncadd.s32 $0xFFFFC000  }
0x1b: {  	[tilespmem:s15], [sflag:$0x1] =	stream.indirect.gather [hbm4b:s4+s17], $0x80, s30, s17, $0xb8;
	[tilespmem:$0x1FC00] =	vst v63  }
0x1c: {  	_ =	swait.ge [sflag:s20], $0x4000  }
0x1d: {  	[sflag:s20] =	ssyncset.done $0x0  }
0x1e: {  	s31 =	sadd.s32 $0x3F80, s25;
	[sflag:s20] =	ssyncadd.s32 $0xFFFFC000  }
0x1f: {  	[spmem:s2] =	stream.indirect.scatter.add.f32 [tilespmem:s18], [sflag:$0x3], $0x80, s31, s17, $0xb8;
	[tilespmem:$0x1FC00] =	vst v63  }
0x20: {  	_ =	swait.ge [sflag:s16], $0x4000  }
0x21: {  	s25 =	simm.s32 $0x3F80;
	[sflag:s16] =	ssyncset.done $0x0  }
0x22: {  	s28 =	simm.s32 $0x3F00;
	s26 =	simm.s32 $0x3E80;
	[sflag:s16] =	ssyncadd.s32 $0xFFFFC000  }
.LBB2_13:
0x23: {  	[tilespmem:s18], [sflag:$0x2] =	stream.indirect.gather [hbm4b:s4+s17], $0x80, s28, s17, $0xb8;
	[tilespmem:$0x1FC00] =	vst v63  }
0x24: {  	_ =	swait.ge [sflag:s19], $0x4000  }
0x25: {  	[sflag:s19] =	ssyncset.done $0x0  }
0x26: {  	[sflag:s19] =	ssyncadd.s32 $0xFFFFC000  }
0x27: {  	[spmem:s2] =	stream.indirect.scatter.add.f32 [tilespmem:s15], [sflag:$0x3], $0x80, s26, s17, $0xb8;
	[tilespmem:$0x1FC00] =	vst v63  }
0x28: {  	_ =	swait.ge [sflag:s16], $0x4000  }
0x29: {  	[sflag:s16] =	ssyncset.done $0x0  }
0x2a: {  	[sflag:s16] =	ssyncadd.s32 $0xFFFFC000  }
0x2b: {  	_ =	swait.ge [sflag:s20], $0x4000  }
0x2c: {  	[sflag:s20] =	ssyncset.done $0x0  }
0x2d: {  	[sflag:s20] =	ssyncadd.s32 $0xFFFFC000  }
0x2e: {  	[spmem:s2] =	stream.indirect.scatter.add.f32 [tilespmem:s18], [sflag:$0x3], $0x80, s25, s17, $0xb8;
	[tilespmem:$0x1FC00] =	vst v63  }
0x2f: {  	_ =	swait.ge [sflag:s16], $0x4000  }
0x30: {  	s30 =	sshll.u32 s1, $0x6;
	s24 =	sadd.s32 $0x1, s24;
	[sflag:s16] =	ssyncset.done $0x0  }
0x31: {  	s31 =	sshrl.u32 s5, $0x3;
	p1 =	sne.s32 s24, s14;
	[sflag:s16] =	ssyncadd.s32 $0xFFFFC000  }
.Ltmp1:
0x32: {  	s25 =	sor.u32 $0x1C03, s30;
	[bflag:$0x0] =	sbarrier.arrive $0xFFFF;
	(pc) =	sbr.rel @!p1 .LBB2_14-.Ltmp1, $4  }
0x33: {  	[hbm:s13], [sflag:s25] =	dma.local [spmem:s31], $0x2780  }
0x34: {  	_ =	swait.ge [sflag:s16], $0x2780  }
0x35: {  	[sflag:s16] =	ssyncset.done $0x0  }
0x36: {  	[sflag:s16] =	ssyncadd.s32 $0xFFFFD880  }
.LBB2_1:
0x37: {  	s25 =	simm.s32 $0x0;
	s26 =	simm.s32 $0x200  }
.LBB2_2:
0x38: {  	p1 =	sne.s32 s26, $0xFE00;
	[tilespmem:s25+$0x4070] =	vst v0  }
0x39: {  	[tilespmem:s25+$0x4000] =	vst v0  }
0x3a: {  	[tilespmem:s25+$0x4010] =	vst v0  }
.Ltmp2:
0x3b: {  	[tilespmem:s25+$0x4020] =	vst v0;
	(pc) =	sbr.rel @p1 .LBB2_2-.Ltmp2, $4  }
0x3c: {  	[tilespmem:s25+$0x4030] =	vst v0  }
0x3d: {  	[tilespmem:s25+$0x4040] =	vst v0  }
0x3e: {  	[tilespmem:s25+$0x4050] =	vst v0  }
0x3f: {  	[tilespmem:s25+$0x4060] =	vst v0;
	s25 =	sshra.s32 s26, $0x2;
	s26 =	sadd.s32 $0x200, s26  }
0x40: {  	[tilespmem:s25+$0x4070] =	vst v0  }
0x41: {  	[tilespmem:s25+$0x4000] =	vst v0  }
0x42: {  	[tilespmem:s25+$0x4010] =	vst v0  }
0x43: {  	[tilespmem:s25+$0x4020] =	vst v0  }
0x44: {  	[tilespmem:s25+$0x4030] =	vst v0  }
0x45: {  	[tilespmem:s25+$0x4040] =	vst v0  }
0x46: {  	[tilespmem:s25+$0x4050] =	vst v0  }
0x47: {  	[tilespmem:s25+$0x4060] =	vst v0  }
0x48: {  	[spmem:s5] =	stream.linear.scatter [tilespmem:s15], [sflag:$0x3], $0x4000, $0x38;
	[tilespmem:$0x1FC00] =	vst v63  }
0x49: {  	_ =	swait.ge [sflag:s16], $0x4000  }
0x4a: {  	[sflag:s16] =	ssyncset.done $0x0  }
0x4b: {  	[sflag:s16] =	ssyncadd.s32 $0xFFFFC000  }
0x4c: {  	[spmem:s6] =	stream.linear.scatter [tilespmem:s15], [sflag:$0x3], $0x4000, $0x38;
	[tilespmem:$0x1FC00] =	vst v63  }
0x4d: {  	_ =	swait.ge [sflag:s16], $0x4000  }
0x4e: {  	[sflag:s16] =	ssyncset.done $0x0  }
0x4f: {  	[sflag:s16] =	ssyncadd.s32 $0xFFFFC000  }
0x50: {  	[spmem:s7] =	stream.linear.scatter [tilespmem:s15], [sflag:$0x3], $0x4000, $0x38;
	[tilespmem:$0x1FC00] =	vst v63  }
0x51: {  	_ =	swait.ge [sflag:s16], $0x4000  }
0x52: {  	[sflag:s16] =	ssyncset.done $0x0  }
0x53: {  	[sflag:s16] =	ssyncadd.s32 $0xFFFFC000  }
0x54: {  	[spmem:s8] =	stream.linear.scatter [tilespmem:s15], [sflag:$0x3], $0x4000, $0x38;
	[tilespmem:$0x1FC00] =	vst v63  }
0x55: {  	_ =	swait.ge [sflag:s16], $0x4000  }
0x56: {  	[sflag:s16] =	ssyncset.done $0x0  }
0x57: {  	[sflag:s16] =	ssyncadd.s32 $0xFFFFC000  }
0x58: {  	[spmem:s9] =	stream.linear.scatter [tilespmem:s15], [sflag:$0x3], $0x3C00, $0x38;
	[tilespmem:$0x1FC00] =	vst v63  }
.Ltmp3:
0x59: {  	_ =	swait.ge [sflag:s16], $0x3C00;
	(pc) =	sbr.rel @!p0 .LBB2_4-.Ltmp3, $3  }
0x5a: {  	[sflag:s16] =	ssyncset.done $0x0  }
0x5b: {  	[sflag:s16] =	ssyncadd.s32 $0xFFFFC400  }
0x5c: {  	[bflag:$0x0] =	sbarrier.arrive $0xFFFF;
	_ =	sdelay $0x1  }
0x5d: {  	[tilespmem:s3], [sflag:$0x3] =	stream.linear.gather [hbm4b:s12+s3], $0x2000, $0x38;
	[tilespmem:$0x1FC00] =	vst v63  }
0x5e: {  	_ =	swait.ge [sflag:s16], $0x2000  }
0x5f: {  	[sflag:s16] =	ssyncset.done $0x0  }
0x60: {  	[sflag:s16] =	ssyncadd.s32 $0xFFFFE000  }
0x61: {  	[tilespmem:s15], [sflag:$0x1] =	stream.indirect.gather [hbm4b:s4+s17], $0x80, s3, s17, $0xb8;
	[tilespmem:$0x1FC00] =	vst v63  }
0x62: {  	s25 =	simm.s32 $0x100  }
0x63: {  	[tilespmem:s18], [sflag:$0x2] =	stream.indirect.gather [hbm4b:s4+s17], $0x80, s25, s17, $0xb8;
	[tilespmem:$0x1FC00] =	vst v63  }
0x64: {  	_ =	swait.ge [sflag:s19], $0x4000  }
0x65: {  	[sflag:s19] =	ssyncset.done $0x0  }
0x66: {  	s29 =	simm.s32 $0x80;
	[sflag:s19] =	ssyncadd.s32 $0xFFFFC000  }
0x67: {  	[spmem:s2] =	stream.indirect.scatter.add.f32 [tilespmem:s15], [sflag:$0x3], $0x80, s29, s17, $0xb8;
	[tilespmem:$0x1FC00] =	vst v63  }
0x68: {  	_ =	swait.ge [sflag:s16], $0x4000  }
0x69: {  	[sflag:s16] =	ssyncset.done $0x0  }
0x6a: {  	s30 =	simm.s32 $0x200;
	[sflag:s16] =	ssyncadd.s32 $0xFFFFC000  }
0x6b: {  	[tilespmem:s15], [sflag:$0x1] =	stream.indirect.gather [hbm4b:s4+s17], $0x80, s30, s17, $0xb8;
	[tilespmem:$0x1FC00] =	vst v63  }
0x6c: {  	_ =	swait.ge [sflag:s20], $0x4000  }
0x6d: {  	[sflag:s20] =	ssyncset.done $0x0  }
0x6e: {  	s31 =	simm.s32 $0x180;
	[sflag:s20] =	ssyncadd.s32 $0xFFFFC000  }
0x6f: {  	[spmem:s2] =	stream.indirect.scatter.add.f32 [tilespmem:s18], [sflag:$0x3], $0x80, s31, s17, $0xb8;
	[tilespmem:$0x1FC00] =	vst v63  }
0x70: {  	_ =	swait.ge [sflag:s16], $0x4000  }
0x71: {  	s26 =	simm.s32 $0xFFFF9800;
	s25 =	simm.s32 $0xFFFFE400;
	[sflag:s16] =	ssyncset.done $0x0  }
.LBB2_11:
0x72: {  	s28 =	sadd.s32 $0x1F00, s25  }
0x73: {  	[sflag:s16] =	ssyncadd.s32 $0xFFFFC000;
	s29 =	smov.u32 s26;
	s30 =	sadd.s32 $0x800, s26  }
0x74: {  	[tilespmem:s18], [sflag:$0x2] =	stream.indirect.gather [hbm4b:s4+s17], $0x80, s28, s17, $0xb8;
	[tilespmem:$0x1FC00] =	vst v63  }
0x75: {  	p1 =	sne.s32 s26, $0xFFFFF800;
	_ =	swait.ge [sflag:s19], $0x4000  }
0x76: {  	[sflag:s19] =	ssyncset.done $0x0  }
0x77: {  	s26 =	sadd.s32 $0x1E80, s25;
	[sflag:s19] =	ssyncadd.s32 $0xFFFFC000  }
0x78: {  	[spmem:s2] =	stream.indirect.scatter.add.f32 [tilespmem:s15], [sflag:$0x3], $0x80, s26, s17, $0xb8;
	[tilespmem:$0x1FC00] =	vst v63  }
0x79: {  	_ =	swait.ge [sflag:s16], $0x4000  }
0x7a: {  	[sflag:s16] =	ssyncset.done $0x0  }
0x7b: {  	s26 =	sadd.s32 $0x2000, s25;
	[sflag:s16] =	ssyncadd.s32 $0xFFFFC000  }
0x7c: {  	[tilespmem:s15], [sflag:$0x1] =	stream.indirect.gather [hbm4b:s4+s17], $0x80, s26, s17, $0xb8;
	[tilespmem:$0x1FC00] =	vst v63  }
0x7d: {  	_ =	swait.ge [sflag:s20], $0x4000  }
.Ltmp4:
0x7e: {  	[sflag:s20] =	ssyncset.done $0x0;
	(pc) =	sbr.rel @p1 .LBB2_11-.Ltmp4, $4  }
0x7f: {  	s25 =	sadd.s32 $0x1F80, s25;
	[sflag:s20] =	ssyncadd.s32 $0xFFFFC000  }
0x80: {  	[spmem:s2] =	stream.indirect.scatter.add.f32 [tilespmem:s18], [sflag:$0x3], $0x80, s25, s17, $0xb8;
	[tilespmem:$0x1FC00] =	vst v63  }
0x81: {  	_ =	swait.ge [sflag:s16], $0x4000  }
0x82: {  	s26 =	smov.u32 s30;
	s25 =	sshra.s32 s29, $0x2;
	[sflag:s16] =	ssyncset.done $0x0  }
0x83: {  	s26 =	sadd.s32 $0x1F00, s25;
	[sflag:s16] =	ssyncadd.s32 $0xFFFFC000  }
0x84: {  	[tilespmem:s18], [sflag:$0x2] =	stream.indirect.gather [hbm4b:s4+s17], $0x80, s26, s17, $0xb8;
	[tilespmem:$0x1FC00] =	vst v63  }
0x85: {  	_ =	swait.ge [sflag:s19], $0x4000  }
0x86: {  	[sflag:s19] =	ssyncset.done $0x0  }
0x87: {  	s29 =	sadd.s32 $0x1E80, s25;
	[sflag:s19] =	ssyncadd.s32 $0xFFFFC000  }
0x88: {  	[spmem:s2] =	stream.indirect.scatter.add.f32 [tilespmem:s15], [sflag:$0x3], $0x80, s29, s17, $0xb8;
	[tilespmem:$0x1FC00] =	vst v63  }
0x89: {  	_ =	swait.ge [sflag:s16], $0x4000  }
0x8a: {  	[sflag:s16] =	ssyncset.done $0x0  }
0x8b: {  	s30 =	sadd.s32 $0x2000, s25;
	[sflag:s16] =	ssyncadd.s32 $0xFFFFC000  }
0x8c: {  	[tilespmem:s15], [sflag:$0x1] =	stream.indirect.gather [hbm4b:s4+s17], $0x80, s30, s17, $0xb8;
	[tilespmem:$0x1FC00] =	vst v63  }
0x8d: {  	_ =	swait.ge [sflag:s20], $0x4000  }
0x8e: {  	[sflag:s20] =	ssyncset.done $0x0  }
.Ltmp5:
0x8f: {  	s31 =	sadd.s32 $0x1F80, s25;
	[sflag:s20] =	ssyncadd.s32 $0xFFFFC000;
	(pc) =	sbr.rel .LBB2_13-.Ltmp5, $4  }
0x90: {  	[spmem:s2] =	stream.indirect.scatter.add.f32 [tilespmem:s18], [sflag:$0x3], $0x80, s31, s17, $0xb8;
	[tilespmem:$0x1FC00] =	vst v63  }
0x91: {  	_ =	swait.ge [sflag:s16], $0x4000  }
0x92: {  	s25 =	simm.s32 $0x1F80;
	[sflag:s16] =	ssyncset.done $0x0  }
0x93: {  	s28 =	simm.s32 $0x1F00;
	s26 =	simm.s32 $0x1E80;
	[sflag:s16] =	ssyncadd.s32 $0xFFFFC000  }
.LBB2_4:
0x94: {  	[tilespmem:s3], [sflag:$0x3] =	stream.linear.gather [hbm4b:s10+s3], $0x4000, $0x38;
	[tilespmem:$0x1FC00] =	vst v63  }
0x95: {  	_ =	swait.ge [sflag:s16], $0x4000  }
0x96: {  	[sflag:s16] =	ssyncset.done $0x0  }
0x97: {  	[sflag:s16] =	ssyncadd.s32 $0xFFFFC000  }
0x98: {  	[tilespmem:s15], [sflag:$0x1] =	stream.indirect.gather [hbm4b:s4+s17], $0x80, s3, s17, $0xb8;
	[tilespmem:$0x1FC00] =	vst v63  }
0x99: {  	s25 =	simm.s32 $0x100  }
0x9a: {  	[tilespmem:s18], [sflag:$0x2] =	stream.indirect.gather [hbm4b:s4+s17], $0x80, s25, s17, $0xb8;
	[tilespmem:$0x1FC00] =	vst v63  }
0x9b: {  	_ =	swait.ge [sflag:s19], $0x4000  }
0x9c: {  	[sflag:s19] =	ssyncset.done $0x0  }
0x9d: {  	s29 =	simm.s32 $0x80;
	[sflag:s19] =	ssyncadd.s32 $0xFFFFC000  }
0x9e: {  	[spmem:s2] =	stream.indirect.scatter.add.f32 [tilespmem:s15], [sflag:$0x3], $0x80, s29, s17, $0xb8;
	[tilespmem:$0x1FC00] =	vst v63  }
0x9f: {  	_ =	swait.ge [sflag:s16], $0x4000  }
0xa0: {  	[sflag:s16] =	ssyncset.done $0x0  }
0xa1: {  	s30 =	simm.s32 $0x200;
	[sflag:s16] =	ssyncadd.s32 $0xFFFFC000  }
0xa2: {  	[tilespmem:s15], [sflag:$0x1] =	stream.indirect.gather [hbm4b:s4+s17], $0x80, s30, s17, $0xb8;
	[tilespmem:$0x1FC00] =	vst v63  }
0xa3: {  	_ =	swait.ge [sflag:s20], $0x4000  }
0xa4: {  	[sflag:s20] =	ssyncset.done $0x0  }
0xa5: {  	s31 =	simm.s32 $0x180;
	[sflag:s20] =	ssyncadd.s32 $0xFFFFC000  }
0xa6: {  	[spmem:s2] =	stream.indirect.scatter.add.f32 [tilespmem:s18], [sflag:$0x3], $0x80, s31, s17, $0xb8;
	[tilespmem:$0x1FC00] =	vst v63  }
0xa7: {  	_ =	swait.ge [sflag:s16], $0x4000  }
0xa8: {  	s26 =	simm.s32 $0xFFFF1800;
	s25 =	simm.s32 $0xFFFFC400;
	[sflag:s16] =	ssyncset.done $0x0  }
.LBB2_5:
0xa9: {  	s28 =	sadd.s32 $0x3F00, s25  }
0xaa: {  	[sflag:s16] =	ssyncadd.s32 $0xFFFFC000;
	s29 =	smov.u32 s26;
	s30 =	sadd.s32 $0x800, s26  }
0xab: {  	[tilespmem:s18], [sflag:$0x2] =	stream.indirect.gather [hbm4b:s4+s17], $0x80, s28, s17, $0xb8;
	[tilespmem:$0x1FC00] =	vst v63  }
0xac: {  	p1 =	sne.s32 s26, $0xFFFFF800;
	_ =	swait.ge [sflag:s19], $0x4000  }
0xad: {  	[sflag:s19] =	ssyncset.done $0x0  }
0xae: {  	s26 =	sadd.s32 $0x3E80, s25;
	[sflag:s19] =	ssyncadd.s32 $0xFFFFC000  }
0xaf: {  	[spmem:s2] =	stream.indirect.scatter.add.f32 [tilespmem:s15], [sflag:$0x3], $0x80, s26, s17, $0xb8;
	[tilespmem:$0x1FC00] =	vst v63  }
0xb0: {  	_ =	swait.ge [sflag:s16], $0x4000  }
0xb1: {  	[sflag:s16] =	ssyncset.done $0x0  }
0xb2: {  	s26 =	sadd.s32 $0x4000, s25;
	[sflag:s16] =	ssyncadd.s32 $0xFFFFC000  }
0xb3: {  	[tilespmem:s15], [sflag:$0x1] =	stream.indirect.gather [hbm4b:s4+s17], $0x80, s26, s17, $0xb8;
	[tilespmem:$0x1FC00] =	vst v63  }
0xb4: {  	_ =	swait.ge [sflag:s20], $0x4000  }
.Ltmp6:
0xb5: {  	[sflag:s20] =	ssyncset.done $0x0;
	(pc) =	sbr.rel @p1 .LBB2_5-.Ltmp6, $4  }
0xb6: {  	s25 =	sadd.s32 $0x3F80, s25;
	[sflag:s20] =	ssyncadd.s32 $0xFFFFC000  }
0xb7: {  	[spmem:s2] =	stream.indirect.scatter.add.f32 [tilespmem:s18], [sflag:$0x3], $0x80, s25, s17, $0xb8;
	[tilespmem:$0x1FC00] =	vst v63  }
0xb8: {  	_ =	swait.ge [sflag:s16], $0x4000  }
0xb9: {  	s26 =	smov.u32 s30;
	s25 =	sshra.s32 s29, $0x2;
	[sflag:s16] =	ssyncset.done $0x0  }
0xba: {  	s26 =	sadd.s32 $0x3F00, s25;
	[sflag:s16] =	ssyncadd.s32 $0xFFFFC000  }
0xbb: {  	[tilespmem:s18], [sflag:$0x2] =	stream.indirect.gather [hbm4b:s4+s17], $0x80, s26, s17, $0xb8;
	[tilespmem:$0x1FC00] =	vst v63  }
0xbc: {  	_ =	swait.ge [sflag:s19], $0x4000  }
0xbd: {  	[sflag:s19] =	ssyncset.done $0x0  }
0xbe: {  	s29 =	sadd.s32 $0x3E80, s25;
	[sflag:s19] =	ssyncadd.s32 $0xFFFFC000  }
0xbf: {  	[spmem:s2] =	stream.indirect.scatter.add.f32 [tilespmem:s15], [sflag:$0x3], $0x80, s29, s17, $0xb8;
	[tilespmem:$0x1FC00] =	vst v63  }
0xc0: {  	_ =	swait.ge [sflag:s16], $0x4000  }
0xc1: {  	[sflag:s16] =	ssyncset.done $0x0  }
0xc2: {  	s30 =	sadd.s32 $0x4000, s25;
	[sflag:s16] =	ssyncadd.s32 $0xFFFFC000  }
0xc3: {  	[tilespmem:s15], [sflag:$0x1] =	stream.indirect.gather [hbm4b:s4+s17], $0x80, s30, s17, $0xb8;
	[tilespmem:$0x1FC00] =	vst v63  }
0xc4: {  	_ =	swait.ge [sflag:s20], $0x4000  }
0xc5: {  	[sflag:s20] =	ssyncset.done $0x0  }
0xc6: {  	s31 =	sadd.s32 $0x3F80, s25;
	[sflag:s20] =	ssyncadd.s32 $0xFFFFC000  }
0xc7: {  	[spmem:s2] =	stream.indirect.scatter.add.f32 [tilespmem:s18], [sflag:$0x3], $0x80, s31, s17, $0xb8;
	[tilespmem:$0x1FC00] =	vst v63  }
0xc8: {  	_ =	swait.ge [sflag:s16], $0x4000  }
0xc9: {  	[sflag:s16] =	ssyncset.done $0x0  }
0xca: {  	[sflag:s16] =	ssyncadd.s32 $0xFFFFC000  }
0xcb: {  	[tilespmem:s18], [sflag:$0x2] =	stream.indirect.gather [hbm4b:s4+s17], $0x80, s21, s17, $0xb8;
	[tilespmem:$0x1FC00] =	vst v63  }
0xcc: {  	_ =	swait.ge [sflag:s19], $0x4000  }
0xcd: {  	[sflag:s19] =	ssyncset.done $0x0  }
0xce: {  	[sflag:s19] =	ssyncadd.s32 $0xFFFFC000  }
0xcf: {  	[spmem:s2] =	stream.indirect.scatter.add.f32 [tilespmem:s15], [sflag:$0x3], $0x80, s22, s17, $0xb8;
	[tilespmem:$0x1FC00] =	vst v63  }
0xd0: {  	_ =	swait.ge [sflag:s16], $0x4000  }
0xd1: {  	[sflag:s16] =	ssyncset.done $0x0  }
0xd2: {  	[sflag:s16] =	ssyncadd.s32 $0xFFFFC000  }
0xd3: {  	_ =	swait.ge [sflag:s20], $0x4000  }
0xd4: {  	[sflag:s20] =	ssyncset.done $0x0  }
0xd5: {  	[sflag:s20] =	ssyncadd.s32 $0xFFFFC000  }
0xd6: {  	[spmem:s2] =	stream.indirect.scatter.add.f32 [tilespmem:s18], [sflag:$0x3], $0x80, s23, s17, $0xb8;
	[tilespmem:$0x1FC00] =	vst v63  }
0xd7: {  	_ =	swait.ge [sflag:s16], $0x4000  }
0xd8: {  	[sflag:s16] =	ssyncset.done $0x0  }
0xd9: {  	p2 =	por $0x0, $0x0;
	[sflag:s16] =	ssyncadd.s32 $0xFFFFC000  }
0xda: {  	[tilespmem:s3], [sflag:$0x3] =	stream.linear.gather [hbm4b:s11+s3], $0x4000, $0x38;
	[tilespmem:$0x1FC00] =	vst v63  }
.Ltmp7:
0xdb: {  	_ = 	snop;
	(pc) =	sbr.rel @p2 .LBB2_9-.Ltmp7, $4  }
0xdc: {  	_ =	swait.ge [sflag:s16], $0x4000  }
0xdd: {  	[sflag:s16] =	ssyncset.done $0x0  }
0xde: {  	s25 =	simm.s32 $0xFFFFC200;
	p1 =	por $0x0, $0x0;
	[sflag:s16] =	ssyncadd.s32 $0xFFFFC000  }
0xdf: {  	[tilespmem:s15], [sflag:$0x1] =	stream.indirect.gather [hbm4b:s4+s17], $0x80, s3, s17, $0xb8;
	[tilespmem:$0x1FC00] =	vst v63  }
0xe0: {  	s25 =	simm.s32 $0x100  }
0xe1: {  	[tilespmem:s18], [sflag:$0x2] =	stream.indirect.gather [hbm4b:s4+s17], $0x80, s25, s17, $0xb8;
	[tilespmem:$0x1FC00] =	vst v63  }
0xe2: {  	_ =	swait.ge [sflag:s19], $0x4000  }
0xe3: {  	[sflag:s19] =	ssyncset.done $0x0  }
0xe4: {  	s29 =	simm.s32 $0x80;
	[sflag:s19] =	ssyncadd.s32 $0xFFFFC000  }
0xe5: {  	[spmem:s2] =	stream.indirect.scatter.add.f32 [tilespmem:s15], [sflag:$0x3], $0x80, s29, s17, $0xb8;
	[tilespmem:$0x1FC00] =	vst v63  }
0xe6: {  	_ =	swait.ge [sflag:s16], $0x4000  }
0xe7: {  	[sflag:s16] =	ssyncset.done $0x0  }
0xe8: {  	s30 =	simm.s32 $0x200;
	[sflag:s16] =	ssyncadd.s32 $0xFFFFC000  }
0xe9: {  	[tilespmem:s15], [sflag:$0x1] =	stream.indirect.gather [hbm4b:s4+s17], $0x80, s30, s17, $0xb8;
	[tilespmem:$0x1FC00] =	vst v63  }
0xea: {  	p2 =	por $0x0, $0x0;
	_ =	swait.ge [sflag:s20], $0x4000  }
.Ltmp8:
0xeb: {  	[sflag:s20] =	ssyncset.done $0x0;
	(pc) =	sbr.rel @p2 .LBB2_9-.Ltmp8, $4  }
0xec: {  	s31 =	simm.s32 $0x180;
	[sflag:s20] =	ssyncadd.s32 $0xFFFFC000  }
0xed: {  	[spmem:s2] =	stream.indirect.scatter.add.f32 [tilespmem:s18], [sflag:$0x3], $0x80, s31, s17, $0xb8;
	[tilespmem:$0x1FC00] =	vst v63  }
0xee: {  	s26 =	simm.s32 $0xFFFF1800;
	_ =	swait.ge [sflag:s16], $0x4000  }
0xef: {  	p1 =	por $0x1, $0x1;
	s25 =	simm.s32 $0xFFFFC400;
	[sflag:s16] =	ssyncset.done $0x0  }
.LBB2_8:
0xf0: {  	s28 =	sadd.s32 $0x3F00, s25  }
0xf1: {  	[sflag:s16] =	ssyncadd.s32 $0xFFFFC000;
	s29 =	smov.u32 s26;
	s30 =	sadd.s32 $0x800, s26  }
0xf2: {  	[tilespmem:s18], [sflag:$0x2] =	stream.indirect.gather [hbm4b:s4+s17], $0x80, s28, s17, $0xb8;
	[tilespmem:$0x1FC00] =	vst v63  }
0xf3: {  	p2 =	seq.s32 s26, $0xFFFFF800;
	_ =	swait.ge [sflag:s19], $0x4000  }
0xf4: {  	[sflag:s19] =	ssyncset.done $0x0  }
0xf5: {  	s26 =	sadd.s32 $0x3E80, s25;
	[sflag:s19] =	ssyncadd.s32 $0xFFFFC000  }
0xf6: {  	[spmem:s2] =	stream.indirect.scatter.add.f32 [tilespmem:s15], [sflag:$0x3], $0x80, s26, s17, $0xb8;
	[tilespmem:$0x1FC00] =	vst v63  }
0xf7: {  	_ =	swait.ge [sflag:s16], $0x4000  }
0xf8: {  	[sflag:s16] =	ssyncset.done $0x0  }
0xf9: {  	s26 =	sadd.s32 $0x4000, s25;
	[sflag:s16] =	ssyncadd.s32 $0xFFFFC000  }
0xfa: {  	[tilespmem:s15], [sflag:$0x1] =	stream.indirect.gather [hbm4b:s4+s17], $0x80, s26, s17, $0xb8;
	[tilespmem:$0x1FC00] =	vst v63  }
0xfb: {  	_ =	swait.ge [sflag:s20], $0x4000  }
.Ltmp9:
0xfc: {  	[sflag:s20] =	ssyncset.done $0x0;
	(pc) =	sbr.rel @!p2 .LBB2_8-.Ltmp9, $4  }
0xfd: {  	s25 =	sadd.s32 $0x3F80, s25;
	[sflag:s20] =	ssyncadd.s32 $0xFFFFC000  }
0xfe: {  	[spmem:s2] =	stream.indirect.scatter.add.f32 [tilespmem:s18], [sflag:$0x3], $0x80, s25, s17, $0xb8;
	[tilespmem:$0x1FC00] =	vst v63  }
0xff: {  	_ =	swait.ge [sflag:s16], $0x4000  }
0x100: {  	s26 =	smov.u32 s30;
	s25 =	sshra.s32 s29, $0x2;
	[sflag:s16] =	ssyncset.done $0x0  }
.Ltmp10:
0x101: {  	_ = 	snop;
	(pc) =	sbr.rel .LBB2_9-.Ltmp10, $1  }
0x102: {  	_ =	sdelay $0x3  }
.LBB2_14:
0x103: {  	_ =	sfence.sel $0x180000  }
0x104: {  	[bflag:$0x0] =	sbarrier.arrive $0xFFFF  }
0x105: {  	p0 =	sne.s32 s1, $0x0;
	_ =	strace $0x9000004A  }
0x106: {  	s0 =	sadd.s32 @!p0 $0x100000, s0;
	[bflag:$0x2] =	sbarrier.arrive $0xFFFF  }
0x107: {  	[sflag:s0] =	ssyncadd.tile.s32 @!p0 $0x1;
	_ =	shalt  }
.Lfunc_end2:
_tile_overlayer_lowered:
.L_overlay_start_2:
0x108: {  	(tag) =	ssettag $0x2  }
0x109: {  	s0 =	rddreg [dreg:$0x0];
	s2 =	stileid.u32  }
0x10a: {  	s1 =	rddreg [dreg:$0x1];
	p0 =	sne.s32 s2, $0x0  }
0x10b: {  	s3 =	rddreg [dreg:$0x2];
	[bflag:$0x3] =	sbarrier.arrive $0xFFFF;
	s2 =	simm.s32 @!p0 $0x1C03  }
0x10c: {  	[timem:s3], [sflag:s2] =	dma.local @!p0 [hbm:s0], s1  }
0x10d: {  	s0 =	simm.s32 @!p0 $0x3  }
0x10e: {  	_ =	swait.ge @!p0 [sflag:s0], s1  }
0x10f: {  	s1 =	ssub.s32 @!p0 $0x0, s1;
	[sflag:s0] =	ssyncset.done @!p0 $0x0  }
0x110: {  	[sflag:s0] =	ssyncadd.s32 @!p0 s1  }
0x111: {  	[bflag:$0x3] =	sbarrier.arrive $0xFFFF  }
0x112: {  	_ =	shalt  }

// kernel: kernel.7.cloned.1.call-start
scs
__scs_entry_jumppad:
0x0: {  	(pc) =	sbr.rel $0x88, $3  }
0x1: {  	(tag) =	ssettag $0x0;
	lr =	simm.s32 $0x1  }
0x2: {  	[smem:$0x3F9B] =	sst lr;
	_ =	strace $0xD0000000  }
0x3: {  	_ = 	snop  }
0x4: {  	_ = 	snop  }
0x5: {  	_ = 	snop  }
0x6: {  	_ = 	snop  }
0x7: {  	_ = 	snop  }
__scs_overlays_trampoline_lowered:
0x8: {  	[smem:$0x3FAA] =	sst s0  }
0x9: {  	[smem:$0x3FAB] =	sst s1  }
0xa: {  	[smem:$0x3FAC] =	sst s2  }
0xb: {  	[smem:$0x3FAD] =	sst s3  }
0xc: {  	[smem:$0x3FAE] =	sst s4  }
0xd: {  	[smem:$0x3FAF] =	sst s5  }
0xe: {  	[smem:$0x3FB0] =	sst s6  }
0xf: {  	[smem:$0x3FB1] =	sst s7  }
0x10: {  	[smem:$0x3FB2] =	sst s8  }
0x11: {  	[smem:$0x3FB3] =	sst s9;
	s0 =	simm.s32 @!p0 $0x0  }
0x12: {  	s1 =	sld [smem:$0x3F99];
	s0 =	simm.s32 @p0 $0x1  }
0x13: {  	[smem:$0x3FB4] =	sst s0;
	s0 =	simm.s32 @!p1 $0x0  }
0x14: {  	s2 =	sld [smem:$0x3F98];
	s0 =	simm.s32 @p1 $0x1  }
0x15: {  	[smem:$0x3FB5] =	sst s0;
	s0 =	simm.s32 @!p2 $0x0  }
0x16: {  	s3 =	sld [smem:$0x3FDB];
	s0 =	simm.s32 @p2 $0x1  }
0x17: {  	s4 =	simm.s32 $0x1BF5;
	[smem:$0x3FB7] =	sst s0  }
0x18: {  	s0 =	sld [smem:$0x3F9A];
	_ =	swait.ge [sflag:s4], $0x0  }
0x19: {  	s7 =	sld [smem:$0x3F9B]  }
0x1a: {  	s8 =	sadd.s32 $0xFFFFE003, lr  }
0x1b: {  	s9 =	sadd.s32 $0xFFFFFEF7, lr;
	s5 =	simm.s32 $0xFFFFFFFF;
	p2 =	slt.u32 s8, $0xFFFFF086  }
0x1c: {  	p1 =	slt.u32 s9, $0xF7A;
	s5 =	simm.s32 @!p2 $0x0  }
0x1d: {  	s5 =	simm.s32 @p1 $0x1;
	p0 =	seq.s32 s7, s2  }
0x1e: {  	s7 =	smul.u32 @!p0 $0xF7A, s2;
	p2 =	seq.s32 @!p0 s5, $0x0  }
0x1f: {  	s9 =	smul.u32 $0xF7A, s1;
	s8 =	simm.s32 @!p0 $0x1BF5;
	p2 =	por !p2, p0  }
0x20: {  	[sflag:s8] =	ssyncset.s32 @!p0 $0xFFFFF086;
	s6 =	sadd.s32 @!p0 s3, s7;
	s7 =	simm.s32 @!p0 $0x108  }
0x21: {  	s3 =	sadd.s32 s3, s9;
	s6 =	sadd.s32 @!p0 $0x88, s6;
	s7 =	simm.s32 @p2 $0x1082  }
0x22: {  	[simem:s7], [sflag:s8] =	dma.local @!p0 [hbm:s6], $0xF7A  }
0x23: {  	s9 =	sor.u32 $0xD0000000, s2;
	s6 =	simm.s32 $0x108;
	_ =	swait.ge @!p0 [sflag:s8], $0x0  }
0x24: {  	s3 =	sadd.s32 $0x88, s3;
	s6 =	simm.s32 @!p1 $0x1082;
	[sflag:s4] =	ssyncset.s32 $0xFFFFF086  }
0x25: {  	[simem:s6], [sflag:s4] =	dma.local [hbm:s3], $0xF7A  }
0x26: {  	[smem:$0x3F9B] =	sst s1;
	(tag) =	ssettag s2;
	_ =	strace s9  }
0x27: {  	s1 =	sld [smem:$0x3FAB]  }
0x28: {  	s2 =	sld [smem:$0x3FAC]  }
0x29: {  	s4 =	sld [smem:$0x3FAE]  }
0x2a: {  	p0 =	seq.s32 s5, $0x0;
	s5 =	sld [smem:$0x3FAF]  }
0x2b: {  	s6 =	sld [smem:$0x3FB0]  }
0x2c: {  	s7 =	sld [smem:$0x3FB1]  }
0x2d: {  	s3 =	simm.s32 $0x108;
	s8 =	sld [smem:$0x3FB2]  }
0x2e: {  	s3 =	simm.s32 @!p0 $0x1082;
	s9 =	sld [smem:$0x3FB3]  }
0x2f: {  	lr =	sadd.s32 s0, s3;
	s0 =	sld [smem:$0x3FAA]  }
0x30: {  	s3 =	sld [smem:$0x3FAD]  }
0x31: {  	[smem:$0x3FB6] =	sst s10  }
0x32: {  	s10 =	sld [smem:$0x3FB4];
	_ =	sdelay $0x3  }
0x33: {  	p0 =	seq.s32 s10, $0x1;
	s10 =	sld [smem:$0x3FB6];
	_ =	sdelay $0x3  }
0x34: {  	[smem:$0x3FB6] =	sst s10  }
0x35: {  	s10 =	sld [smem:$0x3FB5];
	_ =	sdelay $0x3  }
0x36: {  	p1 =	seq.s32 s10, $0x1;
	s10 =	sld [smem:$0x3FB6];
	_ =	sdelay $0x3  }
0x37: {  	[smem:$0x3FB6] =	sst s10  }
0x38: {  	s10 =	sld [smem:$0x3FB7]  }
0x39: {  	_ = 	snop;
	(pc) =	sbr.ind lr, $3  }
0x3a: {  	_ = 	snop  }
0x3b: {  	_ = 	snop  }
0x3c: {  	p2 =	seq.s32 s10, $0x1;
	s10 =	sld [smem:$0x3FB6]  }
0x3d: {  	_ =	shalt  }
0x3e: {  	_ =	shalt  }
0x3f: {  	_ =	shalt  }
0x40: {  	_ =	shalt  }
0x41: {  	_ =	shalt  }
0x42: {  	_ =	shalt  }
0x43: {  	_ =	shalt  }
0x44: {  	_ =	shalt  }
0x45: {  	_ =	shalt  }
0x46: {  	_ =	shalt  }
0x47: {  	_ =	shalt  }
0x48: {  	_ =	shalt  }
0x49: {  	_ =	shalt  }
0x4a: {  	_ =	shalt  }
0x4b: {  	_ =	shalt  }
0x4c: {  	_ =	shalt  }
0x4d: {  	_ =	shalt  }
0x4e: {  	_ =	shalt  }
0x4f: {  	_ =	shalt  }
0x50: {  	_ =	shalt  }
0x51: {  	_ =	shalt  }
0x52: {  	_ =	shalt  }
0x53: {  	_ =	shalt  }
0x54: {  	_ =	shalt  }
0x55: {  	_ =	shalt  }
0x56: {  	_ =	shalt  }
0x57: {  	_ =	shalt  }
0x58: {  	_ =	shalt  }
0x59: {  	_ =	shalt  }
0x5a: {  	_ =	shalt  }
0x5b: {  	_ =	shalt  }
0x5c: {  	_ =	shalt  }
0x5d: {  	_ =	shalt  }
0x5e: {  	_ =	shalt  }
0x5f: {  	_ =	shalt  }
0x60: {  	_ =	shalt  }
0x61: {  	_ =	shalt  }
0x62: {  	_ =	shalt  }
0x63: {  	_ =	shalt  }
0x64: {  	_ =	shalt  }
0x65: {  	_ =	shalt  }
0x66: {  	_ =	shalt  }
0x67: {  	_ =	shalt  }
0x68: {  	_ =	shalt  }
0x69: {  	_ =	shalt  }
0x6a: {  	_ =	shalt  }
0x6b: {  	_ =	shalt  }
0x6c: {  	_ =	shalt  }
0x6d: {  	_ =	shalt  }
0x6e: {  	_ =	shalt  }
0x6f: {  	_ =	shalt  }
0x70: {  	_ =	shalt  }
0x71: {  	_ =	shalt  }
0x72: {  	_ =	shalt  }
0x73: {  	_ =	shalt  }
0x74: {  	_ =	shalt  }
0x75: {  	_ =	shalt  }
0x76: {  	_ =	shalt  }
0x77: {  	_ =	shalt  }
0x78: {  	_ =	shalt  }
0x79: {  	_ =	shalt  }
0x7a: {  	_ =	shalt  }
0x7b: {  	_ =	shalt  }
0x7c: {  	_ =	shalt  }
0x7d: {  	_ =	shalt  }
0x7e: {  	_ =	shalt  }
0x7f: {  	_ =	shalt  }
0x80: {  	_ =	shalt  }
0x81: {  	_ =	shalt  }
0x82: {  	_ =	shalt  }
0x83: {  	_ =	shalt  }
0x84: {  	_ =	shalt  }
0x85: {  	_ =	shalt  }
0x86: {  	_ =	shalt  }
0x87: {  	_ =	shalt  }
.Lfunc_end0:
.L_simem_size_0:
called_computation_lowered:
.L_overlay_start_0:
0x88: {  	s2 =	sld [smem:$0x3FD9]  }
0x89: {  	s3 =	sld [smem:$0x3FFE];
	_ =	sdelay $0x1  }
0x8a: {  	s1 =	srdreg.scid  }
0x8b: {  	s0 =	sand.u32 $0x1, s1  }
0x8c: {  	s17 =	sshll.u32 s0, $0xA;
	s2 =	sadd.s32 s3, s2  }
0x8d: {  	s2 =	sadd.s32 s2, s17  }
0x8e: {  	[smem:$0x3FC2] =	sst s2  }
0x8f: {  	_ = 	snop  }
0x90: {  	s2 =	sld [smem:$0x3FD0];
	(tm) =	ssettm $0x1  }
0x91: {  	s18 =	sld [smem:$0x3FFB];
	_ =	sdelay $0x3  }
0x92: {  	_ =	strace s18  }
0x93: {  	s3 =	sld [smem:$0x3FFC];
	_ =	sdelay $0x3  }
0x94: {  	_ =	strace s3  }
0x95: {  	s3 =	sld [smem:$0x3FFD];
	_ =	sdelay $0x3  }
0x96: {  	_ =	strace s3  }
0x97: {  	_ =	strace $0x8FFFFFFF  }
0x98: {  	s19 =	sld [smem:$0x3FDB];
	_ =	sdelay $0x1  }
0x99: {  	s4 =	simm.s32 $_scs_section_size  }
0x9a: {  	s5 =	simm.s32 $_size__tile_overlayer_lowered;
	s6 =	simm.s32 $_tile_overlayer_lowered  }
0x9b: {  	s22 =	simm.s32 $0x1BFF;
	s21 =	sshll.u32 s6, $0x1;
	s3 =	sadd.s32 s4, s19  }
0x9c: {  	s7 =	simm.s32 $0x0;
	s20 =	sshll.u32 s5, $0x1;
	s5 =	sadd.s32 s21, s3  }
0x9d: {  	[timem:s7], [sflag:s22] =	dma.local [hbm:s5], s20  }
0x9e: {  	_ =	swait.ge [sflag:s22], s20  }
0x9f: {  	s4 =	ssub.s32 $0x0, s20;
	[sflag:s22] =	ssyncset.done $0x0  }
0xa0: {  	[sflag:s22] =	ssyncadd.s32 s4;
	_ =	sdelay $0x1  }
0xa1: {  	s23 =	simm.s32 $0x1B8B  }
0xa2: {  	_ =	swait.ge [sflag:s23], $0x1  }
0xa3: {  	[sflag:s23] =	ssyncset.done $0x0  }
0xa4: {  	s25 =	simm.s32 $0x1B8E;
	s24 =	sld [smem:$0x3FFE];
	[sflag:s23] =	ssyncadd.s32 $0xFFFFFFFF  }
0xa5: {  	s26 =	simm.s32 $execute0_lowered;
	[smem:$0x3FD2] =	sst s25  }
0xa6: {  	s5 =	sshll.u32 s26, $0x1;
	_ =	strace $0x80000046;
	[dreg:$0x1] =	wrdreg $0xFFFFFFFF  }
0xa7: {  	s28 =	simm.s32 $_size_execute0_lowered;
	s3 =	sadd.s32 s3, s5;
	[dreg:$0x0] =	wrdreg $0x0  }
0xa8: {  	s5 =	sshll.u32 s28, $0x1;
	[dreg:$0x2] =	wrdreg s3  }
0xa9: {  	[dreg:$0x3] =	wrdreg s5  }
0xaa: {  	[dreg:$0x4] =	wrdreg $0xC0  }
0xab: {  	_ =	task [dreg:s7], $0x5FFFF  }
0xac: {  	[dreg:$0x1] =	wrdreg $0xFFFFFFFF  }
0xad: {  	[dreg:$0x0] =	wrdreg $0x60  }
0xae: {  	[dreg:$0x2] =	wrdreg s24  }
0xaf: {  	[dreg:$0x3] =	wrdreg s2  }
0xb0: {  	[dreg:$0x4] =	wrdreg $0xC0000  }
0xb1: {  	[dreg:$0x5] =	wrdreg $0x9  }
0xb2: {  	_ =	task.clear_ibuf [dreg:s7], $0x6FFFF;
	_ =	strace $0x90000046  }
0xb3: {  	s29 =	simm.s32 $0x9;
	_ =	strace $0x80000048  }
0xb4: {  	_ =	swait.ge [sflag:s29], $0x1  }
0xb5: {  	[sflag:s29] =	ssyncadd.s32 $0xFFFFFFFF  }
0xb6: {  	_ =	strace $0x90000048  }
0xb7: {  	_ =	sfence  }
0xb8: {  	s30 =	sld [smem:$0x0];
	_ =	sdelay $0x2  }
0xb9: {  	s31 =	sshll.u32 s1, $0xD;
	s1 =	sshrl.u32 s1, $0x2  }
0xba: {  	s3 =	sand.u32 $0x4000, s31;
	s1 =	sadd.s32 s1, s30  }
0xbb: {  	s0 =	sor.u32 s3, s0;
	s1 =	sshll.u32 s1, $0x11  }
0xbc: {  	s0 =	sor.u32 s1, s0  }
0xbd: {  	s0 =	sadd.s32 $0x8F2B, s0  }
0xbe: {  	[sflag:s0] =	ssyncadd.remote.s32 $0x1  }
0xbf: {  	_ =	sfence.sel $0xFFFF  }
0xc0: {  	[dreg:$0x0] =	wrdreg $0xFFFFFFFF;
	(pc) =	sbr.abs _section_cstart, $3  }
0xc1: {  	[dreg:$0x1] =	wrdreg $0xFFFFFFFF  }
0xc2: {  	_ =	task.clear_ibuf [dreg:s7], $0x2FFFF;
	_ =	strace $0x9FFFFFFF  }
0xc3: {  	(tm) =	ssettm $0x7FFFFFFF  }
tec
execute0_lowered:
.L_overlay_start_1:
0x0: {  	(tag) =	ssettag $0x1  }
0x1: {  	s5 =	rddreg [dreg:$0x0]  }
0x2: {  	s11 =	rddreg [dreg:$0x1]  }
0x3: {  	s0 =	srdreg.scid;
	s2 =	rddreg [dreg:$0x2]  }
0x4: {  	s1 =	stileid.u32;
	s3 =	simm.s32 $0x0;
	s16 =	simm.s32 $0x3  }
0x5: {  	s17 =	simm.s32 $0x80;
	s18 =	simm.s32 $0x8000;
	s19 =	simm.s32 $0x1  }
0x6: {  	s20 =	simm.s32 $0x2;
	s21 =	simm.s32 $0x3F00;
	s22 =	simm.s32 $0x3E80  }
0x7: {  	s23 =	simm.s32 $0x3F80;
	s12 =	sand.u32 $0x1, s0;
	s0 =	rddreg [dreg:$0x3]  }
0x8: {  	s24 =	simm.s32 $0x0;
	s7 =	smul.u32 $0x13C00, s1;
	[smem:$0x7FF] =	sst s3  }
0x9: {  	s8 =	smul.u32 $0x4F000, s1;
	s4 =	sadd.s32 $0x1800, s5;
	s10 =	sshll.u32 s1, $0xC  }
0xa: {  	s15 =	sshll.u32 s1, $0xA;
	s6 =	smul.u32 $0x13C000, s12;
	_ =	strace $0x80000047  }
0xb: {  	s30 =	ssub.s32 $0x2, s12;
	s10 =	sadd.s32 s11, s10;
	s15 =	sadd.s32 s15, s11  }
0xc: {  	p0 =	seq.s32 s12, $0x1;
	s8 =	sshrl.u32 s8, $0x2;
	s31 =	sshrl.u32 s30, $0x1  }
.Ltmp0:
0xd: {  	s11 =	sadd.s32 $0x800, s10;
	s6 =	sadd.s32 s7, s6;
	(pc) =	sbr.rel .LBB2_1-.Ltmp0, $4  }
0xe: {  	s12 =	sadd.s32 $0x10000, s15;
	s15 =	simm.s32 $0x4000;
	s6 =	sshrl.u32 s6, $0x3  }
0xf: {  	s14 =	ssub.s32 s30, s31;
	s13 =	sadd.s32 s6, s5;
	s5 =	sadd.s32 s8, s2  }
0x10: {  	s14 =	smax.u32 s14, $0x1;
	s6 =	sadd.s32 $0x4000, s5;
	s7 =	sadd.s32 $0x8000, s5  }
0x11: {  	v0 =	vimm.f32 $0.0e+00;
	s8 =	sadd.s32 $0xC000, s5;
	s9 =	sadd.s32 $0x10000, s5;
	s13 =	sadd.s32 $0x29000, s13  }
.LBB2_9:
0x12: {  	s26 =	sadd.s32 $0x3F00, s25;
	[sflag:s16] =	ssyncadd.s32 @p1 $0xFFFFC000  }
0x13: {  	[tilespmem:s18], [sflag:$0x2] =	stream.indirect.gather [hbm4b:s4+s17], $0x80, s26, s17, $0xb8;
	[tilespmem:$0x1FC00] =	vst v63  }
0x14: {  	_ =	swait.ge [sflag:s19], $0x4000  }
0x15: {  	[sflag:s19] =	ssyncset.done $0x0  }
0x16: {  	s29 =	sadd.s32 $0x3E80, s25;
	[sflag:s19] =	ssyncadd.s32 $0xFFFFC000  }
0x17: {  	[spmem:s2] =	stream.indirect.scatter.add.f32 [tilespmem:s15], [sflag:$0x3], $0x80, s29, s17, $0xb8;
	[tilespmem:$0x1FC00] =	vst v63  }
0x18: {  	_ =	swait.ge [sflag:s16], $0x4000  }
0x19: {  	[sflag:s16] =	ssyncset.done $0x0  }
0x1a: {  	s30 =	sadd.s32 $0x4000, s25;
	[sflag:s16] =	ssyncadd.s32 $0xFFFFC000  }
0x1b: {  	[tilespmem:s15], [sflag:$0x1] =	stream.indirect.gather [hbm4b:s4+s17], $0x80, s30, s17, $0xb8;
	[tilespmem:$0x1FC00] =	vst v63  }
0x1c: {  	_ =	swait.ge [sflag:s20], $0x4000  }
0x1d: {  	[sflag:s20] =	ssyncset.done $0x0  }
0x1e: {  	s31 =	sadd.s32 $0x3F80, s25;
	[sflag:s20] =	ssyncadd.s32 $0xFFFFC000  }
0x1f: {  	[spmem:s2] =	stream.indirect.scatter.add.f32 [tilespmem:s18], [sflag:$0x3], $0x80, s31, s17, $0xb8;
	[tilespmem:$0x1FC00] =	vst v63  }
0x20: {  	_ =	swait.ge [sflag:s16], $0x4000  }
0x21: {  	s25 =	simm.s32 $0x3F80;
	[sflag:s16] =	ssyncset.done $0x0  }
0x22: {  	s28 =	simm.s32 $0x3F00;
	s26 =	simm.s32 $0x3E80;
	[sflag:s16] =	ssyncadd.s32 $0xFFFFC000  }
.LBB2_13:
0x23: {  	[tilespmem:s18], [sflag:$0x2] =	stream.indirect.gather [hbm4b:s4+s17], $0x80, s28, s17, $0xb8;
	[tilespmem:$0x1FC00] =	vst v63  }
0x24: {  	_ =	swait.ge [sflag:s19], $0x4000  }
0x25: {  	[sflag:s19] =	ssyncset.done $0x0  }
0x26: {  	[sflag:s19] =	ssyncadd.s32 $0xFFFFC000  }
0x27: {  	[spmem:s2] =	stream.indirect.scatter.add.f32 [tilespmem:s15], [sflag:$0x3], $0x80, s26, s17, $0xb8;
	[tilespmem:$0x1FC00] =	vst v63  }
0x28: {  	_ =	swait.ge [sflag:s16], $0x4000  }
0x29: {  	[sflag:s16] =	ssyncset.done $0x0  }
0x2a: {  	[sflag:s16] =	ssyncadd.s32 $0xFFFFC000  }
0x2b: {  	_ =	swait.ge [sflag:s20], $0x4000  }
0x2c: {  	[sflag:s20] =	ssyncset.done $0x0  }
0x2d: {  	[sflag:s20] =	ssyncadd.s32 $0xFFFFC000  }
0x2e: {  	[spmem:s2] =	stream.indirect.scatter.add.f32 [tilespmem:s18], [sflag:$0x3], $0x80, s25, s17, $0xb8;
	[tilespmem:$0x1FC00] =	vst v63  }
0x2f: {  	_ =	swait.ge [sflag:s16], $0x4000  }
0x30: {  	s30 =	sshll.u32 s1, $0x6;
	s24 =	sadd.s32 $0x1, s24;
	[sflag:s16] =	ssyncset.done $0x0  }
0x31: {  	s31 =	sshrl.u32 s5, $0x3;
	p1 =	sne.s32 s24, s14;
	[sflag:s16] =	ssyncadd.s32 $0xFFFFC000  }
.Ltmp1:
0x32: {  	s25 =	sor.u32 $0x1C03, s30;
	[bflag:$0x0] =	sbarrier.arrive $0xFFFF;
	(pc) =	sbr.rel @!p1 .LBB2_14-.Ltmp1, $4  }
0x33: {  	[hbm:s13], [sflag:s25] =	dma.local [spmem:s31], $0x2780  }
0x34: {  	_ =	swait.ge [sflag:s16], $0x2780  }
0x35: {  	[sflag:s16] =	ssyncset.done $0x0  }
0x36: {  	[sflag:s16] =	ssyncadd.s32 $0xFFFFD880  }
.LBB2_1:
0x37: {  	s25 =	simm.s32 $0x0;
	s26 =	simm.s32 $0x200  }
.LBB2_2:
0x38: {  	p1 =	sne.s32 s26, $0xFE00;
	[tilespmem:s25+$0x4070] =	vst v0  }
0x39: {  	[tilespmem:s25+$0x4000] =	vst v0  }
0x3a: {  	[tilespmem:s25+$0x4010] =	vst v0  }
.Ltmp2:
0x3b: {  	[tilespmem:s25+$0x4020] =	vst v0;
	(pc) =	sbr.rel @p1 .LBB2_2-.Ltmp2, $4  }
0x3c: {  	[tilespmem:s25+$0x4030] =	vst v0  }
0x3d: {  	[tilespmem:s25+$0x4040] =	vst v0  }
0x3e: {  	[tilespmem:s25+$0x4050] =	vst v0  }
0x3f: {  	[tilespmem:s25+$0x4060] =	vst v0;
	s25 =	sshra.s32 s26, $0x2;
	s26 =	sadd.s32 $0x200, s26  }
0x40: {  	[tilespmem:s25+$0x4070] =	vst v0  }
0x41: {  	[tilespmem:s25+$0x4000] =	vst v0  }
0x42: {  	[tilespmem:s25+$0x4010] =	vst v0  }
0x43: {  	[tilespmem:s25+$0x4020] =	vst v0  }
0x44: {  	[tilespmem:s25+$0x4030] =	vst v0  }
0x45: {  	[tilespmem:s25+$0x4040] =	vst v0  }
0x46: {  	[tilespmem:s25+$0x4050] =	vst v0  }
0x47: {  	[tilespmem:s25+$0x4060] =	vst v0  }
0x48: {  	[spmem:s5] =	stream.linear.scatter [tilespmem:s15], [sflag:$0x3], $0x4000, $0x38;
	[tilespmem:$0x1FC00] =	vst v63  }
0x49: {  	_ =	swait.ge [sflag:s16], $0x4000  }
0x4a: {  	[sflag:s16] =	ssyncset.done $0x0  }
0x4b: {  	[sflag:s16] =	ssyncadd.s32 $0xFFFFC000  }
0x4c: {  	[spmem:s6] =	stream.linear.scatter [tilespmem:s15], [sflag:$0x3], $0x4000, $0x38;
	[tilespmem:$0x1FC00] =	vst v63  }
0x4d: {  	_ =	swait.ge [sflag:s16], $0x4000  }
0x4e: {  	[sflag:s16] =	ssyncset.done $0x0  }
0x4f: {  	[sflag:s16] =	ssyncadd.s32 $0xFFFFC000  }
0x50: {  	[spmem:s7] =	stream.linear.scatter [tilespmem:s15], [sflag:$0x3], $0x4000, $0x38;
	[tilespmem:$0x1FC00] =	vst v63  }
0x51: {  	_ =	swait.ge [sflag:s16], $0x4000  }
0x52: {  	[sflag:s16] =	ssyncset.done $0x0  }
0x53: {  	[sflag:s16] =	ssyncadd.s32 $0xFFFFC000  }
0x54: {  	[spmem:s8] =	stream.linear.scatter [tilespmem:s15], [sflag:$0x3], $0x4000, $0x38;
	[tilespmem:$0x1FC00] =	vst v63  }
0x55: {  	_ =	swait.ge [sflag:s16], $0x4000  }
0x56: {  	[sflag:s16] =	ssyncset.done $0x0  }
0x57: {  	[sflag:s16] =	ssyncadd.s32 $0xFFFFC000  }
0x58: {  	[spmem:s9] =	stream.linear.scatter [tilespmem:s15], [sflag:$0x3], $0x3C00, $0x38;
	[tilespmem:$0x1FC00] =	vst v63  }
.Ltmp3:
0x59: {  	_ =	swait.ge [sflag:s16], $0x3C00;
	(pc) =	sbr.rel @!p0 .LBB2_4-.Ltmp3, $3  }
0x5a: {  	[sflag:s16] =	ssyncset.done $0x0  }
0x5b: {  	[sflag:s16] =	ssyncadd.s32 $0xFFFFC400  }
0x5c: {  	[bflag:$0x0] =	sbarrier.arrive $0xFFFF;
	_ =	sdelay $0x1  }
0x5d: {  	[tilespmem:s3], [sflag:$0x3] =	stream.linear.gather [hbm4b:s12+s3], $0x2000, $0x38;
	[tilespmem:$0x1FC00] =	vst v63  }
0x5e: {  	_ =	swait.ge [sflag:s16], $0x2000  }
0x5f: {  	[sflag:s16] =	ssyncset.done $0x0  }
0x60: {  	[sflag:s16] =	ssyncadd.s32 $0xFFFFE000  }
0x61: {  	[tilespmem:s15], [sflag:$0x1] =	stream.indirect.gather [hbm4b:s4+s17], $0x80, s3, s17, $0xb8;
	[tilespmem:$0x1FC00] =	vst v63  }
0x62: {  	s25 =	simm.s32 $0x100  }
0x63: {  	[tilespmem:s18], [sflag:$0x2] =	stream.indirect.gather [hbm4b:s4+s17], $0x80, s25, s17, $0xb8;
	[tilespmem:$0x1FC00] =	vst v63  }
0x64: {  	_ =	swait.ge [sflag:s19], $0x4000  }
0x65: {  	[sflag:s19] =	ssyncset.done $0x0  }
0x66: {  	s29 =	simm.s32 $0x80;
	[sflag:s19] =	ssyncadd.s32 $0xFFFFC000  }
0x67: {  	[spmem:s2] =	stream.indirect.scatter.add.f32 [tilespmem:s15], [sflag:$0x3], $0x80, s29, s17, $0xb8;
	[tilespmem:$0x1FC00] =	vst v63  }
0x68: {  	_ =	swait.ge [sflag:s16], $0x4000  }
0x69: {  	[sflag:s16] =	ssyncset.done $0x0  }
0x6a: {  	s30 =	simm.s32 $0x200;
	[sflag:s16] =	ssyncadd.s32 $0xFFFFC000  }
0x6b: {  	[tilespmem:s15], [sflag:$0x1] =	stream.indirect.gather [hbm4b:s4+s17], $0x80, s30, s17, $0xb8;
	[tilespmem:$0x1FC00] =	vst v63  }
0x6c: {  	_ =	swait.ge [sflag:s20], $0x4000  }
0x6d: {  	[sflag:s20] =	ssyncset.done $0x0  }
0x6e: {  	s31 =	simm.s32 $0x180;
	[sflag:s20] =	ssyncadd.s32 $0xFFFFC000  }
0x6f: {  	[spmem:s2] =	stream.indirect.scatter.add.f32 [tilespmem:s18], [sflag:$0x3], $0x80, s31, s17, $0xb8;
	[tilespmem:$0x1FC00] =	vst v63  }
0x70: {  	_ =	swait.ge [sflag:s16], $0x4000  }
0x71: {  	s26 =	simm.s32 $0xFFFF9800;
	s25 =	simm.s32 $0xFFFFE400;
	[sflag:s16] =	ssyncset.done $0x0  }
.LBB2_11:
0x72: {  	s28 =	sadd.s32 $0x1F00, s25  }
0x73: {  	[sflag:s16] =	ssyncadd.s32 $0xFFFFC000;
	s29 =	smov.u32 s26;
	s30 =	sadd.s32 $0x800, s26  }
0x74: {  	[tilespmem:s18], [sflag:$0x2] =	stream.indirect.gather [hbm4b:s4+s17], $0x80, s28, s17, $0xb8;
	[tilespmem:$0x1FC00] =	vst v63  }
0x75: {  	p1 =	sne.s32 s26, $0xFFFFF800;
	_ =	swait.ge [sflag:s19], $0x4000  }
0x76: {  	[sflag:s19] =	ssyncset.done $0x0  }
0x77: {  	s26 =	sadd.s32 $0x1E80, s25;
	[sflag:s19] =	ssyncadd.s32 $0xFFFFC000  }
0x78: {  	[spmem:s2] =	stream.indirect.scatter.add.f32 [tilespmem:s15], [sflag:$0x3], $0x80, s26, s17, $0xb8;
	[tilespmem:$0x1FC00] =	vst v63  }
0x79: {  	_ =	swait.ge [sflag:s16], $0x4000  }
0x7a: {  	[sflag:s16] =	ssyncset.done $0x0  }
0x7b: {  	s26 =	sadd.s32 $0x2000, s25;
	[sflag:s16] =	ssyncadd.s32 $0xFFFFC000  }
0x7c: {  	[tilespmem:s15], [sflag:$0x1] =	stream.indirect.gather [hbm4b:s4+s17], $0x80, s26, s17, $0xb8;
	[tilespmem:$0x1FC00] =	vst v63  }
0x7d: {  	_ =	swait.ge [sflag:s20], $0x4000  }
.Ltmp4:
0x7e: {  	[sflag:s20] =	ssyncset.done $0x0;
	(pc) =	sbr.rel @p1 .LBB2_11-.Ltmp4, $4  }
0x7f: {  	s25 =	sadd.s32 $0x1F80, s25;
	[sflag:s20] =	ssyncadd.s32 $0xFFFFC000  }
0x80: {  	[spmem:s2] =	stream.indirect.scatter.add.f32 [tilespmem:s18], [sflag:$0x3], $0x80, s25, s17, $0xb8;
	[tilespmem:$0x1FC00] =	vst v63  }
0x81: {  	_ =	swait.ge [sflag:s16], $0x4000  }
0x82: {  	s26 =	smov.u32 s30;
	s25 =	sshra.s32 s29, $0x2;
	[sflag:s16] =	ssyncset.done $0x0  }
0x83: {  	s26 =	sadd.s32 $0x1F00, s25;
	[sflag:s16] =	ssyncadd.s32 $0xFFFFC000  }
0x84: {  	[tilespmem:s18], [sflag:$0x2] =	stream.indirect.gather [hbm4b:s4+s17], $0x80, s26, s17, $0xb8;
	[tilespmem:$0x1FC00] =	vst v63  }
0x85: {  	_ =	swait.ge [sflag:s19], $0x4000  }
0x86: {  	[sflag:s19] =	ssyncset.done $0x0  }
0x87: {  	s29 =	sadd.s32 $0x1E80, s25;
	[sflag:s19] =	ssyncadd.s32 $0xFFFFC000  }
0x88: {  	[spmem:s2] =	stream.indirect.scatter.add.f32 [tilespmem:s15], [sflag:$0x3], $0x80, s29, s17, $0xb8;
	[tilespmem:$0x1FC00] =	vst v63  }
0x89: {  	_ =	swait.ge [sflag:s16], $0x4000  }
0x8a: {  	[sflag:s16] =	ssyncset.done $0x0  }
0x8b: {  	s30 =	sadd.s32 $0x2000, s25;
	[sflag:s16] =	ssyncadd.s32 $0xFFFFC000  }
0x8c: {  	[tilespmem:s15], [sflag:$0x1] =	stream.indirect.gather [hbm4b:s4+s17], $0x80, s30, s17, $0xb8;
	[tilespmem:$0x1FC00] =	vst v63  }
0x8d: {  	_ =	swait.ge [sflag:s20], $0x4000  }
0x8e: {  	[sflag:s20] =	ssyncset.done $0x0  }
.Ltmp5:
0x8f: {  	s31 =	sadd.s32 $0x1F80, s25;
	[sflag:s20] =	ssyncadd.s32 $0xFFFFC000;
	(pc) =	sbr.rel .LBB2_13-.Ltmp5, $4  }
0x90: {  	[spmem:s2] =	stream.indirect.scatter.add.f32 [tilespmem:s18], [sflag:$0x3], $0x80, s31, s17, $0xb8;
	[tilespmem:$0x1FC00] =	vst v63  }
0x91: {  	_ =	swait.ge [sflag:s16], $0x4000  }
0x92: {  	s25 =	simm.s32 $0x1F80;
	[sflag:s16] =	ssyncset.done $0x0  }
0x93: {  	s28 =	simm.s32 $0x1F00;
	s26 =	simm.s32 $0x1E80;
	[sflag:s16] =	ssyncadd.s32 $0xFFFFC000  }
.LBB2_4:
0x94: {  	[tilespmem:s3], [sflag:$0x3] =	stream.linear.gather [hbm4b:s10+s3], $0x4000, $0x38;
	[tilespmem:$0x1FC00] =	vst v63  }
0x95: {  	_ =	swait.ge [sflag:s16], $0x4000  }
0x96: {  	[sflag:s16] =	ssyncset.done $0x0  }
0x97: {  	[sflag:s16] =	ssyncadd.s32 $0xFFFFC000  }
0x98: {  	[tilespmem:s15], [sflag:$0x1] =	stream.indirect.gather [hbm4b:s4+s17], $0x80, s3, s17, $0xb8;
	[tilespmem:$0x1FC00] =	vst v63  }
0x99: {  	s25 =	simm.s32 $0x100  }
0x9a: {  	[tilespmem:s18], [sflag:$0x2] =	stream.indirect.gather [hbm4b:s4+s17], $0x80, s25, s17, $0xb8;
	[tilespmem:$0x1FC00] =	vst v63  }
0x9b: {  	_ =	swait.ge [sflag:s19], $0x4000  }
0x9c: {  	[sflag:s19] =	ssyncset.done $0x0  }
0x9d: {  	s29 =	simm.s32 $0x80;
	[sflag:s19] =	ssyncadd.s32 $0xFFFFC000  }
0x9e: {  	[spmem:s2] =	stream.indirect.scatter.add.f32 [tilespmem:s15], [sflag:$0x3], $0x80, s29, s17, $0xb8;
	[tilespmem:$0x1FC00] =	vst v63  }
0x9f: {  	_ =	swait.ge [sflag:s16], $0x4000  }
0xa0: {  	[sflag:s16] =	ssyncset.done $0x0  }
0xa1: {  	s30 =	simm.s32 $0x200;
	[sflag:s16] =	ssyncadd.s32 $0xFFFFC000  }
0xa2: {  	[tilespmem:s15], [sflag:$0x1] =	stream.indirect.gather [hbm4b:s4+s17], $0x80, s30, s17, $0xb8;
	[tilespmem:$0x1FC00] =	vst v63  }
0xa3: {  	_ =	swait.ge [sflag:s20], $0x4000  }
0xa4: {  	[sflag:s20] =	ssyncset.done $0x0  }
0xa5: {  	s31 =	simm.s32 $0x180;
	[sflag:s20] =	ssyncadd.s32 $0xFFFFC000  }
0xa6: {  	[spmem:s2] =	stream.indirect.scatter.add.f32 [tilespmem:s18], [sflag:$0x3], $0x80, s31, s17, $0xb8;
	[tilespmem:$0x1FC00] =	vst v63  }
0xa7: {  	_ =	swait.ge [sflag:s16], $0x4000  }
0xa8: {  	s26 =	simm.s32 $0xFFFF1800;
	s25 =	simm.s32 $0xFFFFC400;
	[sflag:s16] =	ssyncset.done $0x0  }
.LBB2_5:
0xa9: {  	s28 =	sadd.s32 $0x3F00, s25  }
0xaa: {  	[sflag:s16] =	ssyncadd.s32 $0xFFFFC000;
	s29 =	smov.u32 s26;
	s30 =	sadd.s32 $0x800, s26  }
0xab: {  	[tilespmem:s18], [sflag:$0x2] =	stream.indirect.gather [hbm4b:s4+s17], $0x80, s28, s17, $0xb8;
	[tilespmem:$0x1FC00] =	vst v63  }
0xac: {  	p1 =	sne.s32 s26, $0xFFFFF800;
	_ =	swait.ge [sflag:s19], $0x4000  }
0xad: {  	[sflag:s19] =	ssyncset.done $0x0  }
0xae: {  	s26 =	sadd.s32 $0x3E80, s25;
	[sflag:s19] =	ssyncadd.s32 $0xFFFFC000  }
0xaf: {  	[spmem:s2] =	stream.indirect.scatter.add.f32 [tilespmem:s15], [sflag:$0x3], $0x80, s26, s17, $0xb8;
	[tilespmem:$0x1FC00] =	vst v63  }
0xb0: {  	_ =	swait.ge [sflag:s16], $0x4000  }
0xb1: {  	[sflag:s16] =	ssyncset.done $0x0  }
0xb2: {  	s26 =	sadd.s32 $0x4000, s25;
	[sflag:s16] =	ssyncadd.s32 $0xFFFFC000  }
0xb3: {  	[tilespmem:s15], [sflag:$0x1] =	stream.indirect.gather [hbm4b:s4+s17], $0x80, s26, s17, $0xb8;
	[tilespmem:$0x1FC00] =	vst v63  }
0xb4: {  	_ =	swait.ge [sflag:s20], $0x4000  }
.Ltmp6:
0xb5: {  	[sflag:s20] =	ssyncset.done $0x0;
	(pc) =	sbr.rel @p1 .LBB2_5-.Ltmp6, $4  }
0xb6: {  	s25 =	sadd.s32 $0x3F80, s25;
	[sflag:s20] =	ssyncadd.s32 $0xFFFFC000  }
0xb7: {  	[spmem:s2] =	stream.indirect.scatter.add.f32 [tilespmem:s18], [sflag:$0x3], $0x80, s25, s17, $0xb8;
	[tilespmem:$0x1FC00] =	vst v63  }
0xb8: {  	_ =	swait.ge [sflag:s16], $0x4000  }
0xb9: {  	s26 =	smov.u32 s30;
	s25 =	sshra.s32 s29, $0x2;
	[sflag:s16] =	ssyncset.done $0x0  }
0xba: {  	s26 =	sadd.s32 $0x3F00, s25;
	[sflag:s16] =	ssyncadd.s32 $0xFFFFC000  }
0xbb: {  	[tilespmem:s18], [sflag:$0x2] =	stream.indirect.gather [hbm4b:s4+s17], $0x80, s26, s17, $0xb8;
	[tilespmem:$0x1FC00] =	vst v63  }
0xbc: {  	_ =	swait.ge [sflag:s19], $0x4000  }
0xbd: {  	[sflag:s19] =	ssyncset.done $0x0  }
0xbe: {  	s29 =	sadd.s32 $0x3E80, s25;
	[sflag:s19] =	ssyncadd.s32 $0xFFFFC000  }
0xbf: {  	[spmem:s2] =	stream.indirect.scatter.add.f32 [tilespmem:s15], [sflag:$0x3], $0x80, s29, s17, $0xb8;
	[tilespmem:$0x1FC00] =	vst v63  }
0xc0: {  	_ =	swait.ge [sflag:s16], $0x4000  }
0xc1: {  	[sflag:s16] =	ssyncset.done $0x0  }
0xc2: {  	s30 =	sadd.s32 $0x4000, s25;
	[sflag:s16] =	ssyncadd.s32 $0xFFFFC000  }
0xc3: {  	[tilespmem:s15], [sflag:$0x1] =	stream.indirect.gather [hbm4b:s4+s17], $0x80, s30, s17, $0xb8;
	[tilespmem:$0x1FC00] =	vst v63  }
0xc4: {  	_ =	swait.ge [sflag:s20], $0x4000  }
0xc5: {  	[sflag:s20] =	ssyncset.done $0x0  }
0xc6: {  	s31 =	sadd.s32 $0x3F80, s25;
	[sflag:s20] =	ssyncadd.s32 $0xFFFFC000  }
0xc7: {  	[spmem:s2] =	stream.indirect.scatter.add.f32 [tilespmem:s18], [sflag:$0x3], $0x80, s31, s17, $0xb8;
	[tilespmem:$0x1FC00] =	vst v63  }
0xc8: {  	_ =	swait.ge [sflag:s16], $0x4000  }
0xc9: {  	[sflag:s16] =	ssyncset.done $0x0  }
0xca: {  	[sflag:s16] =	ssyncadd.s32 $0xFFFFC000  }
0xcb: {  	[tilespmem:s18], [sflag:$0x2] =	stream.indirect.gather [hbm4b:s4+s17], $0x80, s21, s17, $0xb8;
	[tilespmem:$0x1FC00] =	vst v63  }
0xcc: {  	_ =	swait.ge [sflag:s19], $0x4000  }
0xcd: {  	[sflag:s19] =	ssyncset.done $0x0  }
0xce: {  	[sflag:s19] =	ssyncadd.s32 $0xFFFFC000  }
0xcf: {  	[spmem:s2] =	stream.indirect.scatter.add.f32 [tilespmem:s15], [sflag:$0x3], $0x80, s22, s17, $0xb8;
	[tilespmem:$0x1FC00] =	vst v63  }
0xd0: {  	_ =	swait.ge [sflag:s16], $0x4000  }
0xd1: {  	[sflag:s16] =	ssyncset.done $0x0  }
0xd2: {  	[sflag:s16] =	ssyncadd.s32 $0xFFFFC000  }
0xd3: {  	_ =	swait.ge [sflag:s20], $0x4000  }
0xd4: {  	[sflag:s20] =	ssyncset.done $0x0  }
0xd5: {  	[sflag:s20] =	ssyncadd.s32 $0xFFFFC000  }
0xd6: {  	[spmem:s2] =	stream.indirect.scatter.add.f32 [tilespmem:s18], [sflag:$0x3], $0x80, s23, s17, $0xb8;
	[tilespmem:$0x1FC00] =	vst v63  }
0xd7: {  	_ =	swait.ge [sflag:s16], $0x4000  }
0xd8: {  	[sflag:s16] =	ssyncset.done $0x0  }
0xd9: {  	p2 =	por $0x0, $0x0;
	[sflag:s16] =	ssyncadd.s32 $0xFFFFC000  }
0xda: {  	[tilespmem:s3], [sflag:$0x3] =	stream.linear.gather [hbm4b:s11+s3], $0x4000, $0x38;
	[tilespmem:$0x1FC00] =	vst v63  }
.Ltmp7:
0xdb: {  	_ = 	snop;
	(pc) =	sbr.rel @p2 .LBB2_9-.Ltmp7, $4  }
0xdc: {  	_ =	swait.ge [sflag:s16], $0x4000  }
0xdd: {  	[sflag:s16] =	ssyncset.done $0x0  }
0xde: {  	s25 =	simm.s32 $0xFFFFC200;
	p1 =	por $0x0, $0x0;
	[sflag:s16] =	ssyncadd.s32 $0xFFFFC000  }
0xdf: {  	[tilespmem:s15], [sflag:$0x1] =	stream.indirect.gather [hbm4b:s4+s17], $0x80, s3, s17, $0xb8;
	[tilespmem:$0x1FC00] =	vst v63  }
0xe0: {  	s25 =	simm.s32 $0x100  }
0xe1: {  	[tilespmem:s18], [sflag:$0x2] =	stream.indirect.gather [hbm4b:s4+s17], $0x80, s25, s17, $0xb8;
	[tilespmem:$0x1FC00] =	vst v63  }
0xe2: {  	_ =	swait.ge [sflag:s19], $0x4000  }
0xe3: {  	[sflag:s19] =	ssyncset.done $0x0  }
0xe4: {  	s29 =	simm.s32 $0x80;
	[sflag:s19] =	ssyncadd.s32 $0xFFFFC000  }
0xe5: {  	[spmem:s2] =	stream.indirect.scatter.add.f32 [tilespmem:s15], [sflag:$0x3], $0x80, s29, s17, $0xb8;
	[tilespmem:$0x1FC00] =	vst v63  }
0xe6: {  	_ =	swait.ge [sflag:s16], $0x4000  }
0xe7: {  	[sflag:s16] =	ssyncset.done $0x0  }
0xe8: {  	s30 =	simm.s32 $0x200;
	[sflag:s16] =	ssyncadd.s32 $0xFFFFC000  }
0xe9: {  	[tilespmem:s15], [sflag:$0x1] =	stream.indirect.gather [hbm4b:s4+s17], $0x80, s30, s17, $0xb8;
	[tilespmem:$0x1FC00] =	vst v63  }
0xea: {  	p2 =	por $0x0, $0x0;
	_ =	swait.ge [sflag:s20], $0x4000  }
.Ltmp8:
0xeb: {  	[sflag:s20] =	ssyncset.done $0x0;
	(pc) =	sbr.rel @p2 .LBB2_9-.Ltmp8, $4  }
0xec: {  	s31 =	simm.s32 $0x180;
	[sflag:s20] =	ssyncadd.s32 $0xFFFFC000  }
0xed: {  	[spmem:s2] =	stream.indirect.scatter.add.f32 [tilespmem:s18], [sflag:$0x3], $0x80, s31, s17, $0xb8;
	[tilespmem:$0x1FC00] =	vst v63  }
0xee: {  	s26 =	simm.s32 $0xFFFF1800;
	_ =	swait.ge [sflag:s16], $0x4000  }
0xef: {  	p1 =	por $0x1, $0x1;
	s25 =	simm.s32 $0xFFFFC400;
	[sflag:s16] =	ssyncset.done $0x0  }
.LBB2_8:
0xf0: {  	s28 =	sadd.s32 $0x3F00, s25  }
0xf1: {  	[sflag:s16] =	ssyncadd.s32 $0xFFFFC000;
	s29 =	smov.u32 s26;
	s30 =	sadd.s32 $0x800, s26  }
0xf2: {  	[tilespmem:s18], [sflag:$0x2] =	stream.indirect.gather [hbm4b:s4+s17], $0x80, s28, s17, $0xb8;
	[tilespmem:$0x1FC00] =	vst v63  }
0xf3: {  	p2 =	seq.s32 s26, $0xFFFFF800;
	_ =	swait.ge [sflag:s19], $0x4000  }
0xf4: {  	[sflag:s19] =	ssyncset.done $0x0  }
0xf5: {  	s26 =	sadd.s32 $0x3E80, s25;
	[sflag:s19] =	ssyncadd.s32 $0xFFFFC000  }
0xf6: {  	[spmem:s2] =	stream.indirect.scatter.add.f32 [tilespmem:s15], [sflag:$0x3], $0x80, s26, s17, $0xb8;
	[tilespmem:$0x1FC00] =	vst v63  }
0xf7: {  	_ =	swait.ge [sflag:s16], $0x4000  }
0xf8: {  	[sflag:s16] =	ssyncset.done $0x0  }
0xf9: {  	s26 =	sadd.s32 $0x4000, s25;
	[sflag:s16] =	ssyncadd.s32 $0xFFFFC000  }
0xfa: {  	[tilespmem:s15], [sflag:$0x1] =	stream.indirect.gather [hbm4b:s4+s17], $0x80, s26, s17, $0xb8;
	[tilespmem:$0x1FC00] =	vst v63  }
0xfb: {  	_ =	swait.ge [sflag:s20], $0x4000  }
.Ltmp9:
0xfc: {  	[sflag:s20] =	ssyncset.done $0x0;
	(pc) =	sbr.rel @!p2 .LBB2_8-.Ltmp9, $4  }
0xfd: {  	s25 =	sadd.s32 $0x3F80, s25;
	[sflag:s20] =	ssyncadd.s32 $0xFFFFC000  }
0xfe: {  	[spmem:s2] =	stream.indirect.scatter.add.f32 [tilespmem:s18], [sflag:$0x3], $0x80, s25, s17, $0xb8;
	[tilespmem:$0x1FC00] =	vst v63  }
0xff: {  	_ =	swait.ge [sflag:s16], $0x4000  }
0x100: {  	s26 =	smov.u32 s30;
	s25 =	sshra.s32 s29, $0x2;
	[sflag:s16] =	ssyncset.done $0x0  }
.Ltmp10:
0x101: {  	_ = 	snop;
	(pc) =	sbr.rel .LBB2_9-.Ltmp10, $1  }
0x102: {  	_ =	sdelay $0x3  }
.LBB2_14:
0x103: {  	_ =	sfence.sel $0x180000  }
0x104: {  	[bflag:$0x0] =	sbarrier.arrive $0xFFFF  }
0x105: {  	p0 =	sne.s32 s1, $0x0;
	_ =	strace $0x90000047  }
0x106: {  	s0 =	sadd.s32 @!p0 $0x100000, s0;
	[bflag:$0x2] =	sbarrier.arrive $0xFFFF  }
0x107: {  	[sflag:s0] =	ssyncadd.tile.s32 @!p0 $0x1;
	_ =	shalt  }
.Lfunc_end2:
_tile_overlayer_lowered:
.L_overlay_start_2:
0x108: {  	(tag) =	ssettag $0x2  }
0x109: {  	s0 =	rddreg [dreg:$0x0];
	s2 =	stileid.u32  }
0x10a: {  	s1 =	rddreg [dreg:$0x1];
	p0 =	sne.s32 s2, $0x0  }
0x10b: {  	s3 =	rddreg [dreg:$0x2];
	[bflag:$0x3] =	sbarrier.arrive $0xFFFF;
	s2 =	simm.s32 @!p0 $0x1C03  }
0x10c: {  	[timem:s3], [sflag:s2] =	dma.local @!p0 [hbm:s0], s1  }
0x10d: {  	s0 =	simm.s32 @!p0 $0x3  }
0x10e: {  	_ =	swait.ge @!p0 [sflag:s0], s1  }
0x10f: {  	s1 =	ssub.s32 @!p0 $0x0, s1;
	[sflag:s0] =	ssyncset.done @!p0 $0x0  }
0x110: {  	[sflag:s0] =	ssyncadd.s32 @!p0 s1  }
0x111: {  	[bflag:$0x3] =	sbarrier.arrive $0xFFFF  }
0x112: {  	_ =	shalt  }

</sc_bundles>
